<compile_context>
chip_gen: v7x
topology: tpu7x:2x2x1
jax: 0.10.2.dev20260603
libtpu: 0.0.44.dev20260713+nightly
codegen_flags: <defaults>
</compile_context>

<pallas_src>
import functools

import jax
import jax.numpy as jnp
from jax import lax
from jax.experimental import pallas as pl
from jax.experimental.pallas import tpu as pltpu
from jax.experimental.pallas import tpu_sc as plsc

N = 4096
E = 131072
D = 512
H1 = 256
H2 = 128
H3 = 256
AR = 0.5

NC = 2
NS = 16
NW = NC * NS
CHUNK = 128
SCW = 128

BM = 512
GRID = N // BM

PREC = lax.Precision.DEFAULT


def _dot(a, b, prec=PREC):
    return lax.dot_general(a, b, (((1,), (0,)), ((), ())), precision=prec,
                           preferred_element_type=jnp.float32)


def _dot_t(a, b, prec=PREC):
    return lax.dot_general(a, b, (((1,), (1,)), ((), ())), precision=prec,
                           preferred_element_type=jnp.float32)



def _sc_gather_scatter(table, src, dst, an, gather=True):
    ne = src.shape[0]
    epw = ne // NW
    nch = epw // CHUNK
    rpt = an // NS
    src2d = src.reshape(NW, nch, CHUNK)
    dst2d = dst.reshape(NW, nch, CHUNK)
    mesh = plsc.VectorSubcoreMesh(core_axis_name="c", subcore_axis_name="s")

    @functools.partial(
        pl.kernel,
        mesh=mesh,
        out_type=jax.ShapeDtypeStruct((NC, an, SCW), jnp.float32),
        scratch_types=[
            pltpu.VMEM((nch, CHUNK), jnp.int32),
            pltpu.VMEM((nch, CHUNK), jnp.int32),
            pltpu.VMEM((2, CHUNK, SCW), jnp.float32),
            pltpu.VMEM_SHARED((an, SCW), jnp.float32),
            pltpu.SemaphoreType.DMA,
            pltpu.SemaphoreType.DMA,
        ],
    )
    def k(table_hbm, src_hbm, dst_hbm, zeros_hbm, out_hbm, sidx, didx, rows,
          acc, sem0, sem1):
        c = lax.axis_index("c")
        s = lax.axis_index("s")
        wid = s * NC + c
        pltpu.sync_copy(zeros_hbm, acc.at[pl.ds(s * rpt, rpt)])
        pltpu.sync_copy(dst_hbm.at[wid], didx)
        if gather:
            pltpu.sync_copy(src_hbm.at[wid], sidx)
        else:
            pltpu.sync_copy(table_hbm, rows.at[0])
        plsc.subcore_barrier()

        if gather:
            sems = (sem0, sem1)

            def gdesc(i, b):
                return pltpu.make_async_copy(
                    table_hbm.at[sidx.at[i]], rows.at[b], sems[b])

            for b in range(2):
                gdesc(b, b).start()

            def body(j, carry):
                for b in range(2):
                    i = j * 2 + b
                    gdesc(i, b).wait()
                    pltpu.sync_copy(rows.at[b], acc.at[didx.at[i]], add=True)

                    @pl.when(i + 2 < nch)
                    def _():
                        gdesc(i + 2, b).start()
                return carry

            lax.fori_loop(0, nch // 2, body, 0)
        else:
            def sdesc(i):
                return pltpu.make_async_copy(
                    rows.at[0], acc.at[didx.at[i]], sem0)

            def fire(i, carry):
                sdesc(i).start(add=True)
                return carry

            def drain(i, carry):
                sdesc(i).wait()
                return carry

            lax.fori_loop(0, nch, fire, 0)
            lax.fori_loop(0, nch, drain, 0)

        plsc.subcore_barrier()
        pltpu.sync_copy(acc.at[pl.ds(s * rpt, rpt)],
                        out_hbm.at[c, pl.ds(s * rpt, rpt)])

    return k(table, src2d, dst2d, jnp.zeros((rpt, SCW), jnp.float32))



def _full(shape):
    nd = len(shape)
    return pl.BlockSpec(shape, lambda i, _nd=nd: (0,) * _nd)


def _rows(shape_blk, axis=0):
    def imap(i):
        idx = [0] * len(shape_blk)
        idx[axis] = i
        return tuple(idx)
    return pl.BlockSpec(shape_blk, imap)


def _dinv_from_partials(degp_blk):
    deg = jnp.sum(degp_blk, axis=(0, 2)) * (1.0 / SCW) + 1.0
    return lax.rsqrt(deg)


def _mm_xw(x, wcat):
    def kfn(x_ref, w_ref, h0st_ref, v2_ref):
        t = _dot(x_ref[...], w_ref[...])
        h0st_ref[0] = t[:, :SCW]
        h0st_ref[1] = t[:, SCW:H1]
        v2_ref[...] = t[:, H1:]

    return pl.pallas_call(
        kfn,
        grid=(GRID,),
        in_specs=[_rows((BM, D)), _full((D, H1 + H3))],
        out_specs=(_rows((2, BM, SCW), axis=1), _rows((BM, H3))),
        out_shape=(jax.ShapeDtypeStruct((2, N, SCW), jnp.float32),
                   jax.ShapeDtypeStruct((N, H3), jnp.float32)),
    )(x, wcat)


def _mm_scale_h0(degp, h0st):
    def kfn(degp_ref, h0_ref, o_ref):
        dinv = _dinv_from_partials(degp_ref[...])
        o_ref[...] = h0_ref[...] * dinv[None, :, None]

    return pl.pallas_call(
        kfn,
        grid=(GRID,),
        in_specs=[_rows((NC, BM, SCW), axis=1), _rows((2, BM, SCW), axis=1)],
        out_specs=_rows((2, BM, SCW), axis=1),
        out_shape=jax.ShapeDtypeStruct((2, N, SCW), jnp.float32),
    )(degp, h0st)


def _mm_hidden(degp, p1d, h0pst, wmu):
    def kfn(degp_ref, p1_ref, h0p_ref, wmu_ref, hz_ref, hzp_ref):
        dinv = _dinv_from_partials(degp_ref[...])
        left = p1_ref[0, 0] + p1_ref[1, 0] + h0p_ref[0]
        right = p1_ref[0, 1] + p1_ref[1, 1] + h0p_ref[1]
        hidden1 = jax.nn.relu(
            jnp.concatenate([left, right], axis=1) * dinv[:, None])
        hz = _dot(hidden1, wmu_ref[...])
        hz_ref[...] = hz
        hzp_ref[...] = hz * dinv[:, None]

    return pl.pallas_call(
        kfn,
        grid=(GRID,),
        in_specs=[_rows((NC, BM, SCW), axis=1),
                  _rows((NC, 2, BM, SCW), axis=2),
                  _rows((2, BM, SCW), axis=1), _full((H1, H2))],
        out_specs=(_rows((BM, H2)), _rows((BM, H2))),
        out_shape=(jax.ShapeDtypeStruct((N, H2), jnp.float32),
                   jax.ShapeDtypeStruct((N, H2), jnp.float32)),
    )(degp, p1d, h0pst, wmu)


def _mm_z(degp, p2, hzp, wl1):
    def kfn(degp_ref, p2_ref, hzp_ref, wl1_ref, z_ref, zb_ref, v1_ref):
        dinv = _dinv_from_partials(degp_ref[...])
        z = (p2_ref[0] + p2_ref[1] + hzp_ref[...]) * dinv[:, None]
        z_ref[...] = z
        zb_ref[...] = z.astype(jnp.bfloat16)
        v1_ref[...] = _dot(z, wl1_ref[...])

    return pl.pallas_call(
        kfn,
        grid=(GRID,),
        in_specs=[_rows((NC, BM, SCW), axis=1), _rows((NC, BM, H2), axis=1),
                  _rows((BM, H2)), _full((H2, H3))],
        out_specs=(_rows((BM, H2)), _rows((BM, H2)), _rows((BM, H3))),
        out_shape=(jax.ShapeDtypeStruct((N, H2), jnp.float32),
                   jax.ShapeDtypeStruct((N, H2), jnp.bfloat16),
                   jax.ShapeDtypeStruct((N, H3), jnp.float32)),
    )(degp, p2, hzp, wl1)


def _mm_sig(zb16, v1, v2):
    def kfn(zb_ref, zf_ref, v1_ref, v2_ref, s_ref, d_ref, dv1_ref, dv2_ref):
        logits = _dot_t(zb_ref[...], zf_ref[...])
        sig = jax.nn.sigmoid(logits)
        s_ref[...] = sig.astype(jnp.bfloat16)
        d = lax.rsqrt(jnp.sum(sig, axis=1))
        d_ref[...] = d.reshape(1, 1, BM)
        dv1_ref[...] = (v1_ref[...] * d[:, None]).astype(jnp.bfloat16)
        dv2_ref[...] = (v2_ref[...] * d[:, None]).astype(jnp.bfloat16)

    return pl.pallas_call(
        kfn,
        grid=(GRID,),
        in_specs=[_rows((BM, H2)), _full((N, H2)), _rows((BM, H3)),
                  _rows((BM, H3))],
        out_specs=(_rows((BM, N)), _rows((1, 1, BM)), _rows((BM, H3)),
                   _rows((BM, H3))),
        out_shape=(jax.ShapeDtypeStruct((N, N), jnp.bfloat16),
                   jax.ShapeDtypeStruct((GRID, 1, BM), jnp.float32),
                   jax.ShapeDtypeStruct((N, H3), jnp.bfloat16),
                   jax.ShapeDtypeStruct((N, H3), jnp.bfloat16)),
    )(zb16, zb16, v1, v2)


def _mm_feedback(s, dv1, dv2, dvec, wl2):
    def kfn(s_ref, dv1_ref, dv2_ref, d_ref, wl2_ref, w2_ref):
        a1 = _dot(s_ref[...], dv1_ref[...])
        a2 = _dot(s_ref[...], dv2_ref[...])
        d = d_ref[0, 0, :]
        u = (jax.nn.relu(a1) + jax.nn.relu(a2)) * d[:, None]
        w2 = _dot(u.astype(jnp.bfloat16), wl2_ref[...].astype(jnp.bfloat16))
        w2_ref[...] = (w2 * d[:, None]).astype(jnp.bfloat16)

    return pl.pallas_call(
        kfn,
        grid=(GRID,),
        in_specs=[_rows((BM, N)), _full((N, H3)), _full((N, H3)),
                  _rows((1, 1, BM)), _full((H3, H2))],
        out_specs=_rows((BM, H2)),
        out_shape=jax.ShapeDtypeStruct((N, H2), jnp.bfloat16),
    )(s, dv1, dv2, dvec, wl2)


def _mm_update(s, w2, z, dvec):
    def kfn(s_ref, w2_ref, z_ref, d_ref, o_ref):
        d = d_ref[0, 0, :]
        upd = _dot(s_ref[...], w2_ref[...]) * d[:, None]
        o_ref[...] = ((1.0 - AR) * z_ref[...] + AR * upd).astype(jnp.bfloat16)

    return pl.pallas_call(
        kfn,
        grid=(GRID,),
        in_specs=[_rows((BM, N)), _full((N, H2)), _rows((BM, H2)),
                  _rows((1, 1, BM))],
        out_specs=_rows((BM, H2)),
        out_shape=jax.ShapeDtypeStruct((N, H2), jnp.bfloat16),
    )(s, w2, z, dvec)


def _mm_outer(upd):
    def kfn(ub_ref, uf_ref, o_ref):
        t = _dot_t(ub_ref[...], uf_ref[...])
        o_ref[...] = t.reshape(BM, N // SCW, SCW)

    return pl.pallas_call(
        kfn,
        grid=(GRID,),
        in_specs=[_rows((BM, H2)), _full((N, H2))],
        out_specs=_rows((BM, N // SCW, SCW)),
        out_shape=jax.ShapeDtypeStruct((N, N // SCW, SCW), jnp.float32),
    )(upd, upd)



def kernel(x, edge_index, W_enc0, W_mu, W_logstd, W_l0, W_l1, W_l2):
    src = edge_index[0].astype(jnp.int32)
    dst = edge_index[1].astype(jnp.int32)

    ones_blk = jnp.ones((CHUNK, SCW), jnp.float32)
    degp = _sc_gather_scatter(ones_blk, dst, dst, N, gather=False)

    h0st, v2 = _mm_xw(x, jnp.concatenate([W_enc0, W_l0], axis=1))
    h0pst = _mm_scale_h0(degp, h0st)

    src2 = jnp.concatenate([src, src + N])
    dst2 = jnp.concatenate([dst, dst + N])
    p1d = _sc_gather_scatter(h0pst.reshape(2 * N, SCW), src2, dst2, 2 * N)
    hz, hzp = _mm_hidden(degp, p1d.reshape(NC, 2, N, SCW), h0pst, W_mu)
    p2 = _sc_gather_scatter(hzp, src, dst, N)
    z, zb16, v1 = _mm_z(degp, p2, hzp, W_l1)

    s, dvec, dv1, dv2 = _mm_sig(zb16, v1, v2)
    w2 = _mm_feedback(s, dv1, dv2, dvec, W_l2)
    upd = _mm_update(s, w2, z, dvec)
    out = _mm_outer(upd)
    return out.reshape(-1)

# --- scband reference (transcript-rebuilt; emitter-appended) ---
"""Pipeline reference for scband-gcnmodel-feedback-34059090657427 (READ-ONLY COPY).

The authoritative reference and input builder live on the scoring server;
editing this copy changes nothing except your own understanding.
"""

import jax, jax.numpy as jnp
import numpy as np

N = 4096
E = 131072
D = 512
H1 = 256
H2 = 128
H3 = 256
AR_SCALAR = 0.5


def setup_inputs(seed: int = 0) -> dict:
    key = jax.random.key(seed)
    ks = jax.random.split(key, 9)
    x = jax.random.normal(ks[0], (N, D), dtype=jnp.float32)
    edge_index = jax.random.randint(ks[1], (2, E), 0, N)
    W_enc0 = jax.random.normal(ks[2], (D, H1), dtype=jnp.float32) * 0.05
    W_mu = jax.random.normal(ks[3], (H1, H2), dtype=jnp.float32) * 0.05
    W_logstd = jax.random.normal(ks[4], (H1, H2), dtype=jnp.float32) * 0.05
    W_l0 = jax.random.normal(ks[5], (D, H3), dtype=jnp.float32) * 0.05
    W_l1 = jax.random.normal(ks[6], (H2, H3), dtype=jnp.float32) * 0.05
    W_l2 = jax.random.normal(ks[7], (H3, H2), dtype=jnp.float32) * 0.05
    return {"x": x, "edge_index": edge_index, "W_enc0": W_enc0, "W_mu": W_mu,
            "W_logstd": W_logstd, "W_l0": W_l0, "W_l1": W_l1, "W_l2": W_l2}


def reference(x, edge_index, W_enc0, W_mu, W_logstd, W_l0, W_l1, W_l2):
    src = edge_index[0]
    dst = edge_index[1]
    # symmetric GCN normalization with self-loops: A_hat = D^-1/2 (A + I) D^-1/2
    deg = jnp.zeros((N,), jnp.float32).at[dst].add(1.0) + 1.0
    dinv = deg ** -0.5
    norm_e = dinv[src] * dinv[dst]
    norm_self = dinv * dinv

    def spmm(h):
        msgs = h[src] * norm_e[:, None]
        agg = jax.ops.segment_sum(msgs, dst, num_segments=N)
        return agg + h * norm_self[:, None]

    # encoder (GraphConvolutionSparse -> GraphConvolution x2)
    hidden1 = jax.nn.relu(spmm(x @ W_enc0))
    z_mean = spmm(hidden1 @ W_mu)
    z_log_std = spmm(hidden1 @ W_logstd)
    # FLAGS.vae = False -> noiseless latent
    z = z_mean

    # decoder: inner product -> sigmoid -> degree normalize -> dense GCN feedback
    recon = jax.nn.sigmoid(z @ z.T)
    d = jnp.sum(recon, axis=1) ** -0.5
    recon = d[None, :] * recon * d[:, None]
    # l1 on (z, recon), l0 on (inputs, recon): act = relu
    update = jax.nn.relu(recon @ (z @ W_l1)) + jax.nn.relu(recon @ (x @ W_l0))
    # l2: identity activation
    update = recon @ (update @ W_l2)
    update = (1.0 - AR_SCALAR) * z + AR_SCALAR * update
    reconstructions = (update @ update.T).reshape(-1)
    return reconstructions

if __name__ == "__main__":
    import jax
    _d = setup_inputs()
    print(jax.jit(kernel)(*tuple(_d.values())))

</pallas_src>

<mosaic_0001>
#map = affine_map<(d0, d1) -> (0, 0)>
#map1 = affine_map<(d0, d1) -> (0, 0, 0)>
module attributes {stable_mosaic.version = 14 : i64} {
  func.func @k(%arg0: i32, %arg1: i32, %arg2: memref<4096x128xf32, #tpu.memory_space<hbm>>, %arg3: memref<32x32x128xi32, #tpu.memory_space<hbm>>, %arg4: memref<32x32x128xi32, #tpu.memory_space<hbm>>, %arg5: memref<256x128xf32, #tpu.memory_space<hbm>>, %arg6: memref<2x4096x128xf32, #tpu.memory_space<hbm>>, %arg7: memref<32x128xi32, #tpu.memory_space<vmem>>, %arg8: memref<32x128xi32, #tpu.memory_space<vmem>>, %arg9: memref<2x128x128xf32, #tpu.memory_space<vmem>>, %arg10: memref<4096x128xf32, #tpu.memory_space<vmem_shared>>, %arg11: memref<!tpu.dma_semaphore, #tpu.memory_space<semaphore_mem>>, %arg12: memref<!tpu.dma_semaphore, #tpu.memory_space<semaphore_mem>>) attributes {dimension_semantics = [#tpu.dimension_semantics<core_parallel>, #tpu.dimension_semantics<subcore_parallel>], iteration_bounds = array<i64: 2, 16>, scalar_prefetch = 0 : i64, scratch_operands = 6 : i64, tpu.core_type = #tpu.core_type<sc_vector_subcore>, window_params = [{transform_indices = #map}, {transform_indices = #map1}, {transform_indices = #map1}, {transform_indices = #map}, {transform_indices = #map1}]} {
    %mul3A = arith.constant 2 : i32
    %mul3A_0 = arith.muli %arg1, %mul3A : i32
    %add3A = arith.addi %mul3A_0, %arg0 : i32
    %mul3A_1 = arith.constant 256 : i32
    %mul3A_2 = arith.muli %arg1, %mul3A_1 : i32
    "tpu.region"() ({
      %run_scoped3A = tpu.sem_alloc : memref<!tpu.dma_semaphore, #tpu.memory_space<semaphore_mem>>
      %dma_start3A_36 = arith.constant 0 : i32
      %dma_start3A_37 = tpu.memref_slice %arg10[%mul3A_2, %dma_start3A_36] : memref<4096x128xf32, #tpu.memory_space<vmem_shared>> -> memref<256x128xf32, #tpu.memory_space<vmem_shared>>
      tpu.enqueue_dma source(%arg5 : memref<256x128xf32, #tpu.memory_space<hbm>>) target(%dma_start3A_37 : memref<256x128xf32, #tpu.memory_space<vmem_shared>>) target_semaphore(%run_scoped3A : memref<!tpu.dma_semaphore, #tpu.memory_space<semaphore_mem>>)
      %dma_wait3A = arith.constant 0 : i32
      %dma_wait3A_38 = tpu.memref_slice %arg10[%mul3A_2, %dma_wait3A] : memref<4096x128xf32, #tpu.memory_space<vmem_shared>> -> memref<256x128xf32, #tpu.memory_space<vmem_shared>>
      tpu.wait_dma2 semaphore(%run_scoped3A : memref<!tpu.dma_semaphore, #tpu.memory_space<semaphore_mem>>) src(%arg5 : memref<256x128xf32, #tpu.memory_space<hbm>>) dst(%dma_wait3A_38 : memref<256x128xf32, #tpu.memory_space<vmem_shared>>)
      tpu.yield
    }) : () -> ()
    "tpu.region"() ({
      %run_scoped3A = tpu.sem_alloc : memref<!tpu.dma_semaphore, #tpu.memory_space<semaphore_mem>>
      %dma_start3A_36 = arith.constant 0 : i32
      %dma_start3A_37 = arith.constant 0 : i32
      %dma_start3A_38 = tpu.memref_slice %arg4[%add3A, %dma_start3A_36, %dma_start3A_37] : memref<32x32x128xi32, #tpu.memory_space<hbm>> -> memref<1x32x128xi32, #tpu.memory_space<hbm>>
      %dma_start3A_39 = tpu.memref_squeeze %dma_start3A_38 : memref<1x32x128xi32, #tpu.memory_space<hbm>> -> memref<32x128xi32, #tpu.memory_space<hbm>>
      %dma_start3A_40 = arith.constant 0 : i32
      %dma_start3A_41 = arith.constant 0 : i32
      %dma_start3A_42 = tpu.memref_slice %arg4[%add3A, %dma_start3A_40, %dma_start3A_41] : memref<32x32x128xi32, #tpu.memory_space<hbm>> -> memref<1x32x128xi32, #tpu.memory_space<hbm>>
      %dma_start3A_43 = tpu.memref_squeeze %dma_start3A_42 : memref<1x32x128xi32, #tpu.memory_space<hbm>> -> memref<32x128xi32, #tpu.memory_space<hbm>>
      tpu.enqueue_dma source(%dma_start3A_43 : memref<32x128xi32, #tpu.memory_space<hbm>>) target(%arg8 : memref<32x128xi32, #tpu.memory_space<vmem>>) target_semaphore(%run_scoped3A : memref<!tpu.dma_semaphore, #tpu.memory_space<semaphore_mem>>)
      %dma_wait3A = arith.constant 0 : i32
      %dma_wait3A_44 = arith.constant 0 : i32
      %dma_wait3A_45 = tpu.memref_slice %arg4[%add3A, %dma_wait3A, %dma_wait3A_44] : memref<32x32x128xi32, #tpu.memory_space<hbm>> -> memref<1x32x128xi32, #tpu.memory_space<hbm>>
      %dma_wait3A_46 = tpu.memref_squeeze %dma_wait3A_45 : memref<1x32x128xi32, #tpu.memory_space<hbm>> -> memref<32x128xi32, #tpu.memory_space<hbm>>
      %dma_wait3A_47 = arith.constant 0 : i32
      %dma_wait3A_48 = arith.constant 0 : i32
      %dma_wait3A_49 = tpu.memref_slice %arg4[%add3A, %dma_wait3A_47, %dma_wait3A_48] : memref<32x32x128xi32, #tpu.memory_space<hbm>> -> memref<1x32x128xi32, #tpu.memory_space<hbm>>
      %dma_wait3A_50 = tpu.memref_squeeze %dma_wait3A_49 : memref<1x32x128xi32, #tpu.memory_space<hbm>> -> memref<32x128xi32, #tpu.memory_space<hbm>>
      tpu.wait_dma2 semaphore(%run_scoped3A : memref<!tpu.dma_semaphore, #tpu.memory_space<semaphore_mem>>) src(%dma_wait3A_50 : memref<32x128xi32, #tpu.memory_space<hbm>>) dst(%arg8 : memref<32x128xi32, #tpu.memory_space<vmem>>)
      tpu.yield
    }) : () -> ()
    "tpu.region"() ({
      %run_scoped3A = tpu.sem_alloc : memref<!tpu.dma_semaphore, #tpu.memory_space<semaphore_mem>>
      %dma_start3A_36 = arith.constant 0 : i32
      %dma_start3A_37 = arith.constant 0 : i32
      %dma_start3A_38 = tpu.memref_slice %arg3[%add3A, %dma_start3A_36, %dma_start3A_37] : memref<32x32x128xi32, #tpu.memory_space<hbm>> -> memref<1x32x128xi32, #tpu.memory_space<hbm>>
      %dma_start3A_39 = tpu.memref_squeeze %dma_start3A_38 : memref<1x32x128xi32, #tpu.memory_space<hbm>> -> memref<32x128xi32, #tpu.memory_space<hbm>>
      %dma_start3A_40 = arith.constant 0 : i32
      %dma_start3A_41 = arith.constant 0 : i32
      %dma_start3A_42 = tpu.memref_slice %arg3[%add3A, %dma_start3A_40, %dma_start3A_41] : memref<32x32x128xi32, #tpu.memory_space<hbm>> -> memref<1x32x128xi32, #tpu.memory_space<hbm>>
      %dma_start3A_43 = tpu.memref_squeeze %dma_start3A_42 : memref<1x32x128xi32, #tpu.memory_space<hbm>> -> memref<32x128xi32, #tpu.memory_space<hbm>>
      tpu.enqueue_dma source(%dma_start3A_43 : memref<32x128xi32, #tpu.memory_space<hbm>>) target(%arg7 : memref<32x128xi32, #tpu.memory_space<vmem>>) target_semaphore(%run_scoped3A : memref<!tpu.dma_semaphore, #tpu.memory_space<semaphore_mem>>)
      %dma_wait3A = arith.constant 0 : i32
      %dma_wait3A_44 = arith.constant 0 : i32
      %dma_wait3A_45 = tpu.memref_slice %arg3[%add3A, %dma_wait3A, %dma_wait3A_44] : memref<32x32x128xi32, #tpu.memory_space<hbm>> -> memref<1x32x128xi32, #tpu.memory_space<hbm>>
      %dma_wait3A_46 = tpu.memref_squeeze %dma_wait3A_45 : memref<1x32x128xi32, #tpu.memory_space<hbm>> -> memref<32x128xi32, #tpu.memory_space<hbm>>
      %dma_wait3A_47 = arith.constant 0 : i32
      %dma_wait3A_48 = arith.constant 0 : i32
      %dma_wait3A_49 = tpu.memref_slice %arg3[%add3A, %dma_wait3A_47, %dma_wait3A_48] : memref<32x32x128xi32, #tpu.memory_space<hbm>> -> memref<1x32x128xi32, #tpu.memory_space<hbm>>
      %dma_wait3A_50 = tpu.memref_squeeze %dma_wait3A_49 : memref<1x32x128xi32, #tpu.memory_space<hbm>> -> memref<32x128xi32, #tpu.memory_space<hbm>>
      tpu.wait_dma2 semaphore(%run_scoped3A : memref<!tpu.dma_semaphore, #tpu.memory_space<semaphore_mem>>) src(%dma_wait3A_50 : memref<32x128xi32, #tpu.memory_space<hbm>>) dst(%arg7 : memref<32x128xi32, #tpu.memory_space<vmem>>)
      tpu.yield
    }) : () -> ()
    %barrier3A = arith.constant 0 : index
    tpu.barrier barrier_id(%barrier3A)
    %dma_start3A = arith.constant 0 : i32
    %dma_start3A_3 = arith.constant 0 : i32
    %dma_start3A_4 = arith.constant 0 : i32
    %dma_start3A_5 = arith.constant 0 : i32
    %dma_start3A_6 = tpu.memref_slice %arg9[%dma_start3A_3, %dma_start3A_4, %dma_start3A_5] : memref<2x128x128xf32, #tpu.memory_space<vmem>> -> memref<1x128x128xf32, #tpu.memory_space<vmem>>
    %dma_start3A_7 = tpu.memref_squeeze %dma_start3A_6 : memref<1x128x128xf32, #tpu.memory_space<vmem>> -> memref<128x128xf32, #tpu.memory_space<vmem>>
    %dma_start3A_8 = arith.constant 0 : i32
    %dma_start3A_9 = tpu.memref_slice %arg7[%dma_start3A, %dma_start3A_8] : memref<32x128xi32, #tpu.memory_space<vmem>> -> memref<1x128xi32, #tpu.memory_space<vmem>>
    %dma_start3A_10 = tpu.memref_squeeze %dma_start3A_9 : memref<1x128xi32, #tpu.memory_space<vmem>> -> memref<128xi32, #tpu.memory_space<vmem>>
    %dma_start3A_11 = arith.constant 0 : i32
    %dma_start3A_12 = arith.constant 0 : i32
    %dma_start3A_13 = tpu.memref_slice %arg2[%dma_start3A_11, %dma_start3A_12] : memref<4096x128xf32, #tpu.memory_space<hbm>> -> memref<4096x128xf32, #tpu.memory_space<hbm>>
    tpu.enqueue_indirect_dma source(%dma_start3A_13 : memref<4096x128xf32, #tpu.memory_space<hbm>>) target(%dma_start3A_7 : memref<128x128xf32, #tpu.memory_space<vmem>>) offsets(%dma_start3A_10 : memref<128xi32, #tpu.memory_space<vmem>>) semaphore(%arg11 : memref<!tpu.dma_semaphore, #tpu.memory_space<semaphore_mem>>)
    %dma_start3A_14 = arith.constant 1 : i32
    %dma_start3A_15 = arith.constant 1 : i32
    %dma_start3A_16 = arith.constant 0 : i32
    %dma_start3A_17 = arith.constant 0 : i32
    %dma_start3A_18 = tpu.memref_slice %arg9[%dma_start3A_15, %dma_start3A_16, %dma_start3A_17] : memref<2x128x128xf32, #tpu.memory_space<vmem>> -> memref<1x128x128xf32, #tpu.memory_space<vmem>>
    %dma_start3A_19 = tpu.memref_squeeze %dma_start3A_18 : memref<1x128x128xf32, #tpu.memory_space<vmem>> -> memref<128x128xf32, #tpu.memory_space<vmem>>
    %dma_start3A_20 = arith.constant 0 : i32
    %dma_start3A_21 = tpu.memref_slice %arg7[%dma_start3A_14, %dma_start3A_20] : memref<32x128xi32, #tpu.memory_space<vmem>> -> memref<1x128xi32, #tpu.memory_space<vmem>>
    %dma_start3A_22 = tpu.memref_squeeze %dma_start3A_21 : memref<1x128xi32, #tpu.memory_space<vmem>> -> memref<128xi32, #tpu.memory_space<vmem>>
    %dma_start3A_23 = arith.constant 0 : i32
    %dma_start3A_24 = arith.constant 0 : i32
    %dma_start3A_25 = tpu.memref_slice %arg2[%dma_start3A_23, %dma_start3A_24] : memref<4096x128xf32, #tpu.memory_space<hbm>> -> memref<4096x128xf32, #tpu.memory_space<hbm>>
    tpu.enqueue_indirect_dma source(%dma_start3A_25 : memref<4096x128xf32, #tpu.memory_space<hbm>>) target(%dma_start3A_19 : memref<128x128xf32, #tpu.memory_space<vmem>>) offsets(%dma_start3A_22 : memref<128xi32, #tpu.memory_space<vmem>>) semaphore(%arg12 : memref<!tpu.dma_semaphore, #tpu.memory_space<semaphore_mem>>)
    %scan3A = arith.constant 0 : i32
    %scan3A_26 = arith.constant 0 : i32
    %scan3A_27 = arith.constant 16 : i32
    %scan3A_28 = arith.addi %scan3A_26, %scan3A_27 : i32
    %scan3A_29 = arith.constant 1 : i32
    scf.for %scan3A_36 = %scan3A_26 to %scan3A_28 step %scan3A_29  : i32 {
      %mul3A_37 = arith.constant 2 : i32
      %mul3A_38 = arith.muli %scan3A_36, %mul3A_37 : i32
      %add3A_39 = arith.constant 0 : i32
      %add3A_40 = arith.addi %mul3A_38, %add3A_39 : i32
      %dma_wait3A = arith.constant 0 : i32
      %dma_wait3A_41 = arith.constant 0 : i32
      %dma_wait3A_42 = arith.constant 0 : i32
      %dma_wait3A_43 = tpu.memref_slice %arg9[%dma_wait3A, %dma_wait3A_41, %dma_wait3A_42] : memref<2x128x128xf32, #tpu.memory_space<vmem>> -> memref<1x128x128xf32, #tpu.memory_space<vmem>>
      %dma_wait3A_44 = tpu.memref_squeeze %dma_wait3A_43 : memref<1x128x128xf32, #tpu.memory_space<vmem>> -> memref<128x128xf32, #tpu.memory_space<vmem>>
      %dma_wait3A_45 = arith.constant 0 : i32
      %dma_wait3A_46 = tpu.memref_slice %arg7[%add3A_40, %dma_wait3A_45] : memref<32x128xi32, #tpu.memory_space<vmem>> -> memref<1x128xi32, #tpu.memory_space<vmem>>
      %dma_wait3A_47 = tpu.memref_squeeze %dma_wait3A_46 : memref<1x128xi32, #tpu.memory_space<vmem>> -> memref<128xi32, #tpu.memory_space<vmem>>
      %dma_wait3A_48 = arith.constant 0 : i32
      %dma_wait3A_49 = arith.constant 0 : i32
      %dma_wait3A_50 = tpu.memref_slice %arg2[%dma_wait3A_48, %dma_wait3A_49] : memref<4096x128xf32, #tpu.memory_space<hbm>> -> memref<4096x128xf32, #tpu.memory_space<hbm>>
      tpu.wait_indirect_dma semaphore(%arg11 : memref<!tpu.dma_semaphore, #tpu.memory_space<semaphore_mem>>) src(%dma_wait3A_50 : memref<4096x128xf32, #tpu.memory_space<hbm>>) dst(%dma_wait3A_44 : memref<128x128xf32, #tpu.memory_space<vmem>>)
      %run_scoped3A = arith.constant 0 : i32
      "tpu.region"() ({
        %run_scoped3A_78 = tpu.sem_alloc : memref<!tpu.dma_semaphore, #tpu.memory_space<semaphore_mem>>
        %dma_start3A_79 = arith.constant 0 : i32
        %dma_start3A_80 = arith.constant 0 : i32
        %dma_start3A_81 = tpu.memref_slice %arg9[%run_scoped3A, %dma_start3A_79, %dma_start3A_80] : memref<2x128x128xf32, #tpu.memory_space<vmem>> -> memref<1x128x128xf32, #tpu.memory_space<vmem>>
        %dma_start3A_82 = tpu.memref_squeeze %dma_start3A_81 : memref<1x128x128xf32, #tpu.memory_space<vmem>> -> memref<128x128xf32, #tpu.memory_space<vmem>>
        %dma_start3A_83 = arith.constant 0 : i32
        %dma_start3A_84 = tpu.memref_slice %arg8[%add3A_40, %dma_start3A_83] : memref<32x128xi32, #tpu.memory_space<vmem>> -> memref<1x128xi32, #tpu.memory_space<vmem>>
        %dma_start3A_85 = tpu.memref_squeeze %dma_start3A_84 : memref<1x128xi32, #tpu.memory_space<vmem>> -> memref<128xi32, #tpu.memory_space<vmem>>
        %dma_start3A_86 = arith.constant 0 : i32
        %dma_start3A_87 = arith.constant 0 : i32
        %dma_start3A_88 = tpu.memref_slice %arg10[%dma_start3A_86, %dma_start3A_87] : memref<4096x128xf32, #tpu.memory_space<vmem_shared>> -> memref<4096x128xf32, #tpu.memory_space<vmem_shared>>
        tpu.enqueue_indirect_dma source(%dma_start3A_82 : memref<128x128xf32, #tpu.memory_space<vmem>>) target(%dma_start3A_88 : memref<4096x128xf32, #tpu.memory_space<vmem_shared>>) offsets(%dma_start3A_85 : memref<128xi32, #tpu.memory_space<vmem>>) semaphore(%run_scoped3A_78 : memref<!tpu.dma_semaphore, #tpu.memory_space<semaphore_mem>>) {add = true}
        %dma_wait3A_89 = arith.constant 0 : i32
        %dma_wait3A_90 = arith.constant 0 : i32
        %dma_wait3A_91 = tpu.memref_slice %arg9[%run_scoped3A, %dma_wait3A_89, %dma_wait3A_90] : memref<2x128x128xf32, #tpu.memory_space<vmem>> -> memref<1x128x128xf32, #tpu.memory_space<vmem>>
        %dma_wait3A_92 = tpu.memref_squeeze %dma_wait3A_91 : memref<1x128x128xf32, #tpu.memory_space<vmem>> -> memref<128x128xf32, #tpu.memory_space<vmem>>
        %dma_wait3A_93 = arith.constant 0 : i32
        %dma_wait3A_94 = tpu.memref_slice %arg8[%add3A_40, %dma_wait3A_93] : memref<32x128xi32, #tpu.memory_space<vmem>> -> memref<1x128xi32, #tpu.memory_space<vmem>>
        %dma_wait3A_95 = tpu.memref_squeeze %dma_wait3A_94 : memref<1x128xi32, #tpu.memory_space<vmem>> -> memref<128xi32, #tpu.memory_space<vmem>>
        %dma_wait3A_96 = arith.constant 0 : i32
        %dma_wait3A_97 = arith.constant 0 : i32
        %dma_wait3A_98 = tpu.memref_slice %arg10[%dma_wait3A_96, %dma_wait3A_97] : memref<4096x128xf32, #tpu.memory_space<vmem_shared>> -> memref<4096x128xf32, #tpu.memory_space<vmem_shared>>
        tpu.wait_indirect_dma semaphore(%run_scoped3A_78 : memref<!tpu.dma_semaphore, #tpu.memory_space<semaphore_mem>>) src(%dma_wait3A_92 : memref<128x128xf32, #tpu.memory_space<vmem>>) dst(%dma_wait3A_98 : memref<4096x128xf32, #tpu.memory_space<vmem_shared>>)
        tpu.yield
      }) : () -> ()
      %add3A_51 = arith.constant 2 : i32
      %add3A_52 = arith.addi %add3A_40, %add3A_51 : i32
      %lt3A = arith.constant 32 : i32
      %lt3A_53 = arith.cmpi slt, %add3A_52, %lt3A : i32
      %convert_element_type3A = arith.extui %lt3A_53 : i1 to i32
      %cond3A = arith.constant 0 : i32
      %cond3A_54 = arith.cmpi ne, %convert_element_type3A, %cond3A : i32
      scf.if %cond3A_54 {
        %add3A_78 = arith.constant 2 : i32
        %add3A_79 = arith.addi %add3A_40, %add3A_78 : i32
        %dma_start3A_80 = arith.constant 0 : i32
        %dma_start3A_81 = arith.constant 0 : i32
        %dma_start3A_82 = arith.constant 0 : i32
        %dma_start3A_83 = tpu.memref_slice %arg9[%dma_start3A_80, %dma_start3A_81, %dma_start3A_82] : memref<2x128x128xf32, #tpu.memory_space<vmem>> -> memref<1x128x128xf32, #tpu.memory_space<vmem>>
        %dma_start3A_84 = tpu.memref_squeeze %dma_start3A_83 : memref<1x128x128xf32, #tpu.memory_space<vmem>> -> memref<128x128xf32, #tpu.memory_space<vmem>>
        %dma_start3A_85 = arith.constant 0 : i32
        %dma_start3A_86 = tpu.memref_slice %arg7[%add3A_79, %dma_start3A_85] : memref<32x128xi32, #tpu.memory_space<vmem>> -> memref<1x128xi32, #tpu.memory_space<vmem>>
        %dma_start3A_87 = tpu.memref_squeeze %dma_start3A_86 : memref<1x128xi32, #tpu.memory_space<vmem>> -> memref<128xi32, #tpu.memory_space<vmem>>
        %dma_start3A_88 = arith.constant 0 : i32
        %dma_start3A_89 = arith.constant 0 : i32
        %dma_start3A_90 = tpu.memref_slice %arg2[%dma_start3A_88, %dma_start3A_89] : memref<4096x128xf32, #tpu.memory_space<hbm>> -> memref<4096x128xf32, #tpu.memory_space<hbm>>
        tpu.enqueue_indirect_dma source(%dma_start3A_90 : memref<4096x128xf32, #tpu.memory_space<hbm>>) target(%dma_start3A_84 : memref<128x128xf32, #tpu.memory_space<vmem>>) offsets(%dma_start3A_87 : memref<128xi32, #tpu.memory_space<vmem>>) semaphore(%arg11 : memref<!tpu.dma_semaphore, #tpu.memory_space<semaphore_mem>>)
      } else {
      }
      %mul3A_55 = arith.constant 2 : i32
      %mul3A_56 = arith.muli %scan3A_36, %mul3A_55 : i32
      %add3A_57 = arith.constant 1 : i32
      %add3A_58 = arith.addi %mul3A_56, %add3A_57 : i32
      %dma_wait3A_59 = arith.constant 1 : i32
      %dma_wait3A_60 = arith.constant 0 : i32
      %dma_wait3A_61 = arith.constant 0 : i32
      %dma_wait3A_62 = tpu.memref_slice %arg9[%dma_wait3A_59, %dma_wait3A_60, %dma_wait3A_61] : memref<2x128x128xf32, #tpu.memory_space<vmem>> -> memref<1x128x128xf32, #tpu.memory_space<vmem>>
      %dma_wait3A_63 = tpu.memref_squeeze %dma_wait3A_62 : memref<1x128x128xf32, #tpu.memory_space<vmem>> -> memref<128x128xf32, #tpu.memory_space<vmem>>
      %dma_wait3A_64 = arith.constant 0 : i32
      %dma_wait3A_65 = tpu.memref_slice %arg7[%add3A_58, %dma_wait3A_64] : memref<32x128xi32, #tpu.memory_space<vmem>> -> memref<1x128xi32, #tpu.memory_space<vmem>>
      %dma_wait3A_66 = tpu.memref_squeeze %dma_wait3A_65 : memref<1x128xi32, #tpu.memory_space<vmem>> -> memref<128xi32, #tpu.memory_space<vmem>>
      %dma_wait3A_67 = arith.constant 0 : i32
      %dma_wait3A_68 = arith.constant 0 : i32
      %dma_wait3A_69 = tpu.memref_slice %arg2[%dma_wait3A_67, %dma_wait3A_68] : memref<4096x128xf32, #tpu.memory_space<hbm>> -> memref<4096x128xf32, #tpu.memory_space<hbm>>
      tpu.wait_indirect_dma semaphore(%arg12 : memref<!tpu.dma_semaphore, #tpu.memory_space<semaphore_mem>>) src(%dma_wait3A_69 : memref<4096x128xf32, #tpu.memory_space<hbm>>) dst(%dma_wait3A_63 : memref<128x128xf32, #tpu.memory_space<vmem>>)
      %run_scoped3A_70 = arith.constant 1 : i32
      "tpu.region"() ({
        %run_scoped3A_78 = tpu.sem_alloc : memref<!tpu.dma_semaphore, #tpu.memory_space<semaphore_mem>>
        %dma_start3A_79 = arith.constant 0 : i32
        %dma_start3A_80 = arith.constant 0 : i32
        %dma_start3A_81 = tpu.memref_slice %arg9[%run_scoped3A_70, %dma_start3A_79, %dma_start3A_80] : memref<2x128x128xf32, #tpu.memory_space<vmem>> -> memref<1x128x128xf32, #tpu.memory_space<vmem>>
        %dma_start3A_82 = tpu.memref_squeeze %dma_start3A_81 : memref<1x128x128xf32, #tpu.memory_space<vmem>> -> memref<128x128xf32, #tpu.memory_space<vmem>>
        %dma_start3A_83 = arith.constant 0 : i32
        %dma_start3A_84 = tpu.memref_slice %arg8[%add3A_58, %dma_start3A_83] : memref<32x128xi32, #tpu.memory_space<vmem>> -> memref<1x128xi32, #tpu.memory_space<vmem>>
        %dma_start3A_85 = tpu.memref_squeeze %dma_start3A_84 : memref<1x128xi32, #tpu.memory_space<vmem>> -> memref<128xi32, #tpu.memory_space<vmem>>
        %dma_start3A_86 = arith.constant 0 : i32
        %dma_start3A_87 = arith.constant 0 : i32
        %dma_start3A_88 = tpu.memref_slice %arg10[%dma_start3A_86, %dma_start3A_87] : memref<4096x128xf32, #tpu.memory_space<vmem_shared>> -> memref<4096x128xf32, #tpu.memory_space<vmem_shared>>
        tpu.enqueue_indirect_dma source(%dma_start3A_82 : memref<128x128xf32, #tpu.memory_space<vmem>>) target(%dma_start3A_88 : memref<4096x128xf32, #tpu.memory_space<vmem_shared>>) offsets(%dma_start3A_85 : memref<128xi32, #tpu.memory_space<vmem>>) semaphore(%run_scoped3A_78 : memref<!tpu.dma_semaphore, #tpu.memory_space<semaphore_mem>>) {add = true}
        %dma_wait3A_89 = arith.constant 0 : i32
        %dma_wait3A_90 = arith.constant 0 : i32
        %dma_wait3A_91 = tpu.memref_slice %arg9[%run_scoped3A_70, %dma_wait3A_89, %dma_wait3A_90] : memref<2x128x128xf32, #tpu.memory_space<vmem>> -> memref<1x128x128xf32, #tpu.memory_space<vmem>>
        %dma_wait3A_92 = tpu.memref_squeeze %dma_wait3A_91 : memref<1x128x128xf32, #tpu.memory_space<vmem>> -> memref<128x128xf32, #tpu.memory_space<vmem>>
        %dma_wait3A_93 = arith.constant 0 : i32
        %dma_wait3A_94 = tpu.memref_slice %arg8[%add3A_58, %dma_wait3A_93] : memref<32x128xi32, #tpu.memory_space<vmem>> -> memref<1x128xi32, #tpu.memory_space<vmem>>
        %dma_wait3A_95 = tpu.memref_squeeze %dma_wait3A_94 : memref<1x128xi32, #tpu.memory_space<vmem>> -> memref<128xi32, #tpu.memory_space<vmem>>
        %dma_wait3A_96 = arith.constant 0 : i32
        %dma_wait3A_97 = arith.constant 0 : i32
        %dma_wait3A_98 = tpu.memref_slice %arg10[%dma_wait3A_96, %dma_wait3A_97] : memref<4096x128xf32, #tpu.memory_space<vmem_shared>> -> memref<4096x128xf32, #tpu.memory_space<vmem_shared>>
        tpu.wait_indirect_dma semaphore(%run_scoped3A_78 : memref<!tpu.dma_semaphore, #tpu.memory_space<semaphore_mem>>) src(%dma_wait3A_92 : memref<128x128xf32, #tpu.memory_space<vmem>>) dst(%dma_wait3A_98 : memref<4096x128xf32, #tpu.memory_space<vmem_shared>>)
        tpu.yield
      }) : () -> ()
      %add3A_71 = arith.constant 2 : i32
      %add3A_72 = arith.addi %add3A_58, %add3A_71 : i32
      %lt3A_73 = arith.constant 32 : i32
      %lt3A_74 = arith.cmpi slt, %add3A_72, %lt3A_73 : i32
      %convert_element_type3A_75 = arith.extui %lt3A_74 : i1 to i32
      %cond3A_76 = arith.constant 0 : i32
      %cond3A_77 = arith.cmpi ne, %convert_element_type3A_75, %cond3A_76 : i32
      scf.if %cond3A_77 {
        %add3A_78 = arith.constant 2 : i32
        %add3A_79 = arith.addi %add3A_58, %add3A_78 : i32
        %dma_start3A_80 = arith.constant 1 : i32
        %dma_start3A_81 = arith.constant 0 : i32
        %dma_start3A_82 = arith.constant 0 : i32
        %dma_start3A_83 = tpu.memref_slice %arg9[%dma_start3A_80, %dma_start3A_81, %dma_start3A_82] : memref<2x128x128xf32, #tpu.memory_space<vmem>> -> memref<1x128x128xf32, #tpu.memory_space<vmem>>
        %dma_start3A_84 = tpu.memref_squeeze %dma_start3A_83 : memref<1x128x128xf32, #tpu.memory_space<vmem>> -> memref<128x128xf32, #tpu.memory_space<vmem>>
        %dma_start3A_85 = arith.constant 0 : i32
        %dma_start3A_86 = tpu.memref_slice %arg7[%add3A_79, %dma_start3A_85] : memref<32x128xi32, #tpu.memory_space<vmem>> -> memref<1x128xi32, #tpu.memory_space<vmem>>
        %dma_start3A_87 = tpu.memref_squeeze %dma_start3A_86 : memref<1x128xi32, #tpu.memory_space<vmem>> -> memref<128xi32, #tpu.memory_space<vmem>>
        %dma_start3A_88 = arith.constant 0 : i32
        %dma_start3A_89 = arith.constant 0 : i32
        %dma_start3A_90 = tpu.memref_slice %arg2[%dma_start3A_88, %dma_start3A_89] : memref<4096x128xf32, #tpu.memory_space<hbm>> -> memref<4096x128xf32, #tpu.memory_space<hbm>>
        tpu.enqueue_indirect_dma source(%dma_start3A_90 : memref<4096x128xf32, #tpu.memory_space<hbm>>) target(%dma_start3A_84 : memref<128x128xf32, #tpu.memory_space<vmem>>) offsets(%dma_start3A_87 : memref<128xi32, #tpu.memory_space<vmem>>) semaphore(%arg12 : memref<!tpu.dma_semaphore, #tpu.memory_space<semaphore_mem>>)
      } else {
      }
    }
    %scan3A_30 = arith.constant 16 : i32
    %barrier3A_31 = arith.constant 0 : index
    tpu.barrier barrier_id(%barrier3A_31)
    %mul3A_32 = arith.constant 256 : i32
    %mul3A_33 = arith.muli %arg1, %mul3A_32 : i32
    %mul3A_34 = arith.constant 256 : i32
    %mul3A_35 = arith.muli %arg1, %mul3A_34 : i32
    "tpu.region"() ({
      %run_scoped3A = tpu.sem_alloc : memref<!tpu.dma_semaphore, #tpu.memory_space<semaphore_mem>>
      %dma_start3A_36 = arith.constant 0 : i32
      %dma_start3A_37 = tpu.memref_slice %arg6[%arg0, %mul3A_35, %dma_start3A_36] : memref<2x4096x128xf32, #tpu.memory_space<hbm>> -> memref<1x256x128xf32, #tpu.memory_space<hbm>>
      %dma_start3A_38 = tpu.memref_squeeze %dma_start3A_37 : memref<1x256x128xf32, #tpu.memory_space<hbm>> -> memref<256x128xf32, #tpu.memory_space<hbm>>
      %dma_start3A_39 = arith.constant 0 : i32
      %dma_start3A_40 = tpu.memref_slice %arg10[%mul3A_33, %dma_start3A_39] : memref<4096x128xf32, #tpu.memory_space<vmem_shared>> -> memref<256x128xf32, #tpu.memory_space<vmem_shared>>
      tpu.enqueue_dma source(%dma_start3A_40 : memref<256x128xf32, #tpu.memory_space<vmem_shared>>) target(%dma_start3A_38 : memref<256x128xf32, #tpu.memory_space<hbm>>) target_semaphore(%run_scoped3A : memref<!tpu.dma_semaphore, #tpu.memory_space<semaphore_mem>>)
      %dma_wait3A = arith.constant 0 : i32
      %dma_wait3A_41 = tpu.memref_slice %arg6[%arg0, %mul3A_35, %dma_wait3A] : memref<2x4096x128xf32, #tpu.memory_space<hbm>> -> memref<1x256x128xf32, #tpu.memory_space<hbm>>
      %dma_wait3A_42 = tpu.memref_squeeze %dma_wait3A_41 : memref<1x256x128xf32, #tpu.memory_space<hbm>> -> memref<256x128xf32, #tpu.memory_space<hbm>>
      %dma_wait3A_43 = arith.constant 0 : i32
      %dma_wait3A_44 = tpu.memref_slice %arg10[%mul3A_33, %dma_wait3A_43] : memref<4096x128xf32, #tpu.memory_space<vmem_shared>> -> memref<256x128xf32, #tpu.memory_space<vmem_shared>>
      tpu.wait_dma2 semaphore(%run_scoped3A : memref<!tpu.dma_semaphore, #tpu.memory_space<semaphore_mem>>) src(%dma_wait3A_44 : memref<256x128xf32, #tpu.memory_space<vmem_shared>>) dst(%dma_wait3A_42 : memref<256x128xf32, #tpu.memory_space<hbm>>)
      tpu.yield
    }) : () -> ()
    return
  }
}

#map = affine_map<(d0, d1) -> (0, 0)>
#map1 = affine_map<(d0, d1) -> (0, 0, 0)>
module attributes {stable_mosaic.version = 14 : i64} {
  func.func @k(%arg0: i32, %arg1: i32, %arg2: memref<128x128xf32, #tpu.memory_space<hbm>>, %arg3: memref<32x32x128xi32, #tpu.memory_space<hbm>>, %arg4: memref<32x32x128xi32, #tpu.memory_space<hbm>>, %arg5: memref<256x128xf32, #tpu.memory_space<hbm>>, %arg6: memref<2x4096x128xf32, #tpu.memory_space<hbm>>, %arg7: memref<32x128xi32, #tpu.memory_space<vmem>>, %arg8: memref<32x128xi32, #tpu.memory_space<vmem>>, %arg9: memref<2x128x128xf32, #tpu.memory_space<vmem>>, %arg10: memref<4096x128xf32, #tpu.memory_space<vmem_shared>>, %arg11: memref<!tpu.dma_semaphore, #tpu.memory_space<semaphore_mem>>, %arg12: memref<!tpu.dma_semaphore, #tpu.memory_space<semaphore_mem>>) attributes {dimension_semantics = [#tpu.dimension_semantics<core_parallel>, #tpu.dimension_semantics<subcore_parallel>], iteration_bounds = array<i64: 2, 16>, scalar_prefetch = 0 : i64, scratch_operands = 6 : i64, tpu.core_type = #tpu.core_type<sc_vector_subcore>, window_params = [{transform_indices = #map}, {transform_indices = #map1}, {transform_indices = #map1}, {transform_indices = #map}, {transform_indices = #map1}]} {
    %mul3A = arith.constant 2 : i32
    %mul3A_0 = arith.muli %arg1, %mul3A : i32
    %add3A = arith.addi %mul3A_0, %arg0 : i32
    %mul3A_1 = arith.constant 256 : i32
    %mul3A_2 = arith.muli %arg1, %mul3A_1 : i32
    "tpu.region"() ({
      %run_scoped3A_19 = tpu.sem_alloc : memref<!tpu.dma_semaphore, #tpu.memory_space<semaphore_mem>>
      %dma_start3A = arith.constant 0 : i32
      %dma_start3A_20 = tpu.memref_slice %arg10[%mul3A_2, %dma_start3A] : memref<4096x128xf32, #tpu.memory_space<vmem_shared>> -> memref<256x128xf32, #tpu.memory_space<vmem_shared>>
      tpu.enqueue_dma source(%arg5 : memref<256x128xf32, #tpu.memory_space<hbm>>) target(%dma_start3A_20 : memref<256x128xf32, #tpu.memory_space<vmem_shared>>) target_semaphore(%run_scoped3A_19 : memref<!tpu.dma_semaphore, #tpu.memory_space<semaphore_mem>>)
      %dma_wait3A = arith.constant 0 : i32
      %dma_wait3A_21 = tpu.memref_slice %arg10[%mul3A_2, %dma_wait3A] : memref<4096x128xf32, #tpu.memory_space<vmem_shared>> -> memref<256x128xf32, #tpu.memory_space<vmem_shared>>
      tpu.wait_dma2 semaphore(%run_scoped3A_19 : memref<!tpu.dma_semaphore, #tpu.memory_space<semaphore_mem>>) src(%arg5 : memref<256x128xf32, #tpu.memory_space<hbm>>) dst(%dma_wait3A_21 : memref<256x128xf32, #tpu.memory_space<vmem_shared>>)
      tpu.yield
    }) : () -> ()
    "tpu.region"() ({
      %run_scoped3A_19 = tpu.sem_alloc : memref<!tpu.dma_semaphore, #tpu.memory_space<semaphore_mem>>
      %dma_start3A = arith.constant 0 : i32
      %dma_start3A_20 = arith.constant 0 : i32
      %dma_start3A_21 = tpu.memref_slice %arg4[%add3A, %dma_start3A, %dma_start3A_20] : memref<32x32x128xi32, #tpu.memory_space<hbm>> -> memref<1x32x128xi32, #tpu.memory_space<hbm>>
      %dma_start3A_22 = tpu.memref_squeeze %dma_start3A_21 : memref<1x32x128xi32, #tpu.memory_space<hbm>> -> memref<32x128xi32, #tpu.memory_space<hbm>>
      %dma_start3A_23 = arith.constant 0 : i32
      %dma_start3A_24 = arith.constant 0 : i32
      %dma_start3A_25 = tpu.memref_slice %arg4[%add3A, %dma_start3A_23, %dma_start3A_24] : memref<32x32x128xi32, #tpu.memory_space<hbm>> -> memref<1x32x128xi32, #tpu.memory_space<hbm>>
      %dma_start3A_26 = tpu.memref_squeeze %dma_start3A_25 : memref<1x32x128xi32, #tpu.memory_space<hbm>> -> memref<32x128xi32, #tpu.memory_space<hbm>>
      tpu.enqueue_dma source(%dma_start3A_26 : memref<32x128xi32, #tpu.memory_space<hbm>>) target(%arg8 : memref<32x128xi32, #tpu.memory_space<vmem>>) target_semaphore(%run_scoped3A_19 : memref<!tpu.dma_semaphore, #tpu.memory_space<semaphore_mem>>)
      %dma_wait3A = arith.constant 0 : i32
      %dma_wait3A_27 = arith.constant 0 : i32
      %dma_wait3A_28 = tpu.memref_slice %arg4[%add3A, %dma_wait3A, %dma_wait3A_27] : memref<32x32x128xi32, #tpu.memory_space<hbm>> -> memref<1x32x128xi32, #tpu.memory_space<hbm>>
      %dma_wait3A_29 = tpu.memref_squeeze %dma_wait3A_28 : memref<1x32x128xi32, #tpu.memory_space<hbm>> -> memref<32x128xi32, #tpu.memory_space<hbm>>
      %dma_wait3A_30 = arith.constant 0 : i32
      %dma_wait3A_31 = arith.constant 0 : i32
      %dma_wait3A_32 = tpu.memref_slice %arg4[%add3A, %dma_wait3A_30, %dma_wait3A_31] : memref<32x32x128xi32, #tpu.memory_space<hbm>> -> memref<1x32x128xi32, #tpu.memory_space<hbm>>
      %dma_wait3A_33 = tpu.memref_squeeze %dma_wait3A_32 : memref<1x32x128xi32, #tpu.memory_space<hbm>> -> memref<32x128xi32, #tpu.memory_space<hbm>>
      tpu.wait_dma2 semaphore(%run_scoped3A_19 : memref<!tpu.dma_semaphore, #tpu.memory_space<semaphore_mem>>) src(%dma_wait3A_33 : memref<32x128xi32, #tpu.memory_space<hbm>>) dst(%arg8 : memref<32x128xi32, #tpu.memory_space<vmem>>)
      tpu.yield
    }) : () -> ()
    %run_scoped3A = arith.constant 0 : i32
    "tpu.region"() ({
      %run_scoped3A_19 = tpu.sem_alloc : memref<!tpu.dma_semaphore, #tpu.memory_space<semaphore_mem>>
      %dma_start3A = arith.constant 0 : i32
      %dma_start3A_20 = arith.constant 0 : i32
      %dma_start3A_21 = tpu.memref_slice %arg9[%run_scoped3A, %dma_start3A, %dma_start3A_20] : memref<2x128x128xf32, #tpu.memory_space<vmem>> -> memref<1x128x128xf32, #tpu.memory_space<vmem>>
      %dma_start3A_22 = tpu.memref_squeeze %dma_start3A_21 : memref<1x128x128xf32, #tpu.memory_space<vmem>> -> memref<128x128xf32, #tpu.memory_space<vmem>>
      %dma_start3A_23 = arith.constant 0 : i32
      %dma_start3A_24 = arith.constant 0 : i32
      %dma_start3A_25 = tpu.memref_slice %arg9[%run_scoped3A, %dma_start3A_23, %dma_start3A_24] : memref<2x128x128xf32, #tpu.memory_space<vmem>> -> memref<1x128x128xf32, #tpu.memory_space<vmem>>
      %dma_start3A_26 = tpu.memref_squeeze %dma_start3A_25 : memref<1x128x128xf32, #tpu.memory_space<vmem>> -> memref<128x128xf32, #tpu.memory_space<vmem>>
      tpu.enqueue_dma source(%arg2 : memref<128x128xf32, #tpu.memory_space<hbm>>) target(%dma_start3A_26 : memref<128x128xf32, #tpu.memory_space<vmem>>) target_semaphore(%run_scoped3A_19 : memref<!tpu.dma_semaphore, #tpu.memory_space<semaphore_mem>>)
      %dma_wait3A = arith.constant 0 : i32
      %dma_wait3A_27 = arith.constant 0 : i32
      %dma_wait3A_28 = tpu.memref_slice %arg9[%run_scoped3A, %dma_wait3A, %dma_wait3A_27] : memref<2x128x128xf32, #tpu.memory_space<vmem>> -> memref<1x128x128xf32, #tpu.memory_space<vmem>>
      %dma_wait3A_29 = tpu.memref_squeeze %dma_wait3A_28 : memref<1x128x128xf32, #tpu.memory_space<vmem>> -> memref<128x128xf32, #tpu.memory_space<vmem>>
      %dma_wait3A_30 = arith.constant 0 : i32
      %dma_wait3A_31 = arith.constant 0 : i32
      %dma_wait3A_32 = tpu.memref_slice %arg9[%run_scoped3A, %dma_wait3A_30, %dma_wait3A_31] : memref<2x128x128xf32, #tpu.memory_space<vmem>> -> memref<1x128x128xf32, #tpu.memory_space<vmem>>
      %dma_wait3A_33 = tpu.memref_squeeze %dma_wait3A_32 : memref<1x128x128xf32, #tpu.memory_space<vmem>> -> memref<128x128xf32, #tpu.memory_space<vmem>>
      tpu.wait_dma2 semaphore(%run_scoped3A_19 : memref<!tpu.dma_semaphore, #tpu.memory_space<semaphore_mem>>) src(%arg2 : memref<128x128xf32, #tpu.memory_space<hbm>>) dst(%dma_wait3A_33 : memref<128x128xf32, #tpu.memory_space<vmem>>)
      tpu.yield
    }) : () -> ()
    %barrier3A = arith.constant 0 : index
    tpu.barrier barrier_id(%barrier3A)
    %scan3A = arith.constant 0 : i32
    %scan3A_3 = arith.constant 0 : i32
    %scan3A_4 = arith.constant 32 : i32
    %scan3A_5 = arith.addi %scan3A_3, %scan3A_4 : i32
    %scan3A_6 = arith.constant 1 : i32
    scf.for %scan3A_19 = %scan3A_3 to %scan3A_5 step %scan3A_6  : i32 {
      %dma_start3A = arith.constant 0 : i32
      %dma_start3A_20 = arith.constant 0 : i32
      %dma_start3A_21 = arith.constant 0 : i32
      %dma_start3A_22 = tpu.memref_slice %arg9[%dma_start3A, %dma_start3A_20, %dma_start3A_21] : memref<2x128x128xf32, #tpu.memory_space<vmem>> -> memref<1x128x128xf32, #tpu.memory_space<vmem>>
      %dma_start3A_23 = tpu.memref_squeeze %dma_start3A_22 : memref<1x128x128xf32, #tpu.memory_space<vmem>> -> memref<128x128xf32, #tpu.memory_space<vmem>>
      %dma_start3A_24 = arith.constant 0 : i32
      %dma_start3A_25 = tpu.memref_slice %arg8[%scan3A_19, %dma_start3A_24] : memref<32x128xi32, #tpu.memory_space<vmem>> -> memref<1x128xi32, #tpu.memory_space<vmem>>
      %dma_start3A_26 = tpu.memref_squeeze %dma_start3A_25 : memref<1x128xi32, #tpu.memory_space<vmem>> -> memref<128xi32, #tpu.memory_space<vmem>>
      %dma_start3A_27 = arith.constant 0 : i32
      %dma_start3A_28 = arith.constant 0 : i32
      %dma_start3A_29 = tpu.memref_slice %arg10[%dma_start3A_27, %dma_start3A_28] : memref<4096x128xf32, #tpu.memory_space<vmem_shared>> -> memref<4096x128xf32, #tpu.memory_space<vmem_shared>>
      tpu.enqueue_indirect_dma source(%dma_start3A_23 : memref<128x128xf32, #tpu.memory_space<vmem>>) target(%dma_start3A_29 : memref<4096x128xf32, #tpu.memory_space<vmem_shared>>) offsets(%dma_start3A_26 : memref<128xi32, #tpu.memory_space<vmem>>) semaphore(%arg11 : memref<!tpu.dma_semaphore, #tpu.memory_space<semaphore_mem>>) {add = true}
    }
    %scan3A_7 = arith.constant 32 : i32
    %scan3A_8 = arith.constant 0 : i32
    %scan3A_9 = arith.constant 0 : i32
    %scan3A_10 = arith.constant 32 : i32
    %scan3A_11 = arith.addi %scan3A_9, %scan3A_10 : i32
    %scan3A_12 = arith.constant 1 : i32
    scf.for %scan3A_19 = %scan3A_9 to %scan3A_11 step %scan3A_12  : i32 {
      %dma_wait3A = arith.constant 0 : i32
      %dma_wait3A_20 = arith.constant 0 : i32
      %dma_wait3A_21 = arith.constant 0 : i32
      %dma_wait3A_22 = tpu.memref_slice %arg9[%dma_wait3A, %dma_wait3A_20, %dma_wait3A_21] : memref<2x128x128xf32, #tpu.memory_space<vmem>> -> memref<1x128x128xf32, #tpu.memory_space<vmem>>
      %dma_wait3A_23 = tpu.memref_squeeze %dma_wait3A_22 : memref<1x128x128xf32, #tpu.memory_space<vmem>> -> memref<128x128xf32, #tpu.memory_space<vmem>>
      %dma_wait3A_24 = arith.constant 0 : i32
      %dma_wait3A_25 = tpu.memref_slice %arg8[%scan3A_19, %dma_wait3A_24] : memref<32x128xi32, #tpu.memory_space<vmem>> -> memref<1x128xi32, #tpu.memory_space<vmem>>
      %dma_wait3A_26 = tpu.memref_squeeze %dma_wait3A_25 : memref<1x128xi32, #tpu.memory_space<vmem>> -> memref<128xi32, #tpu.memory_space<vmem>>
      %dma_wait3A_27 = arith.constant 0 : i32
      %dma_wait3A_28 = arith.constant 0 : i32
      %dma_wait3A_29 = tpu.memref_slice %arg10[%dma_wait3A_27, %dma_wait3A_28] : memref<4096x128xf32, #tpu.memory_space<vmem_shared>> -> memref<4096x128xf32, #tpu.memory_space<vmem_shared>>
      tpu.wait_indirect_dma semaphore(%arg11 : memref<!tpu.dma_semaphore, #tpu.memory_space<semaphore_mem>>) src(%dma_wait3A_23 : memref<128x128xf32, #tpu.memory_space<vmem>>) dst(%dma_wait3A_29 : memref<4096x128xf32, #tpu.memory_space<vmem_shared>>)
    }
    %scan3A_13 = arith.constant 32 : i32
    %barrier3A_14 = arith.constant 0 : index
    tpu.barrier barrier_id(%barrier3A_14)
    %mul3A_15 = arith.constant 256 : i32
    %mul3A_16 = arith.muli %arg1, %mul3A_15 : i32
    %mul3A_17 = arith.constant 256 : i32
    %mul3A_18 = arith.muli %arg1, %mul3A_17 : i32
    "tpu.region"() ({
      %run_scoped3A_19 = tpu.sem_alloc : memref<!tpu.dma_semaphore, #tpu.memory_space<semaphore_mem>>
      %dma_start3A = arith.constant 0 : i32
      %dma_start3A_20 = tpu.memref_slice %arg6[%arg0, %mul3A_18, %dma_start3A] : memref<2x4096x128xf32, #tpu.memory_space<hbm>> -> memref<1x256x128xf32, #tpu.memory_space<hbm>>
      %dma_start3A_21 = tpu.memref_squeeze %dma_start3A_20 : memref<1x256x128xf32, #tpu.memory_space<hbm>> -> memref<256x128xf32, #tpu.memory_space<hbm>>
      %dma_start3A_22 = arith.constant 0 : i32
      %dma_start3A_23 = tpu.memref_slice %arg10[%mul3A_16, %dma_start3A_22] : memref<4096x128xf32, #tpu.memory_space<vmem_shared>> -> memref<256x128xf32, #tpu.memory_space<vmem_shared>>
      tpu.enqueue_dma source(%dma_start3A_23 : memref<256x128xf32, #tpu.memory_space<vmem_shared>>) target(%dma_start3A_21 : memref<256x128xf32, #tpu.memory_space<hbm>>) target_semaphore(%run_scoped3A_19 : memref<!tpu.dma_semaphore, #tpu.memory_space<semaphore_mem>>)
      %dma_wait3A = arith.constant 0 : i32
      %dma_wait3A_24 = tpu.memref_slice %arg6[%arg0, %mul3A_18, %dma_wait3A] : memref<2x4096x128xf32, #tpu.memory_space<hbm>> -> memref<1x256x128xf32, #tpu.memory_space<hbm>>
      %dma_wait3A_25 = tpu.memref_squeeze %dma_wait3A_24 : memref<1x256x128xf32, #tpu.memory_space<hbm>> -> memref<256x128xf32, #tpu.memory_space<hbm>>
      %dma_wait3A_26 = arith.constant 0 : i32
      %dma_wait3A_27 = tpu.memref_slice %arg10[%mul3A_16, %dma_wait3A_26] : memref<4096x128xf32, #tpu.memory_space<vmem_shared>> -> memref<256x128xf32, #tpu.memory_space<vmem_shared>>
      tpu.wait_dma2 semaphore(%run_scoped3A_19 : memref<!tpu.dma_semaphore, #tpu.memory_space<semaphore_mem>>) src(%dma_wait3A_27 : memref<256x128xf32, #tpu.memory_space<vmem_shared>>) dst(%dma_wait3A_25 : memref<256x128xf32, #tpu.memory_space<hbm>>)
      tpu.yield
    }) : () -> ()
    return
  }
}

#map = affine_map<(d0, d1) -> (0, 0)>
#map1 = affine_map<(d0, d1) -> (0, 0, 0)>
module attributes {stable_mosaic.version = 14 : i64} {
  func.func @k(%arg0: i32, %arg1: i32, %arg2: memref<8192x128xf32, #tpu.memory_space<hbm>>, %arg3: memref<32x64x128xi32, #tpu.memory_space<hbm>>, %arg4: memref<32x64x128xi32, #tpu.memory_space<hbm>>, %arg5: memref<512x128xf32, #tpu.memory_space<hbm>>, %arg6: memref<2x8192x128xf32, #tpu.memory_space<hbm>>, %arg7: memref<64x128xi32, #tpu.memory_space<vmem>>, %arg8: memref<64x128xi32, #tpu.memory_space<vmem>>, %arg9: memref<2x128x128xf32, #tpu.memory_space<vmem>>, %arg10: memref<8192x128xf32, #tpu.memory_space<vmem_shared>>, %arg11: memref<!tpu.dma_semaphore, #tpu.memory_space<semaphore_mem>>, %arg12: memref<!tpu.dma_semaphore, #tpu.memory_space<semaphore_mem>>) attributes {dimension_semantics = [#tpu.dimension_semantics<core_parallel>, #tpu.dimension_semantics<subcore_parallel>], iteration_bounds = array<i64: 2, 16>, scalar_prefetch = 0 : i64, scratch_operands = 6 : i64, tpu.core_type = #tpu.core_type<sc_vector_subcore>, window_params = [{transform_indices = #map}, {transform_indices = #map1}, {transform_indices = #map1}, {transform_indices = #map}, {transform_indices = #map1}]} {
    %mul3A = arith.constant 2 : i32
    %mul3A_0 = arith.muli %arg1, %mul3A : i32
    %add3A = arith.addi %mul3A_0, %arg0 : i32
    %mul3A_1 = arith.constant 512 : i32
    %mul3A_2 = arith.muli %arg1, %mul3A_1 : i32
    "tpu.region"() ({
      %run_scoped3A = tpu.sem_alloc : memref<!tpu.dma_semaphore, #tpu.memory_space<semaphore_mem>>
      %dma_start3A_36 = arith.constant 0 : i32
      %dma_start3A_37 = tpu.memref_slice %arg10[%mul3A_2, %dma_start3A_36] : memref<8192x128xf32, #tpu.memory_space<vmem_shared>> -> memref<512x128xf32, #tpu.memory_space<vmem_shared>>
      tpu.enqueue_dma source(%arg5 : memref<512x128xf32, #tpu.memory_space<hbm>>) target(%dma_start3A_37 : memref<512x128xf32, #tpu.memory_space<vmem_shared>>) target_semaphore(%run_scoped3A : memref<!tpu.dma_semaphore, #tpu.memory_space<semaphore_mem>>)
      %dma_wait3A = arith.constant 0 : i32
      %dma_wait3A_38 = tpu.memref_slice %arg10[%mul3A_2, %dma_wait3A] : memref<8192x128xf32, #tpu.memory_space<vmem_shared>> -> memref<512x128xf32, #tpu.memory_space<vmem_shared>>
      tpu.wait_dma2 semaphore(%run_scoped3A : memref<!tpu.dma_semaphore, #tpu.memory_space<semaphore_mem>>) src(%arg5 : memref<512x128xf32, #tpu.memory_space<hbm>>) dst(%dma_wait3A_38 : memref<512x128xf32, #tpu.memory_space<vmem_shared>>)
      tpu.yield
    }) : () -> ()
    "tpu.region"() ({
      %run_scoped3A = tpu.sem_alloc : memref<!tpu.dma_semaphore, #tpu.memory_space<semaphore_mem>>
      %dma_start3A_36 = arith.constant 0 : i32
      %dma_start3A_37 = arith.constant 0 : i32
      %dma_start3A_38 = tpu.memref_slice %arg4[%add3A, %dma_start3A_36, %dma_start3A_37] : memref<32x64x128xi32, #tpu.memory_space<hbm>> -> memref<1x64x128xi32, #tpu.memory_space<hbm>>
      %dma_start3A_39 = tpu.memref_squeeze %dma_start3A_38 : memref<1x64x128xi32, #tpu.memory_space<hbm>> -> memref<64x128xi32, #tpu.memory_space<hbm>>
      %dma_start3A_40 = arith.constant 0 : i32
      %dma_start3A_41 = arith.constant 0 : i32
      %dma_start3A_42 = tpu.memref_slice %arg4[%add3A, %dma_start3A_40, %dma_start3A_41] : memref<32x64x128xi32, #tpu.memory_space<hbm>> -> memref<1x64x128xi32, #tpu.memory_space<hbm>>
      %dma_start3A_43 = tpu.memref_squeeze %dma_start3A_42 : memref<1x64x128xi32, #tpu.memory_space<hbm>> -> memref<64x128xi32, #tpu.memory_space<hbm>>
      tpu.enqueue_dma source(%dma_start3A_43 : memref<64x128xi32, #tpu.memory_space<hbm>>) target(%arg8 : memref<64x128xi32, #tpu.memory_space<vmem>>) target_semaphore(%run_scoped3A : memref<!tpu.dma_semaphore, #tpu.memory_space<semaphore_mem>>)
      %dma_wait3A = arith.constant 0 : i32
      %dma_wait3A_44 = arith.constant 0 : i32
      %dma_wait3A_45 = tpu.memref_slice %arg4[%add3A, %dma_wait3A, %dma_wait3A_44] : memref<32x64x128xi32, #tpu.memory_space<hbm>> -> memref<1x64x128xi32, #tpu.memory_space<hbm>>
      %dma_wait3A_46 = tpu.memref_squeeze %dma_wait3A_45 : memref<1x64x128xi32, #tpu.memory_space<hbm>> -> memref<64x128xi32, #tpu.memory_space<hbm>>
      %dma_wait3A_47 = arith.constant 0 : i32
      %dma_wait3A_48 = arith.constant 0 : i32
      %dma_wait3A_49 = tpu.memref_slice %arg4[%add3A, %dma_wait3A_47, %dma_wait3A_48] : memref<32x64x128xi32, #tpu.memory_space<hbm>> -> memref<1x64x128xi32, #tpu.memory_space<hbm>>
      %dma_wait3A_50 = tpu.memref_squeeze %dma_wait3A_49 : memref<1x64x128xi32, #tpu.memory_space<hbm>> -> memref<64x128xi32, #tpu.memory_space<hbm>>
      tpu.wait_dma2 semaphore(%run_scoped3A : memref<!tpu.dma_semaphore, #tpu.memory_space<semaphore_mem>>) src(%dma_wait3A_50 : memref<64x128xi32, #tpu.memory_space<hbm>>) dst(%arg8 : memref<64x128xi32, #tpu.memory_space<vmem>>)
      tpu.yield
    }) : () -> ()
    "tpu.region"() ({
      %run_scoped3A = tpu.sem_alloc : memref<!tpu.dma_semaphore, #tpu.memory_space<semaphore_mem>>
      %dma_start3A_36 = arith.constant 0 : i32
      %dma_start3A_37 = arith.constant 0 : i32
      %dma_start3A_38 = tpu.memref_slice %arg3[%add3A, %dma_start3A_36, %dma_start3A_37] : memref<32x64x128xi32, #tpu.memory_space<hbm>> -> memref<1x64x128xi32, #tpu.memory_space<hbm>>
      %dma_start3A_39 = tpu.memref_squeeze %dma_start3A_38 : memref<1x64x128xi32, #tpu.memory_space<hbm>> -> memref<64x128xi32, #tpu.memory_space<hbm>>
      %dma_start3A_40 = arith.constant 0 : i32
      %dma_start3A_41 = arith.constant 0 : i32
      %dma_start3A_42 = tpu.memref_slice %arg3[%add3A, %dma_start3A_40, %dma_start3A_41] : memref<32x64x128xi32, #tpu.memory_space<hbm>> -> memref<1x64x128xi32, #tpu.memory_space<hbm>>
      %dma_start3A_43 = tpu.memref_squeeze %dma_start3A_42 : memref<1x64x128xi32, #tpu.memory_space<hbm>> -> memref<64x128xi32, #tpu.memory_space<hbm>>
      tpu.enqueue_dma source(%dma_start3A_43 : memref<64x128xi32, #tpu.memory_space<hbm>>) target(%arg7 : memref<64x128xi32, #tpu.memory_space<vmem>>) target_semaphore(%run_scoped3A : memref<!tpu.dma_semaphore, #tpu.memory_space<semaphore_mem>>)
      %dma_wait3A = arith.constant 0 : i32
      %dma_wait3A_44 = arith.constant 0 : i32
      %dma_wait3A_45 = tpu.memref_slice %arg3[%add3A, %dma_wait3A, %dma_wait3A_44] : memref<32x64x128xi32, #tpu.memory_space<hbm>> -> memref<1x64x128xi32, #tpu.memory_space<hbm>>
      %dma_wait3A_46 = tpu.memref_squeeze %dma_wait3A_45 : memref<1x64x128xi32, #tpu.memory_space<hbm>> -> memref<64x128xi32, #tpu.memory_space<hbm>>
      %dma_wait3A_47 = arith.constant 0 : i32
      %dma_wait3A_48 = arith.constant 0 : i32
      %dma_wait3A_49 = tpu.memref_slice %arg3[%add3A, %dma_wait3A_47, %dma_wait3A_48] : memref<32x64x128xi32, #tpu.memory_space<hbm>> -> memref<1x64x128xi32, #tpu.memory_space<hbm>>
      %dma_wait3A_50 = tpu.memref_squeeze %dma_wait3A_49 : memref<1x64x128xi32, #tpu.memory_space<hbm>> -> memref<64x128xi32, #tpu.memory_space<hbm>>
      tpu.wait_dma2 semaphore(%run_scoped3A : memref<!tpu.dma_semaphore, #tpu.memory_space<semaphore_mem>>) src(%dma_wait3A_50 : memref<64x128xi32, #tpu.memory_space<hbm>>) dst(%arg7 : memref<64x128xi32, #tpu.memory_space<vmem>>)
      tpu.yield
    }) : () -> ()
    %barrier3A = arith.constant 0 : index
    tpu.barrier barrier_id(%barrier3A)
    %dma_start3A = arith.constant 0 : i32
    %dma_start3A_3 = arith.constant 0 : i32
    %dma_start3A_4 = arith.constant 0 : i32
    %dma_start3A_5 = arith.constant 0 : i32
    %dma_start3A_6 = tpu.memref_slice %arg9[%dma_start3A_3, %dma_start3A_4, %dma_start3A_5] : memref<2x128x128xf32, #tpu.memory_space<vmem>> -> memref<1x128x128xf32, #tpu.memory_space<vmem>>
    %dma_start3A_7 = tpu.memref_squeeze %dma_start3A_6 : memref<1x128x128xf32, #tpu.memory_space<vmem>> -> memref<128x128xf32, #tpu.memory_space<vmem>>
    %dma_start3A_8 = arith.constant 0 : i32
    %dma_start3A_9 = tpu.memref_slice %arg7[%dma_start3A, %dma_start3A_8] : memref<64x128xi32, #tpu.memory_space<vmem>> -> memref<1x128xi32, #tpu.memory_space<vmem>>
    %dma_start3A_10 = tpu.memref_squeeze %dma_start3A_9 : memref<1x128xi32, #tpu.memory_space<vmem>> -> memref<128xi32, #tpu.memory_space<vmem>>
    %dma_start3A_11 = arith.constant 0 : i32
    %dma_start3A_12 = arith.constant 0 : i32
    %dma_start3A_13 = tpu.memref_slice %arg2[%dma_start3A_11, %dma_start3A_12] : memref<8192x128xf32, #tpu.memory_space<hbm>> -> memref<8192x128xf32, #tpu.memory_space<hbm>>
    tpu.enqueue_indirect_dma source(%dma_start3A_13 : memref<8192x128xf32, #tpu.memory_space<hbm>>) target(%dma_start3A_7 : memref<128x128xf32, #tpu.memory_space<vmem>>) offsets(%dma_start3A_10 : memref<128xi32, #tpu.memory_space<vmem>>) semaphore(%arg11 : memref<!tpu.dma_semaphore, #tpu.memory_space<semaphore_mem>>)
    %dma_start3A_14 = arith.constant 1 : i32
    %dma_start3A_15 = arith.constant 1 : i32
    %dma_start3A_16 = arith.constant 0 : i32
    %dma_start3A_17 = arith.constant 0 : i32
    %dma_start3A_18 = tpu.memref_slice %arg9[%dma_start3A_15, %dma_start3A_16, %dma_start3A_17] : memref<2x128x128xf32, #tpu.memory_space<vmem>> -> memref<1x128x128xf32, #tpu.memory_space<vmem>>
    %dma_start3A_19 = tpu.memref_squeeze %dma_start3A_18 : memref<1x128x128xf32, #tpu.memory_space<vmem>> -> memref<128x128xf32, #tpu.memory_space<vmem>>
    %dma_start3A_20 = arith.constant 0 : i32
    %dma_start3A_21 = tpu.memref_slice %arg7[%dma_start3A_14, %dma_start3A_20] : memref<64x128xi32, #tpu.memory_space<vmem>> -> memref<1x128xi32, #tpu.memory_space<vmem>>
    %dma_start3A_22 = tpu.memref_squeeze %dma_start3A_21 : memref<1x128xi32, #tpu.memory_space<vmem>> -> memref<128xi32, #tpu.memory_space<vmem>>
    %dma_start3A_23 = arith.constant 0 : i32
    %dma_start3A_24 = arith.constant 0 : i32
    %dma_start3A_25 = tpu.memref_slice %arg2[%dma_start3A_23, %dma_start3A_24] : memref<8192x128xf32, #tpu.memory_space<hbm>> -> memref<8192x128xf32, #tpu.memory_space<hbm>>
    tpu.enqueue_indirect_dma source(%dma_start3A_25 : memref<8192x128xf32, #tpu.memory_space<hbm>>) target(%dma_start3A_19 : memref<128x128xf32, #tpu.memory_space<vmem>>) offsets(%dma_start3A_22 : memref<128xi32, #tpu.memory_space<vmem>>) semaphore(%arg12 : memref<!tpu.dma_semaphore, #tpu.memory_space<semaphore_mem>>)
    %scan3A = arith.constant 0 : i32
    %scan3A_26 = arith.constant 0 : i32
    %scan3A_27 = arith.constant 32 : i32
    %scan3A_28 = arith.addi %scan3A_26, %scan3A_27 : i32
    %scan3A_29 = arith.constant 1 : i32
    scf.for %scan3A_36 = %scan3A_26 to %scan3A_28 step %scan3A_29  : i32 {
      %mul3A_37 = arith.constant 2 : i32
      %mul3A_38 = arith.muli %scan3A_36, %mul3A_37 : i32
      %add3A_39 = arith.constant 0 : i32
      %add3A_40 = arith.addi %mul3A_38, %add3A_39 : i32
      %dma_wait3A = arith.constant 0 : i32
      %dma_wait3A_41 = arith.constant 0 : i32
      %dma_wait3A_42 = arith.constant 0 : i32
      %dma_wait3A_43 = tpu.memref_slice %arg9[%dma_wait3A, %dma_wait3A_41, %dma_wait3A_42] : memref<2x128x128xf32, #tpu.memory_space<vmem>> -> memref<1x128x128xf32, #tpu.memory_space<vmem>>
      %dma_wait3A_44 = tpu.memref_squeeze %dma_wait3A_43 : memref<1x128x128xf32, #tpu.memory_space<vmem>> -> memref<128x128xf32, #tpu.memory_space<vmem>>
      %dma_wait3A_45 = arith.constant 0 : i32
      %dma_wait3A_46 = tpu.memref_slice %arg7[%add3A_40, %dma_wait3A_45] : memref<64x128xi32, #tpu.memory_space<vmem>> -> memref<1x128xi32, #tpu.memory_space<vmem>>
      %dma_wait3A_47 = tpu.memref_squeeze %dma_wait3A_46 : memref<1x128xi32, #tpu.memory_space<vmem>> -> memref<128xi32, #tpu.memory_space<vmem>>
      %dma_wait3A_48 = arith.constant 0 : i32
      %dma_wait3A_49 = arith.constant 0 : i32
      %dma_wait3A_50 = tpu.memref_slice %arg2[%dma_wait3A_48, %dma_wait3A_49] : memref<8192x128xf32, #tpu.memory_space<hbm>> -> memref<8192x128xf32, #tpu.memory_space<hbm>>
      tpu.wait_indirect_dma semaphore(%arg11 : memref<!tpu.dma_semaphore, #tpu.memory_space<semaphore_mem>>) src(%dma_wait3A_50 : memref<8192x128xf32, #tpu.memory_space<hbm>>) dst(%dma_wait3A_44 : memref<128x128xf32, #tpu.memory_space<vmem>>)
      %run_scoped3A = arith.constant 0 : i32
      "tpu.region"() ({
        %run_scoped3A_78 = tpu.sem_alloc : memref<!tpu.dma_semaphore, #tpu.memory_space<semaphore_mem>>
        %dma_start3A_79 = arith.constant 0 : i32
        %dma_start3A_80 = arith.constant 0 : i32
        %dma_start3A_81 = tpu.memref_slice %arg9[%run_scoped3A, %dma_start3A_79, %dma_start3A_80] : memref<2x128x128xf32, #tpu.memory_space<vmem>> -> memref<1x128x128xf32, #tpu.memory_space<vmem>>
        %dma_start3A_82 = tpu.memref_squeeze %dma_start3A_81 : memref<1x128x128xf32, #tpu.memory_space<vmem>> -> memref<128x128xf32, #tpu.memory_space<vmem>>
        %dma_start3A_83 = arith.constant 0 : i32
        %dma_start3A_84 = tpu.memref_slice %arg8[%add3A_40, %dma_start3A_83] : memref<64x128xi32, #tpu.memory_space<vmem>> -> memref<1x128xi32, #tpu.memory_space<vmem>>
        %dma_start3A_85 = tpu.memref_squeeze %dma_start3A_84 : memref<1x128xi32, #tpu.memory_space<vmem>> -> memref<128xi32, #tpu.memory_space<vmem>>
        %dma_start3A_86 = arith.constant 0 : i32
        %dma_start3A_87 = arith.constant 0 : i32
        %dma_start3A_88 = tpu.memref_slice %arg10[%dma_start3A_86, %dma_start3A_87] : memref<8192x128xf32, #tpu.memory_space<vmem_shared>> -> memref<8192x128xf32, #tpu.memory_space<vmem_shared>>
        tpu.enqueue_indirect_dma source(%dma_start3A_82 : memref<128x128xf32, #tpu.memory_space<vmem>>) target(%dma_start3A_88 : memref<8192x128xf32, #tpu.memory_space<vmem_shared>>) offsets(%dma_start3A_85 : memref<128xi32, #tpu.memory_space<vmem>>) semaphore(%run_scoped3A_78 : memref<!tpu.dma_semaphore, #tpu.memory_space<semaphore_mem>>) {add = true}
        %dma_wait3A_89 = arith.constant 0 : i32
        %dma_wait3A_90 = arith.constant 0 : i32
        %dma_wait3A_91 = tpu.memref_slice %arg9[%run_scoped3A, %dma_wait3A_89, %dma_wait3A_90] : memref<2x128x128xf32, #tpu.memory_space<vmem>> -> memref<1x128x128xf32, #tpu.memory_space<vmem>>
        %dma_wait3A_92 = tpu.memref_squeeze %dma_wait3A_91 : memref<1x128x128xf32, #tpu.memory_space<vmem>> -> memref<128x128xf32, #tpu.memory_space<vmem>>
        %dma_wait3A_93 = arith.constant 0 : i32
        %dma_wait3A_94 = tpu.memref_slice %arg8[%add3A_40, %dma_wait3A_93] : memref<64x128xi32, #tpu.memory_space<vmem>> -> memref<1x128xi32, #tpu.memory_space<vmem>>
        %dma_wait3A_95 = tpu.memref_squeeze %dma_wait3A_94 : memref<1x128xi32, #tpu.memory_space<vmem>> -> memref<128xi32, #tpu.memory_space<vmem>>
        %dma_wait3A_96 = arith.constant 0 : i32
        %dma_wait3A_97 = arith.constant 0 : i32
        %dma_wait3A_98 = tpu.memref_slice %arg10[%dma_wait3A_96, %dma_wait3A_97] : memref<8192x128xf32, #tpu.memory_space<vmem_shared>> -> memref<8192x128xf32, #tpu.memory_space<vmem_shared>>
        tpu.wait_indirect_dma semaphore(%run_scoped3A_78 : memref<!tpu.dma_semaphore, #tpu.memory_space<semaphore_mem>>) src(%dma_wait3A_92 : memref<128x128xf32, #tpu.memory_space<vmem>>) dst(%dma_wait3A_98 : memref<8192x128xf32, #tpu.memory_space<vmem_shared>>)
        tpu.yield
      }) : () -> ()
      %add3A_51 = arith.constant 2 : i32
      %add3A_52 = arith.addi %add3A_40, %add3A_51 : i32
      %lt3A = arith.constant 64 : i32
      %lt3A_53 = arith.cmpi slt, %add3A_52, %lt3A : i32
      %convert_element_type3A = arith.extui %lt3A_53 : i1 to i32
      %cond3A = arith.constant 0 : i32
      %cond3A_54 = arith.cmpi ne, %convert_element_type3A, %cond3A : i32
      scf.if %cond3A_54 {
        %add3A_78 = arith.constant 2 : i32
        %add3A_79 = arith.addi %add3A_40, %add3A_78 : i32
        %dma_start3A_80 = arith.constant 0 : i32
        %dma_start3A_81 = arith.constant 0 : i32
        %dma_start3A_82 = arith.constant 0 : i32
        %dma_start3A_83 = tpu.memref_slice %arg9[%dma_start3A_80, %dma_start3A_81, %dma_start3A_82] : memref<2x128x128xf32, #tpu.memory_space<vmem>> -> memref<1x128x128xf32, #tpu.memory_space<vmem>>
        %dma_start3A_84 = tpu.memref_squeeze %dma_start3A_83 : memref<1x128x128xf32, #tpu.memory_space<vmem>> -> memref<128x128xf32, #tpu.memory_space<vmem>>
        %dma_start3A_85 = arith.constant 0 : i32
        %dma_start3A_86 = tpu.memref_slice %arg7[%add3A_79, %dma_start3A_85] : memref<64x128xi32, #tpu.memory_space<vmem>> -> memref<1x128xi32, #tpu.memory_space<vmem>>
        %dma_start3A_87 = tpu.memref_squeeze %dma_start3A_86 : memref<1x128xi32, #tpu.memory_space<vmem>> -> memref<128xi32, #tpu.memory_space<vmem>>
        %dma_start3A_88 = arith.constant 0 : i32
        %dma_start3A_89 = arith.constant 0 : i32
        %dma_start3A_90 = tpu.memref_slice %arg2[%dma_start3A_88, %dma_start3A_89] : memref<8192x128xf32, #tpu.memory_space<hbm>> -> memref<8192x128xf32, #tpu.memory_space<hbm>>
        tpu.enqueue_indirect_dma source(%dma_start3A_90 : memref<8192x128xf32, #tpu.memory_space<hbm>>) target(%dma_start3A_84 : memref<128x128xf32, #tpu.memory_space<vmem>>) offsets(%dma_start3A_87 : memref<128xi32, #tpu.memory_space<vmem>>) semaphore(%arg11 : memref<!tpu.dma_semaphore, #tpu.memory_space<semaphore_mem>>)
      } else {
      }
      %mul3A_55 = arith.constant 2 : i32
      %mul3A_56 = arith.muli %scan3A_36, %mul3A_55 : i32
      %add3A_57 = arith.constant 1 : i32
      %add3A_58 = arith.addi %mul3A_56, %add3A_57 : i32
      %dma_wait3A_59 = arith.constant 1 : i32
      %dma_wait3A_60 = arith.constant 0 : i32
      %dma_wait3A_61 = arith.constant 0 : i32
      %dma_wait3A_62 = tpu.memref_slice %arg9[%dma_wait3A_59, %dma_wait3A_60, %dma_wait3A_61] : memref<2x128x128xf32, #tpu.memory_space<vmem>> -> memref<1x128x128xf32, #tpu.memory_space<vmem>>
      %dma_wait3A_63 = tpu.memref_squeeze %dma_wait3A_62 : memref<1x128x128xf32, #tpu.memory_space<vmem>> -> memref<128x128xf32, #tpu.memory_space<vmem>>
      %dma_wait3A_64 = arith.constant 0 : i32
      %dma_wait3A_65 = tpu.memref_slice %arg7[%add3A_58, %dma_wait3A_64] : memref<64x128xi32, #tpu.memory_space<vmem>> -> memref<1x128xi32, #tpu.memory_space<vmem>>
      %dma_wait3A_66 = tpu.memref_squeeze %dma_wait3A_65 : memref<1x128xi32, #tpu.memory_space<vmem>> -> memref<128xi32, #tpu.memory_space<vmem>>
      %dma_wait3A_67 = arith.constant 0 : i32
      %dma_wait3A_68 = arith.constant 0 : i32
      %dma_wait3A_69 = tpu.memref_slice %arg2[%dma_wait3A_67, %dma_wait3A_68] : memref<8192x128xf32, #tpu.memory_space<hbm>> -> memref<8192x128xf32, #tpu.memory_space<hbm>>
      tpu.wait_indirect_dma semaphore(%arg12 : memref<!tpu.dma_semaphore, #tpu.memory_space<semaphore_mem>>) src(%dma_wait3A_69 : memref<8192x128xf32, #tpu.memory_space<hbm>>) dst(%dma_wait3A_63 : memref<128x128xf32, #tpu.memory_space<vmem>>)
      %run_scoped3A_70 = arith.constant 1 : i32
      "tpu.region"() ({
        %run_scoped3A_78 = tpu.sem_alloc : memref<!tpu.dma_semaphore, #tpu.memory_space<semaphore_mem>>
        %dma_start3A_79 = arith.constant 0 : i32
        %dma_start3A_80 = arith.constant 0 : i32
        %dma_start3A_81 = tpu.memref_slice %arg9[%run_scoped3A_70, %dma_start3A_79, %dma_start3A_80] : memref<2x128x128xf32, #tpu.memory_space<vmem>> -> memref<1x128x128xf32, #tpu.memory_space<vmem>>
        %dma_start3A_82 = tpu.memref_squeeze %dma_start3A_81 : memref<1x128x128xf32, #tpu.memory_space<vmem>> -> memref<128x128xf32, #tpu.memory_space<vmem>>
        %dma_start3A_83 = arith.constant 0 : i32
        %dma_start3A_84 = tpu.memref_slice %arg8[%add3A_58, %dma_start3A_83] : memref<64x128xi32, #tpu.memory_space<vmem>> -> memref<1x128xi32, #tpu.memory_space<vmem>>
        %dma_start3A_85 = tpu.memref_squeeze %dma_start3A_84 : memref<1x128xi32, #tpu.memory_space<vmem>> -> memref<128xi32, #tpu.memory_space<vmem>>
        %dma_start3A_86 = arith.constant 0 : i32
        %dma_start3A_87 = arith.constant 0 : i32
        %dma_start3A_88 = tpu.memref_slice %arg10[%dma_start3A_86, %dma_start3A_87] : memref<8192x128xf32, #tpu.memory_space<vmem_shared>> -> memref<8192x128xf32, #tpu.memory_space<vmem_shared>>
        tpu.enqueue_indirect_dma source(%dma_start3A_82 : memref<128x128xf32, #tpu.memory_space<vmem>>) target(%dma_start3A_88 : memref<8192x128xf32, #tpu.memory_space<vmem_shared>>) offsets(%dma_start3A_85 : memref<128xi32, #tpu.memory_space<vmem>>) semaphore(%run_scoped3A_78 : memref<!tpu.dma_semaphore, #tpu.memory_space<semaphore_mem>>) {add = true}
        %dma_wait3A_89 = arith.constant 0 : i32
        %dma_wait3A_90 = arith.constant 0 : i32
        %dma_wait3A_91 = tpu.memref_slice %arg9[%run_scoped3A_70, %dma_wait3A_89, %dma_wait3A_90] : memref<2x128x128xf32, #tpu.memory_space<vmem>> -> memref<1x128x128xf32, #tpu.memory_space<vmem>>
        %dma_wait3A_92 = tpu.memref_squeeze %dma_wait3A_91 : memref<1x128x128xf32, #tpu.memory_space<vmem>> -> memref<128x128xf32, #tpu.memory_space<vmem>>
        %dma_wait3A_93 = arith.constant 0 : i32
        %dma_wait3A_94 = tpu.memref_slice %arg8[%add3A_58, %dma_wait3A_93] : memref<64x128xi32, #tpu.memory_space<vmem>> -> memref<1x128xi32, #tpu.memory_space<vmem>>
        %dma_wait3A_95 = tpu.memref_squeeze %dma_wait3A_94 : memref<1x128xi32, #tpu.memory_space<vmem>> -> memref<128xi32, #tpu.memory_space<vmem>>
        %dma_wait3A_96 = arith.constant 0 : i32
        %dma_wait3A_97 = arith.constant 0 : i32
        %dma_wait3A_98 = tpu.memref_slice %arg10[%dma_wait3A_96, %dma_wait3A_97] : memref<8192x128xf32, #tpu.memory_space<vmem_shared>> -> memref<8192x128xf32, #tpu.memory_space<vmem_shared>>
        tpu.wait_indirect_dma semaphore(%run_scoped3A_78 : memref<!tpu.dma_semaphore, #tpu.memory_space<semaphore_mem>>) src(%dma_wait3A_92 : memref<128x128xf32, #tpu.memory_space<vmem>>) dst(%dma_wait3A_98 : memref<8192x128xf32, #tpu.memory_space<vmem_shared>>)
        tpu.yield
      }) : () -> ()
      %add3A_71 = arith.constant 2 : i32
      %add3A_72 = arith.addi %add3A_58, %add3A_71 : i32
      %lt3A_73 = arith.constant 64 : i32
      %lt3A_74 = arith.cmpi slt, %add3A_72, %lt3A_73 : i32
      %convert_element_type3A_75 = arith.extui %lt3A_74 : i1 to i32
      %cond3A_76 = arith.constant 0 : i32
      %cond3A_77 = arith.cmpi ne, %convert_element_type3A_75, %cond3A_76 : i32
      scf.if %cond3A_77 {
        %add3A_78 = arith.constant 2 : i32
        %add3A_79 = arith.addi %add3A_58, %add3A_78 : i32
        %dma_start3A_80 = arith.constant 1 : i32
        %dma_start3A_81 = arith.constant 0 : i32
        %dma_start3A_82 = arith.constant 0 : i32
        %dma_start3A_83 = tpu.memref_slice %arg9[%dma_start3A_80, %dma_start3A_81, %dma_start3A_82] : memref<2x128x128xf32, #tpu.memory_space<vmem>> -> memref<1x128x128xf32, #tpu.memory_space<vmem>>
        %dma_start3A_84 = tpu.memref_squeeze %dma_start3A_83 : memref<1x128x128xf32, #tpu.memory_space<vmem>> -> memref<128x128xf32, #tpu.memory_space<vmem>>
        %dma_start3A_85 = arith.constant 0 : i32
        %dma_start3A_86 = tpu.memref_slice %arg7[%add3A_79, %dma_start3A_85] : memref<64x128xi32, #tpu.memory_space<vmem>> -> memref<1x128xi32, #tpu.memory_space<vmem>>
        %dma_start3A_87 = tpu.memref_squeeze %dma_start3A_86 : memref<1x128xi32, #tpu.memory_space<vmem>> -> memref<128xi32, #tpu.memory_space<vmem>>
        %dma_start3A_88 = arith.constant 0 : i32
        %dma_start3A_89 = arith.constant 0 : i32
        %dma_start3A_90 = tpu.memref_slice %arg2[%dma_start3A_88, %dma_start3A_89] : memref<8192x128xf32, #tpu.memory_space<hbm>> -> memref<8192x128xf32, #tpu.memory_space<hbm>>
        tpu.enqueue_indirect_dma source(%dma_start3A_90 : memref<8192x128xf32, #tpu.memory_space<hbm>>) target(%dma_start3A_84 : memref<128x128xf32, #tpu.memory_space<vmem>>) offsets(%dma_start3A_87 : memref<128xi32, #tpu.memory_space<vmem>>) semaphore(%arg12 : memref<!tpu.dma_semaphore, #tpu.memory_space<semaphore_mem>>)
      } else {
      }
    }
    %scan3A_30 = arith.constant 32 : i32
    %barrier3A_31 = arith.constant 0 : index
    tpu.barrier barrier_id(%barrier3A_31)
    %mul3A_32 = arith.constant 512 : i32
    %mul3A_33 = arith.muli %arg1, %mul3A_32 : i32
    %mul3A_34 = arith.constant 512 : i32
    %mul3A_35 = arith.muli %arg1, %mul3A_34 : i32
    "tpu.region"() ({
      %run_scoped3A = tpu.sem_alloc : memref<!tpu.dma_semaphore, #tpu.memory_space<semaphore_mem>>
      %dma_start3A_36 = arith.constant 0 : i32
      %dma_start3A_37 = tpu.memref_slice %arg6[%arg0, %mul3A_35, %dma_start3A_36] : memref<2x8192x128xf32, #tpu.memory_space<hbm>> -> memref<1x512x128xf32, #tpu.memory_space<hbm>>
      %dma_start3A_38 = tpu.memref_squeeze %dma_start3A_37 : memref<1x512x128xf32, #tpu.memory_space<hbm>> -> memref<512x128xf32, #tpu.memory_space<hbm>>
      %dma_start3A_39 = arith.constant 0 : i32
      %dma_start3A_40 = tpu.memref_slice %arg10[%mul3A_33, %dma_start3A_39] : memref<8192x128xf32, #tpu.memory_space<vmem_shared>> -> memref<512x128xf32, #tpu.memory_space<vmem_shared>>
      tpu.enqueue_dma source(%dma_start3A_40 : memref<512x128xf32, #tpu.memory_space<vmem_shared>>) target(%dma_start3A_38 : memref<512x128xf32, #tpu.memory_space<hbm>>) target_semaphore(%run_scoped3A : memref<!tpu.dma_semaphore, #tpu.memory_space<semaphore_mem>>)
      %dma_wait3A = arith.constant 0 : i32
      %dma_wait3A_41 = tpu.memref_slice %arg6[%arg0, %mul3A_35, %dma_wait3A] : memref<2x8192x128xf32, #tpu.memory_space<hbm>> -> memref<1x512x128xf32, #tpu.memory_space<hbm>>
      %dma_wait3A_42 = tpu.memref_squeeze %dma_wait3A_41 : memref<1x512x128xf32, #tpu.memory_space<hbm>> -> memref<512x128xf32, #tpu.memory_space<hbm>>
      %dma_wait3A_43 = arith.constant 0 : i32
      %dma_wait3A_44 = tpu.memref_slice %arg10[%mul3A_33, %dma_wait3A_43] : memref<8192x128xf32, #tpu.memory_space<vmem_shared>> -> memref<512x128xf32, #tpu.memory_space<vmem_shared>>
      tpu.wait_dma2 semaphore(%run_scoped3A : memref<!tpu.dma_semaphore, #tpu.memory_space<semaphore_mem>>) src(%dma_wait3A_44 : memref<512x128xf32, #tpu.memory_space<vmem_shared>>) dst(%dma_wait3A_42 : memref<512x128xf32, #tpu.memory_space<hbm>>)
      tpu.yield
    }) : () -> ()
    return
  }
}

module attributes {stable_mosaic.version = 14 : i64} {
  func.func @kfn(%arg0: i32, %arg1: memref<512x512xf32, #tpu.memory_space<vmem>>, %arg2: memref<512x512xf32, #tpu.memory_space<vmem>>, %arg3: memref<2x512x128xf32, #tpu.memory_space<vmem>>, %arg4: memref<512x256xf32, #tpu.memory_space<vmem>>) attributes {dimension_semantics = [#tpu.dimension_semantics<arbitrary>], iteration_bounds = array<i64: 8>, scalar_prefetch = 0 : i64, scratch_operands = 0 : i64, tpu.core_type = #tpu.core_type<tc>, window_params = [{transform_indices = @transform_0, window_bounds = array<i64: 512, 512>}, {pipeline_mode = #tpu.pipeline_mode<synchronous>, transform_indices = @transform_1, window_bounds = array<i64: 512, 512>}, {transform_indices = @transform_2, window_bounds = array<i64: 2, 512, 128>}, {transform_indices = @transform_3, window_bounds = array<i64: 512, 256>}]} {
    %get3A = arith.constant 0 : index
    %get3A_0 = arith.constant 0 : index
    %get3A_1 = vector.load %arg1[%get3A, %get3A_0] : memref<512x512xf32, #tpu.memory_space<vmem>>, vector<512x512xf32>
    %get3A_2 = arith.constant 0 : index
    %get3A_3 = arith.constant 0 : index
    %get3A_4 = vector.load %arg2[%get3A_2, %get3A_3] : memref<512x512xf32, #tpu.memory_space<vmem>>, vector<512x512xf32>
    %dot_general3A = arith.constant dense<0.000000e+00> : vector<512x512xf32>
    %dot_general3A_5 = tpu.matmul %get3A_1, %get3A_4, %dot_general3A {dimension_numbers = #tpu.dot_dimension_numbers<[1], [0], [0], [1], [0, 0, 1, 1], [], []>, transpose_lhs_hint = false} : vector<512x512xf32>, vector<512x512xf32>, vector<512x512xf32> -> vector<512x512xf32>
    %slice3A = vector.extract_strided_slice %dot_general3A_5 {offsets = [0, 0], sizes = [512, 128], strides = [1, 1]} : vector<512x512xf32> to vector<512x128xf32>
    %swap3A = arith.constant 0 : index
    %swap3A_6 = arith.constant 0 : index
    %swap3A_7 = arith.constant 0 : index
    %swap3A_8 = vector.load %arg3[%swap3A, %swap3A_6, %swap3A_7] : memref<2x512x128xf32, #tpu.memory_space<vmem>>, vector<1x512x128xf32>
    %swap3A_9 = vector.shape_cast %swap3A_8 : vector<1x512x128xf32> to vector<512x128xf32>
    %swap3A_10 = vector.shape_cast %slice3A : vector<512x128xf32> to vector<1x512x128xf32>
    tpu.vector_store %arg3[%swap3A, %swap3A_6, %swap3A_7], %swap3A_10 {strides = array<i32>} : memref<2x512x128xf32, #tpu.memory_space<vmem>>, vector<1x512x128xf32>,
    %slice3A_11 = vector.extract_strided_slice %dot_general3A_5 {offsets = [0, 128], sizes = [512, 128], strides = [1, 1]} : vector<512x512xf32> to vector<512x128xf32>
    %swap3A_12 = arith.constant 1 : index
    %swap3A_13 = arith.constant 0 : index
    %swap3A_14 = arith.constant 0 : index
    %swap3A_15 = vector.load %arg3[%swap3A_12, %swap3A_13, %swap3A_14] : memref<2x512x128xf32, #tpu.memory_space<vmem>>, vector<1x512x128xf32>
    %swap3A_16 = vector.shape_cast %swap3A_15 : vector<1x512x128xf32> to vector<512x128xf32>
    %swap3A_17 = vector.shape_cast %slice3A_11 : vector<512x128xf32> to vector<1x512x128xf32>
    tpu.vector_store %arg3[%swap3A_12, %swap3A_13, %swap3A_14], %swap3A_17 {strides = array<i32>} : memref<2x512x128xf32, #tpu.memory_space<vmem>>, vector<1x512x128xf32>,
    %slice3A_18 = vector.extract_strided_slice %dot_general3A_5 {offsets = [0, 256], sizes = [512, 256], strides = [1, 1]} : vector<512x512xf32> to vector<512x256xf32>
    %swap3A_19 = arith.constant 0 : index
    %swap3A_20 = arith.constant 0 : index
    %swap3A_21 = vector.load %arg4[%swap3A_19, %swap3A_20] : memref<512x256xf32, #tpu.memory_space<vmem>>, vector<512x256xf32>
    tpu.vector_store %arg4[%swap3A_19, %swap3A_20], %slice3A_18 {strides = array<i32>} : memref<512x256xf32, #tpu.memory_space<vmem>>, vector<512x256xf32>,
    return
  }
  func.func @transform_0(%arg0: i32) -> (i32, i32) {
    %c0_i32 = arith.constant 0 : i32
    %c0_i32_0 = arith.constant 0 : i32
    return %arg0, %c0_i32 : i32, i32
  }
  func.func @transform_1(%arg0: i32) -> (i32, i32) {
    %c0_i32 = arith.constant 0 : i32
    %c0_i32_0 = arith.constant 0 : i32
    %c0_i32_1 = arith.constant 0 : i32
    return %c0_i32, %c0_i32_0 : i32, i32
  }
  func.func @transform_2(%arg0: i32) -> (i32, i32, i32) {
    %c0_i32 = arith.constant 0 : i32
    %c0_i32_0 = arith.constant 0 : i32
    %c0_i32_1 = arith.constant 0 : i32
    return %c0_i32, %arg0, %c0_i32_0 : i32, i32, i32
  }
  func.func @transform_3(%arg0: i32) -> (i32, i32) {
    %c0_i32 = arith.constant 0 : i32
    %c0_i32_0 = arith.constant 0 : i32
    return %arg0, %c0_i32 : i32, i32
  }
}

module attributes {stable_mosaic.version = 14 : i64} {
  func.func @kfn(%arg0: i32, %arg1: memref<2x512x128xf32, #tpu.memory_space<vmem>>, %arg2: memref<2x512x128xf32, #tpu.memory_space<vmem>>, %arg3: memref<2x512x128xf32, #tpu.memory_space<vmem>>) attributes {dimension_semantics = [#tpu.dimension_semantics<arbitrary>], iteration_bounds = array<i64: 8>, scalar_prefetch = 0 : i64, scratch_operands = 0 : i64, tpu.core_type = #tpu.core_type<tc>, window_params = [{transform_indices = @transform_0, window_bounds = array<i64: 2, 512, 128>}, {transform_indices = @transform_1, window_bounds = array<i64: 2, 512, 128>}, {transform_indices = @transform_2, window_bounds = array<i64: 2, 512, 128>}]} {
    %get3A = arith.constant 0 : index
    %get3A_0 = arith.constant 0 : index
    %get3A_1 = arith.constant 0 : index
    %get3A_2 = vector.load %arg1[%get3A, %get3A_0, %get3A_1] : memref<2x512x128xf32, #tpu.memory_space<vmem>>, vector<2x512x128xf32>
    %reduce_sum3A = arith.constant dense<0.000000e+00> : vector<512xf32>
    %reduce_sum3A_3 = vector.multi_reduction <add>, %get3A_2, %reduce_sum3A [0, 2] : vector<2x512x128xf32> to vector<512xf32>
    %mul3A = arith.constant 7.812500e-03 : f32
    %mul3A_4 = vector.broadcast %mul3A : f32 to vector<512xf32>
    %mul3A_5 = arith.mulf %reduce_sum3A_3, %mul3A_4 : vector<512xf32>
    %add3A = arith.constant 1.000000e+00 : f32
    %add3A_6 = vector.broadcast %add3A : f32 to vector<512xf32>
    %add3A_7 = arith.addf %mul3A_5, %add3A_6 : vector<512xf32>
    %rsqrt3A = math.rsqrt %add3A_7 : vector<512xf32>
    %get3A_8 = arith.constant 0 : index
    %get3A_9 = arith.constant 0 : index
    %get3A_10 = arith.constant 0 : index
    %get3A_11 = vector.load %arg2[%get3A_8, %get3A_9, %get3A_10] : memref<2x512x128xf32, #tpu.memory_space<vmem>>, vector<2x512x128xf32>
    %broadcast_in_dim3A = vector.shape_cast %rsqrt3A : vector<512xf32> to vector<1x512x1xf32>
    %mul3A_12 = vector.broadcast %broadcast_in_dim3A : vector<1x512x1xf32> to vector<2x512x128xf32>
    %mul3A_13 = arith.mulf %get3A_11, %mul3A_12 : vector<2x512x128xf32>
    %swap3A = arith.constant 0 : index
    %swap3A_14 = arith.constant 0 : index
    %swap3A_15 = arith.constant 0 : index
    %swap3A_16 = vector.load %arg3[%swap3A, %swap3A_14, %swap3A_15] : memref<2x512x128xf32, #tpu.memory_space<vmem>>, vector<2x512x128xf32>
    tpu.vector_store %arg3[%swap3A, %swap3A_14, %swap3A_15], %mul3A_13 {strides = array<i32>} : memref<2x512x128xf32, #tpu.memory_space<vmem>>, vector<2x512x128xf32>,
    return
  }
  func.func @transform_0(%arg0: i32) -> (i32, i32, i32) {
    %c0_i32 = arith.constant 0 : i32
    %c0_i32_0 = arith.constant 0 : i32
    %c0_i32_1 = arith.constant 0 : i32
    return %c0_i32, %arg0, %c0_i32_0 : i32, i32, i32
  }
  func.func @transform_1(%arg0: i32) -> (i32, i32, i32) {
    %c0_i32 = arith.constant 0 : i32
    %c0_i32_0 = arith.constant 0 : i32
    %c0_i32_1 = arith.constant 0 : i32
    return %c0_i32, %arg0, %c0_i32_0 : i32, i32, i32
  }
  func.func @transform_2(%arg0: i32) -> (i32, i32, i32) {
    %c0_i32 = arith.constant 0 : i32
    %c0_i32_0 = arith.constant 0 : i32
    %c0_i32_1 = arith.constant 0 : i32
    return %c0_i32, %arg0, %c0_i32_0 : i32, i32, i32
  }
}

module attributes {stable_mosaic.version = 14 : i64} {
  func.func @kfn(%arg0: i32, %arg1: memref<2x512x128xf32, #tpu.memory_space<vmem>>, %arg2: memref<2x512x128xf32, #tpu.memory_space<vmem>>, %arg3: memref<512x128xf32, #tpu.memory_space<vmem>>, %arg4: memref<128x256xf32, #tpu.memory_space<vmem>>, %arg5: memref<512x128xf32, #tpu.memory_space<vmem>>, %arg6: memref<512x128xbf16, #tpu.memory_space<vmem>>, %arg7: memref<512x256xf32, #tpu.memory_space<vmem>>) attributes {dimension_semantics = [#tpu.dimension_semantics<arbitrary>], iteration_bounds = array<i64: 8>, scalar_prefetch = 0 : i64, scratch_operands = 0 : i64, tpu.core_type = #tpu.core_type<tc>, window_params = [{transform_indices = @transform_0, window_bounds = array<i64: 2, 512, 128>}, {transform_indices = @transform_1, window_bounds = array<i64: 2, 512, 128>}, {transform_indices = @transform_2, window_bounds = array<i64: 512, 128>}, {pipeline_mode = #tpu.pipeline_mode<synchronous>, transform_indices = @transform_3, window_bounds = array<i64: 128, 256>}, {transform_indices = @transform_4, window_bounds = array<i64: 512, 128>}, {transform_indices = @transform_5, window_bounds = array<i64: 512, 128>}, {transform_indices = @transform_6, window_bounds = array<i64: 512, 256>}]} {
    %get3A = arith.constant 0 : index
    %get3A_0 = arith.constant 0 : index
    %get3A_1 = arith.constant 0 : index
    %get3A_2 = vector.load %arg1[%get3A, %get3A_0, %get3A_1] : memref<2x512x128xf32, #tpu.memory_space<vmem>>, vector<2x512x128xf32>
    %reduce_sum3A = arith.constant dense<0.000000e+00> : vector<512xf32>
    %reduce_sum3A_3 = vector.multi_reduction <add>, %get3A_2, %reduce_sum3A [0, 2] : vector<2x512x128xf32> to vector<512xf32>
    %mul3A = arith.constant 7.812500e-03 : f32
    %mul3A_4 = vector.broadcast %mul3A : f32 to vector<512xf32>
    %mul3A_5 = arith.mulf %reduce_sum3A_3, %mul3A_4 : vector<512xf32>
    %add3A = arith.constant 1.000000e+00 : f32
    %add3A_6 = vector.broadcast %add3A : f32 to vector<512xf32>
    %add3A_7 = arith.addf %mul3A_5, %add3A_6 : vector<512xf32>
    %rsqrt3A = math.rsqrt %add3A_7 : vector<512xf32>
    %get3A_8 = arith.constant 0 : index
    %get3A_9 = arith.constant 0 : index
    %get3A_10 = arith.constant 0 : index
    %get3A_11 = vector.load %arg2[%get3A_8, %get3A_9, %get3A_10] : memref<2x512x128xf32, #tpu.memory_space<vmem>>, vector<1x512x128xf32>
    %get3A_12 = vector.shape_cast %get3A_11 : vector<1x512x128xf32> to vector<512x128xf32>
    %get3A_13 = arith.constant 1 : index
    %get3A_14 = arith.constant 0 : index
    %get3A_15 = arith.constant 0 : index
    %get3A_16 = vector.load %arg2[%get3A_13, %get3A_14, %get3A_15] : memref<2x512x128xf32, #tpu.memory_space<vmem>>, vector<1x512x128xf32>
    %get3A_17 = vector.shape_cast %get3A_16 : vector<1x512x128xf32> to vector<512x128xf32>
    %add3A_18 = arith.addf %get3A_12, %get3A_17 : vector<512x128xf32>
    %get3A_19 = arith.constant 0 : index
    %get3A_20 = arith.constant 0 : index
    %get3A_21 = vector.load %arg3[%get3A_19, %get3A_20] : memref<512x128xf32, #tpu.memory_space<vmem>>, vector<512x128xf32>
    %add3A_22 = arith.addf %add3A_18, %get3A_21 : vector<512x128xf32>
    %broadcast_in_dim3A = vector.shape_cast %rsqrt3A : vector<512xf32> to vector<512x1xf32>
    %mul3A_23 = vector.broadcast %broadcast_in_dim3A : vector<512x1xf32> to vector<512x128xf32>
    %mul3A_24 = arith.mulf %add3A_22, %mul3A_23 : vector<512x128xf32>
    %swap3A = arith.constant 0 : index
    %swap3A_25 = arith.constant 0 : index
    %swap3A_26 = vector.load %arg5[%swap3A, %swap3A_25] : memref<512x128xf32, #tpu.memory_space<vmem>>, vector<512x128xf32>
    tpu.vector_store %arg5[%swap3A, %swap3A_25], %mul3A_24 {strides = array<i32>} : memref<512x128xf32, #tpu.memory_space<vmem>>, vector<512x128xf32>,
    %convert_element_type3A = arith.truncf %mul3A_24 : vector<512x128xf32> to vector<512x128xbf16>
    %swap3A_27 = arith.constant 0 : index
    %swap3A_28 = arith.constant 0 : index
    %swap3A_29 = vector.load %arg6[%swap3A_27, %swap3A_28] : memref<512x128xbf16, #tpu.memory_space<vmem>>, vector<512x128xbf16>
    tpu.vector_store %arg6[%swap3A_27, %swap3A_28], %convert_element_type3A {strides = array<i32>} : memref<512x128xbf16, #tpu.memory_space<vmem>>, vector<512x128xbf16>,
    %get3A_30 = arith.constant 0 : index
    %get3A_31 = arith.constant 0 : index
    %get3A_32 = vector.load %arg4[%get3A_30, %get3A_31] : memref<128x256xf32, #tpu.memory_space<vmem>>, vector<128x256xf32>
    %dot_general3A = arith.constant dense<0.000000e+00> : vector<512x256xf32>
    %dot_general3A_33 = tpu.matmul %mul3A_24, %get3A_32, %dot_general3A {dimension_numbers = #tpu.dot_dimension_numbers<[1], [0], [0], [1], [0, 0, 1, 1], [], []>, transpose_lhs_hint = false} : vector<512x128xf32>, vector<128x256xf32>, vector<512x256xf32> -> vector<512x256xf32>
    %swap3A_34 = arith.constant 0 : index
    %swap3A_35 = arith.constant 0 : index
    %swap3A_36 = vector.load %arg7[%swap3A_34, %swap3A_35] : memref<512x256xf32, #tpu.memory_space<vmem>>, vector<512x256xf32>
    tpu.vector_store %arg7[%swap3A_34, %swap3A_35], %dot_general3A_33 {strides = array<i32>} : memref<512x256xf32, #tpu.memory_space<vmem>>, vector<512x256xf32>,
    return
  }
  func.func @transform_0(%arg0: i32) -> (i32, i32, i32) {
    %c0_i32 = arith.constant 0 : i32
    %c0_i32_0 = arith.constant 0 : i32
    %c0_i32_1 = arith.constant 0 : i32
    return %c0_i32, %arg0, %c0_i32_0 : i32, i32, i32
  }
  func.func @transform_1(%arg0: i32) -> (i32, i32, i32) {
    %c0_i32 = arith.constant 0 : i32
    %c0_i32_0 = arith.constant 0 : i32
    %c0_i32_1 = arith.constant 0 : i32
    return %c0_i32, %arg0, %c0_i32_0 : i32, i32, i32
  }
  func.func @transform_2(%arg0: i32) -> (i32, i32) {
    %c0_i32 = arith.constant 0 : i32
    %c0_i32_0 = arith.constant 0 : i32
    return %arg0, %c0_i32 : i32, i32
  }
  func.func @transform_3(%arg0: i32) -> (i32, i32) {
    %c0_i32 = arith.constant 0 : i32
    %c0_i32_0 = arith.constant 0 : i32
    %c0_i32_1 = arith.constant 0 : i32
    return %c0_i32, %c0_i32_0 : i32, i32
  }
  func.func @transform_4(%arg0: i32) -> (i32, i32) {
    %c0_i32 = arith.constant 0 : i32
    %c0_i32_0 = arith.constant 0 : i32
    return %arg0, %c0_i32 : i32, i32
  }
  func.func @transform_5(%arg0: i32) -> (i32, i32) {
    %c0_i32 = arith.constant 0 : i32
    %c0_i32_0 = arith.constant 0 : i32
    return %arg0, %c0_i32 : i32, i32
  }
  func.func @transform_6(%arg0: i32) -> (i32, i32) {
    %c0_i32 = arith.constant 0 : i32
    %c0_i32_0 = arith.constant 0 : i32
    return %arg0, %c0_i32 : i32, i32
  }
}

module attributes {stable_mosaic.version = 14 : i64} {
  func.func @kfn(%arg0: i32, %arg1: memref<2x512x128xf32, #tpu.memory_space<vmem>>, %arg2: memref<2x2x512x128xf32, #tpu.memory_space<vmem>>, %arg3: memref<2x512x128xf32, #tpu.memory_space<vmem>>, %arg4: memref<256x128xf32, #tpu.memory_space<vmem>>, %arg5: memref<512x128xf32, #tpu.memory_space<vmem>>, %arg6: memref<512x128xf32, #tpu.memory_space<vmem>>) attributes {dimension_semantics = [#tpu.dimension_semantics<arbitrary>], iteration_bounds = array<i64: 8>, scalar_prefetch = 0 : i64, scratch_operands = 0 : i64, tpu.core_type = #tpu.core_type<tc>, window_params = [{transform_indices = @transform_0, window_bounds = array<i64: 2, 512, 128>}, {transform_indices = @transform_1, window_bounds = array<i64: 2, 2, 512, 128>}, {transform_indices = @transform_2, window_bounds = array<i64: 2, 512, 128>}, {pipeline_mode = #tpu.pipeline_mode<synchronous>, transform_indices = @transform_3, window_bounds = array<i64: 256, 128>}, {transform_indices = @transform_4, window_bounds = array<i64: 512, 128>}, {transform_indices = @transform_5, window_bounds = array<i64: 512, 128>}]} {
    %get3A = arith.constant 0 : index
    %get3A_0 = arith.constant 0 : index
    %get3A_1 = arith.constant 0 : index
    %get3A_2 = vector.load %arg1[%get3A, %get3A_0, %get3A_1] : memref<2x512x128xf32, #tpu.memory_space<vmem>>, vector<2x512x128xf32>
    %reduce_sum3A = arith.constant dense<0.000000e+00> : vector<512xf32>
    %reduce_sum3A_3 = vector.multi_reduction <add>, %get3A_2, %reduce_sum3A [0, 2] : vector<2x512x128xf32> to vector<512xf32>
    %mul3A = arith.constant 7.812500e-03 : f32
    %mul3A_4 = vector.broadcast %mul3A : f32 to vector<512xf32>
    %mul3A_5 = arith.mulf %reduce_sum3A_3, %mul3A_4 : vector<512xf32>
    %add3A = arith.constant 1.000000e+00 : f32
    %add3A_6 = vector.broadcast %add3A : f32 to vector<512xf32>
    %add3A_7 = arith.addf %mul3A_5, %add3A_6 : vector<512xf32>
    %rsqrt3A = math.rsqrt %add3A_7 : vector<512xf32>
    %get3A_8 = arith.constant 0 : index
    %get3A_9 = arith.constant 0 : index
    %get3A_10 = arith.constant 0 : index
    %get3A_11 = arith.constant 0 : index
    %get3A_12 = vector.load %arg2[%get3A_8, %get3A_9, %get3A_10, %get3A_11] : memref<2x2x512x128xf32, #tpu.memory_space<vmem>>, vector<1x1x512x128xf32>
    %get3A_13 = vector.shape_cast %get3A_12 : vector<1x1x512x128xf32> to vector<512x128xf32>
    %get3A_14 = arith.constant 1 : index
    %get3A_15 = arith.constant 0 : index
    %get3A_16 = arith.constant 0 : index
    %get3A_17 = arith.constant 0 : index
    %get3A_18 = vector.load %arg2[%get3A_14, %get3A_15, %get3A_16, %get3A_17] : memref<2x2x512x128xf32, #tpu.memory_space<vmem>>, vector<1x1x512x128xf32>
    %get3A_19 = vector.shape_cast %get3A_18 : vector<1x1x512x128xf32> to vector<512x128xf32>
    %add3A_20 = arith.addf %get3A_13, %get3A_19 : vector<512x128xf32>
    %get3A_21 = arith.constant 0 : index
    %get3A_22 = arith.constant 0 : index
    %get3A_23 = arith.constant 0 : index
    %get3A_24 = vector.load %arg3[%get3A_21, %get3A_22, %get3A_23] : memref<2x512x128xf32, #tpu.memory_space<vmem>>, vector<1x512x128xf32>
    %get3A_25 = vector.shape_cast %get3A_24 : vector<1x512x128xf32> to vector<512x128xf32>
    %add3A_26 = arith.addf %add3A_20, %get3A_25 : vector<512x128xf32>
    %get3A_27 = arith.constant 0 : index
    %get3A_28 = arith.constant 1 : index
    %get3A_29 = arith.constant 0 : index
    %get3A_30 = arith.constant 0 : index
    %get3A_31 = vector.load %arg2[%get3A_27, %get3A_28, %get3A_29, %get3A_30] : memref<2x2x512x128xf32, #tpu.memory_space<vmem>>, vector<1x1x512x128xf32>
    %get3A_32 = vector.shape_cast %get3A_31 : vector<1x1x512x128xf32> to vector<512x128xf32>
    %get3A_33 = arith.constant 1 : index
    %get3A_34 = arith.constant 1 : index
    %get3A_35 = arith.constant 0 : index
    %get3A_36 = arith.constant 0 : index
    %get3A_37 = vector.load %arg2[%get3A_33, %get3A_34, %get3A_35, %get3A_36] : memref<2x2x512x128xf32, #tpu.memory_space<vmem>>, vector<1x1x512x128xf32>
    %get3A_38 = vector.shape_cast %get3A_37 : vector<1x1x512x128xf32> to vector<512x128xf32>
    %add3A_39 = arith.addf %get3A_32, %get3A_38 : vector<512x128xf32>
    %get3A_40 = arith.constant 1 : index
    %get3A_41 = arith.constant 0 : index
    %get3A_42 = arith.constant 0 : index
    %get3A_43 = vector.load %arg3[%get3A_40, %get3A_41, %get3A_42] : memref<2x512x128xf32, #tpu.memory_space<vmem>>, vector<1x512x128xf32>
    %get3A_44 = vector.shape_cast %get3A_43 : vector<1x512x128xf32> to vector<512x128xf32>
    %add3A_45 = arith.addf %add3A_39, %get3A_44 : vector<512x128xf32>
    %concatenate3A = tpu.concatenate %add3A_26, %add3A_45 in 1 : vector<512x128xf32>, vector<512x128xf32> -> vector<512x256xf32>
    %broadcast_in_dim3A = vector.shape_cast %rsqrt3A : vector<512xf32> to vector<512x1xf32>
    %mul3A_46 = vector.broadcast %broadcast_in_dim3A : vector<512x1xf32> to vector<512x256xf32>
    %mul3A_47 = arith.mulf %concatenate3A, %mul3A_46 : vector<512x256xf32>
    %max3A = arith.constant 0.000000e+00 : f32
    %max3A_48 = vector.broadcast %max3A : f32 to vector<512x256xf32>
    %max3A_49 = arith.maximumf %mul3A_47, %max3A_48 : vector<512x256xf32>
    %get3A_50 = arith.constant 0 : index
    %get3A_51 = arith.constant 0 : index
    %get3A_52 = vector.load %arg4[%get3A_50, %get3A_51] : memref<256x128xf32, #tpu.memory_space<vmem>>, vector<256x128xf32>
    %dot_general3A = arith.constant dense<0.000000e+00> : vector<512x128xf32>
    %dot_general3A_53 = tpu.matmul %max3A_49, %get3A_52, %dot_general3A {dimension_numbers = #tpu.dot_dimension_numbers<[1], [0], [0], [1], [0, 0, 1, 1], [], []>, transpose_lhs_hint = false} : vector<512x256xf32>, vector<256x128xf32>, vector<512x128xf32> -> vector<512x128xf32>
    %swap3A = arith.constant 0 : index
    %swap3A_54 = arith.constant 0 : index
    %swap3A_55 = vector.load %arg5[%swap3A, %swap3A_54] : memref<512x128xf32, #tpu.memory_space<vmem>>, vector<512x128xf32>
    tpu.vector_store %arg5[%swap3A, %swap3A_54], %dot_general3A_53 {strides = array<i32>} : memref<512x128xf32, #tpu.memory_space<vmem>>, vector<512x128xf32>,
    %broadcast_in_dim3A_56 = vector.shape_cast %rsqrt3A : vector<512xf32> to vector<512x1xf32>
    %mul3A_57 = vector.broadcast %broadcast_in_dim3A_56 : vector<512x1xf32> to vector<512x128xf32>
    %mul3A_58 = arith.mulf %dot_general3A_53, %mul3A_57 : vector<512x128xf32>
    %swap3A_59 = arith.constant 0 : index
    %swap3A_60 = arith.constant 0 : index
    %swap3A_61 = vector.load %arg6[%swap3A_59, %swap3A_60] : memref<512x128xf32, #tpu.memory_space<vmem>>, vector<512x128xf32>
    tpu.vector_store %arg6[%swap3A_59, %swap3A_60], %mul3A_58 {strides = array<i32>} : memref<512x128xf32, #tpu.memory_space<vmem>>, vector<512x128xf32>,
    return
  }
  func.func @transform_0(%arg0: i32) -> (i32, i32, i32) {
    %c0_i32 = arith.constant 0 : i32
    %c0_i32_0 = arith.constant 0 : i32
    %c0_i32_1 = arith.constant 0 : i32
    return %c0_i32, %arg0, %c0_i32_0 : i32, i32, i32
  }
  func.func @transform_1(%arg0: i32) -> (i32, i32, i32, i32) {
    %c0_i32 = arith.constant 0 : i32
    %c0_i32_0 = arith.constant 0 : i32
    %c0_i32_1 = arith.constant 0 : i32
    %c0_i32_2 = arith.constant 0 : i32
    return %c0_i32, %c0_i32_0, %arg0, %c0_i32_1 : i32, i32, i32, i32
  }
  func.func @transform_2(%arg0: i32) -> (i32, i32, i32) {
    %c0_i32 = arith.constant 0 : i32
    %c0_i32_0 = arith.constant 0 : i32
    %c0_i32_1 = arith.constant 0 : i32
    return %c0_i32, %arg0, %c0_i32_0 : i32, i32, i32
  }
  func.func @transform_3(%arg0: i32) -> (i32, i32) {
    %c0_i32 = arith.constant 0 : i32
    %c0_i32_0 = arith.constant 0 : i32
    %c0_i32_1 = arith.constant 0 : i32
    return %c0_i32, %c0_i32_0 : i32, i32
  }
  func.func @transform_4(%arg0: i32) -> (i32, i32) {
    %c0_i32 = arith.constant 0 : i32
    %c0_i32_0 = arith.constant 0 : i32
    return %arg0, %c0_i32 : i32, i32
  }
  func.func @transform_5(%arg0: i32) -> (i32, i32) {
    %c0_i32 = arith.constant 0 : i32
    %c0_i32_0 = arith.constant 0 : i32
    return %arg0, %c0_i32 : i32, i32
  }
}

module attributes {stable_mosaic.version = 14 : i64} {
  func.func @kfn(%arg0: i32, %arg1: memref<512x128xbf16, #tpu.memory_space<vmem>>, %arg2: memref<4096x128xbf16, #tpu.memory_space<vmem>>, %arg3: memref<512x256xf32, #tpu.memory_space<vmem>>, %arg4: memref<512x256xf32, #tpu.memory_space<vmem>>, %arg5: memref<512x4096xbf16, #tpu.memory_space<vmem>>, %arg6: memref<1x1x512xf32, #tpu.memory_space<vmem>>, %arg7: memref<512x256xbf16, #tpu.memory_space<vmem>>, %arg8: memref<512x256xbf16, #tpu.memory_space<vmem>>) attributes {dimension_semantics = [#tpu.dimension_semantics<arbitrary>], iteration_bounds = array<i64: 8>, scalar_prefetch = 0 : i64, scratch_operands = 0 : i64, tpu.core_type = #tpu.core_type<tc>, window_params = [{transform_indices = @transform_0, window_bounds = array<i64: 512, 128>}, {pipeline_mode = #tpu.pipeline_mode<synchronous>, transform_indices = @transform_1, window_bounds = array<i64: 4096, 128>}, {transform_indices = @transform_2, window_bounds = array<i64: 512, 256>}, {transform_indices = @transform_3, window_bounds = array<i64: 512, 256>}, {transform_indices = @transform_4, window_bounds = array<i64: 512, 4096>}, {transform_indices = @transform_5, window_bounds = array<i64: 1, 1, 512>}, {transform_indices = @transform_6, window_bounds = array<i64: 512, 256>}, {transform_indices = @transform_7, window_bounds = array<i64: 512, 256>}]} {
    %get3A = arith.constant 0 : index
    %get3A_0 = arith.constant 0 : index
    %get3A_1 = vector.load %arg1[%get3A, %get3A_0] : memref<512x128xbf16, #tpu.memory_space<vmem>>, vector<512x128xbf16>
    %get3A_2 = arith.constant 0 : index
    %get3A_3 = arith.constant 0 : index
    %get3A_4 = vector.load %arg2[%get3A_2, %get3A_3] : memref<4096x128xbf16, #tpu.memory_space<vmem>>, vector<4096x128xbf16>
    %dot_general3A = arith.constant dense<0.000000e+00> : vector<512x4096xf32>
    %dot_general3A_5 = tpu.matmul %get3A_1, %get3A_4, %dot_general3A {dimension_numbers = #tpu.dot_dimension_numbers<[1], [1], [0], [0], [0, 0, 1, 0], [], []>, transpose_lhs_hint = false} : vector<512x128xbf16>, vector<4096x128xbf16>, vector<512x4096xf32> -> vector<512x4096xf32>
    %logistic3A = arith.negf %dot_general3A_5 : vector<512x4096xf32>
    %logistic3A_6 = math.exp %logistic3A : vector<512x4096xf32>
    %logistic3A_7 = arith.constant 1.000000e+00 : f32
    %logistic3A_8 = vector.broadcast %logistic3A_7 : f32 to vector<512x4096xf32>
    %logistic3A_9 = arith.addf %logistic3A_8, %logistic3A_6 : vector<512x4096xf32>
    %logistic3A_10 = arith.divf %logistic3A_8, %logistic3A_9 : vector<512x4096xf32>
    %convert_element_type3A = arith.truncf %logistic3A_10 : vector<512x4096xf32> to vector<512x4096xbf16>
    %swap3A = arith.constant 0 : index
    %swap3A_11 = arith.constant 0 : index
    %swap3A_12 = vector.load %arg5[%swap3A, %swap3A_11] : memref<512x4096xbf16, #tpu.memory_space<vmem>>, vector<512x4096xbf16>
    tpu.vector_store %arg5[%swap3A, %swap3A_11], %convert_element_type3A {strides = array<i32>} : memref<512x4096xbf16, #tpu.memory_space<vmem>>, vector<512x4096xbf16>,
    %reduce_sum3A = arith.constant dense<0.000000e+00> : vector<512xf32>
    %reduce_sum3A_13 = vector.multi_reduction <add>, %logistic3A_10, %reduce_sum3A [1] : vector<512x4096xf32> to vector<512xf32>
    %rsqrt3A = math.rsqrt %reduce_sum3A_13 : vector<512xf32>
    %reshape3A = vector.shape_cast %rsqrt3A : vector<512xf32> to vector<1x1x512xf32>
    %swap3A_14 = arith.constant 0 : index
    %swap3A_15 = arith.constant 0 : index
    %swap3A_16 = arith.constant 0 : index
    %swap3A_17 = vector.load %arg6[%swap3A_14, %swap3A_15, %swap3A_16] : memref<1x1x512xf32, #tpu.memory_space<vmem>>, vector<1x1x512xf32>
    tpu.vector_store %arg6[%swap3A_14, %swap3A_15, %swap3A_16], %reshape3A {strides = array<i32>} : memref<1x1x512xf32, #tpu.memory_space<vmem>>, vector<1x1x512xf32>,
    %get3A_18 = arith.constant 0 : index
    %get3A_19 = arith.constant 0 : index
    %get3A_20 = vector.load %arg3[%get3A_18, %get3A_19] : memref<512x256xf32, #tpu.memory_space<vmem>>, vector<512x256xf32>
    %broadcast_in_dim3A = vector.shape_cast %rsqrt3A : vector<512xf32> to vector<512x1xf32>
    %mul3A = vector.broadcast %broadcast_in_dim3A : vector<512x1xf32> to vector<512x256xf32>
    %mul3A_21 = arith.mulf %get3A_20, %mul3A : vector<512x256xf32>
    %convert_element_type3A_22 = arith.truncf %mul3A_21 : vector<512x256xf32> to vector<512x256xbf16>
    %swap3A_23 = arith.constant 0 : index
    %swap3A_24 = arith.constant 0 : index
    %swap3A_25 = vector.load %arg7[%swap3A_23, %swap3A_24] : memref<512x256xbf16, #tpu.memory_space<vmem>>, vector<512x256xbf16>
    tpu.vector_store %arg7[%swap3A_23, %swap3A_24], %convert_element_type3A_22 {strides = array<i32>} : memref<512x256xbf16, #tpu.memory_space<vmem>>, vector<512x256xbf16>,
    %get3A_26 = arith.constant 0 : index
    %get3A_27 = arith.constant 0 : index
    %get3A_28 = vector.load %arg4[%get3A_26, %get3A_27] : memref<512x256xf32, #tpu.memory_space<vmem>>, vector<512x256xf32>
    %broadcast_in_dim3A_29 = vector.shape_cast %rsqrt3A : vector<512xf32> to vector<512x1xf32>
    %mul3A_30 = vector.broadcast %broadcast_in_dim3A_29 : vector<512x1xf32> to vector<512x256xf32>
    %mul3A_31 = arith.mulf %get3A_28, %mul3A_30 : vector<512x256xf32>
    %convert_element_type3A_32 = arith.truncf %mul3A_31 : vector<512x256xf32> to vector<512x256xbf16>
    %swap3A_33 = arith.constant 0 : index
    %swap3A_34 = arith.constant 0 : index
    %swap3A_35 = vector.load %arg8[%swap3A_33, %swap3A_34] : memref<512x256xbf16, #tpu.memory_space<vmem>>, vector<512x256xbf16>
    tpu.vector_store %arg8[%swap3A_33, %swap3A_34], %convert_element_type3A_32 {strides = array<i32>} : memref<512x256xbf16, #tpu.memory_space<vmem>>, vector<512x256xbf16>,
    return
  }
  func.func @transform_0(%arg0: i32) -> (i32, i32) {
    %c0_i32 = arith.constant 0 : i32
    %c0_i32_0 = arith.constant 0 : i32
    return %arg0, %c0_i32 : i32, i32
  }
  func.func @transform_1(%arg0: i32) -> (i32, i32) {
    %c0_i32 = arith.constant 0 : i32
    %c0_i32_0 = arith.constant 0 : i32
    %c0_i32_1 = arith.constant 0 : i32
    return %c0_i32, %c0_i32_0 : i32, i32
  }
  func.func @transform_2(%arg0: i32) -> (i32, i32) {
    %c0_i32 = arith.constant 0 : i32
    %c0_i32_0 = arith.constant 0 : i32
    return %arg0, %c0_i32 : i32, i32
  }
  func.func @transform_3(%arg0: i32) -> (i32, i32) {
    %c0_i32 = arith.constant 0 : i32
    %c0_i32_0 = arith.constant 0 : i32
    return %arg0, %c0_i32 : i32, i32
  }
  func.func @transform_4(%arg0: i32) -> (i32, i32) {
    %c0_i32 = arith.constant 0 : i32
    %c0_i32_0 = arith.constant 0 : i32
    return %arg0, %c0_i32 : i32, i32
  }
  func.func @transform_5(%arg0: i32) -> (i32, i32, i32) {
    %c0_i32 = arith.constant 0 : i32
    %c0_i32_0 = arith.constant 0 : i32
    %c0_i32_1 = arith.constant 0 : i32
    return %arg0, %c0_i32, %c0_i32_0 : i32, i32, i32
  }
  func.func @transform_6(%arg0: i32) -> (i32, i32) {
    %c0_i32 = arith.constant 0 : i32
    %c0_i32_0 = arith.constant 0 : i32
    return %arg0, %c0_i32 : i32, i32
  }
  func.func @transform_7(%arg0: i32) -> (i32, i32) {
    %c0_i32 = arith.constant 0 : i32
    %c0_i32_0 = arith.constant 0 : i32
    return %arg0, %c0_i32 : i32, i32
  }
}

module attributes {stable_mosaic.version = 14 : i64} {
  func.func @kfn(%arg0: i32, %arg1: memref<512x4096xbf16, #tpu.memory_space<vmem>>, %arg2: memref<4096x256xbf16, #tpu.memory_space<vmem>>, %arg3: memref<4096x256xbf16, #tpu.memory_space<vmem>>, %arg4: memref<1x1x512xf32, #tpu.memory_space<vmem>>, %arg5: memref<256x128xf32, #tpu.memory_space<vmem>>, %arg6: memref<512x128xbf16, #tpu.memory_space<vmem>>) attributes {dimension_semantics = [#tpu.dimension_semantics<arbitrary>], iteration_bounds = array<i64: 8>, scalar_prefetch = 0 : i64, scratch_operands = 0 : i64, tpu.core_type = #tpu.core_type<tc>, window_params = [{transform_indices = @transform_0, window_bounds = array<i64: 512, 4096>}, {pipeline_mode = #tpu.pipeline_mode<synchronous>, transform_indices = @transform_1, window_bounds = array<i64: 4096, 256>}, {pipeline_mode = #tpu.pipeline_mode<synchronous>, transform_indices = @transform_2, window_bounds = array<i64: 4096, 256>}, {transform_indices = @transform_3, window_bounds = array<i64: 1, 1, 512>}, {pipeline_mode = #tpu.pipeline_mode<synchronous>, transform_indices = @transform_4, window_bounds = array<i64: 256, 128>}, {transform_indices = @transform_5, window_bounds = array<i64: 512, 128>}]} {
    %get3A = arith.constant 0 : index
    %get3A_0 = arith.constant 0 : index
    %get3A_1 = vector.load %arg1[%get3A, %get3A_0] : memref<512x4096xbf16, #tpu.memory_space<vmem>>, vector<512x4096xbf16>
    %get3A_2 = arith.constant 0 : index
    %get3A_3 = arith.constant 0 : index
    %get3A_4 = vector.load %arg2[%get3A_2, %get3A_3] : memref<4096x256xbf16, #tpu.memory_space<vmem>>, vector<4096x256xbf16>
    %dot_general3A = arith.constant dense<0.000000e+00> : vector<512x256xf32>
    %dot_general3A_5 = tpu.matmul %get3A_1, %get3A_4, %dot_general3A {dimension_numbers = #tpu.dot_dimension_numbers<[1], [0], [0], [1], [0, 0, 1, 1], [], []>, transpose_lhs_hint = false} : vector<512x4096xbf16>, vector<4096x256xbf16>, vector<512x256xf32> -> vector<512x256xf32>
    %get3A_6 = arith.constant 0 : index
    %get3A_7 = arith.constant 0 : index
    %get3A_8 = vector.load %arg1[%get3A_6, %get3A_7] : memref<512x4096xbf16, #tpu.memory_space<vmem>>, vector<512x4096xbf16>
    %get3A_9 = arith.constant 0 : index
    %get3A_10 = arith.constant 0 : index
    %get3A_11 = vector.load %arg3[%get3A_9, %get3A_10] : memref<4096x256xbf16, #tpu.memory_space<vmem>>, vector<4096x256xbf16>
    %dot_general3A_12 = arith.constant dense<0.000000e+00> : vector<512x256xf32>
    %dot_general3A_13 = tpu.matmul %get3A_8, %get3A_11, %dot_general3A_12 {dimension_numbers = #tpu.dot_dimension_numbers<[1], [0], [0], [1], [0, 0, 1, 1], [], []>, transpose_lhs_hint = false} : vector<512x4096xbf16>, vector<4096x256xbf16>, vector<512x256xf32> -> vector<512x256xf32>
    %get3A_14 = arith.constant 0 : index
    %get3A_15 = arith.constant 0 : index
    %get3A_16 = arith.constant 0 : index
    %get3A_17 = vector.load %arg4[%get3A_14, %get3A_15, %get3A_16] : memref<1x1x512xf32, #tpu.memory_space<vmem>>, vector<1x1x512xf32>
    %get3A_18 = vector.shape_cast %get3A_17 : vector<1x1x512xf32> to vector<512xf32>
    %max3A = arith.constant 0.000000e+00 : f32
    %max3A_19 = vector.broadcast %max3A : f32 to vector<512x256xf32>
    %max3A_20 = arith.maximumf %dot_general3A_5, %max3A_19 : vector<512x256xf32>
    %max3A_21 = arith.constant 0.000000e+00 : f32
    %max3A_22 = vector.broadcast %max3A_21 : f32 to vector<512x256xf32>
    %max3A_23 = arith.maximumf %dot_general3A_13, %max3A_22 : vector<512x256xf32>
    %add3A = arith.addf %max3A_20, %max3A_23 : vector<512x256xf32>
    %broadcast_in_dim3A = vector.shape_cast %get3A_18 : vector<512xf32> to vector<512x1xf32>
    %mul3A = vector.broadcast %broadcast_in_dim3A : vector<512x1xf32> to vector<512x256xf32>
    %mul3A_24 = arith.mulf %add3A, %mul3A : vector<512x256xf32>
    %convert_element_type3A = arith.truncf %mul3A_24 : vector<512x256xf32> to vector<512x256xbf16>
    %get3A_25 = arith.constant 0 : index
    %get3A_26 = arith.constant 0 : index
    %get3A_27 = vector.load %arg5[%get3A_25, %get3A_26] : memref<256x128xf32, #tpu.memory_space<vmem>>, vector<256x128xf32>
    %convert_element_type3A_28 = arith.truncf %get3A_27 : vector<256x128xf32> to vector<256x128xbf16>
    %dot_general3A_29 = arith.constant dense<0.000000e+00> : vector<512x128xf32>
    %dot_general3A_30 = tpu.matmul %convert_element_type3A, %convert_element_type3A_28, %dot_general3A_29 {dimension_numbers = #tpu.dot_dimension_numbers<[1], [0], [0], [1], [0, 0, 1, 1], [], []>, transpose_lhs_hint = false} : vector<512x256xbf16>, vector<256x128xbf16>, vector<512x128xf32> -> vector<512x128xf32>
    %broadcast_in_dim3A_31 = vector.shape_cast %get3A_18 : vector<512xf32> to vector<512x1xf32>
    %mul3A_32 = vector.broadcast %broadcast_in_dim3A_31 : vector<512x1xf32> to vector<512x128xf32>
    %mul3A_33 = arith.mulf %dot_general3A_30, %mul3A_32 : vector<512x128xf32>
    %convert_element_type3A_34 = arith.truncf %mul3A_33 : vector<512x128xf32> to vector<512x128xbf16>
    %swap3A = arith.constant 0 : index
    %swap3A_35 = arith.constant 0 : index
    %swap3A_36 = vector.load %arg6[%swap3A, %swap3A_35] : memref<512x128xbf16, #tpu.memory_space<vmem>>, vector<512x128xbf16>
    tpu.vector_store %arg6[%swap3A, %swap3A_35], %convert_element_type3A_34 {strides = array<i32>} : memref<512x128xbf16, #tpu.memory_space<vmem>>, vector<512x128xbf16>,
    return
  }
  func.func @transform_0(%arg0: i32) -> (i32, i32) {
    %c0_i32 = arith.constant 0 : i32
    %c0_i32_0 = arith.constant 0 : i32
    return %arg0, %c0_i32 : i32, i32
  }
  func.func @transform_1(%arg0: i32) -> (i32, i32) {
    %c0_i32 = arith.constant 0 : i32
    %c0_i32_0 = arith.constant 0 : i32
    %c0_i32_1 = arith.constant 0 : i32
    return %c0_i32, %c0_i32_0 : i32, i32
  }
  func.func @transform_2(%arg0: i32) -> (i32, i32) {
    %c0_i32 = arith.constant 0 : i32
    %c0_i32_0 = arith.constant 0 : i32
    %c0_i32_1 = arith.constant 0 : i32
    return %c0_i32, %c0_i32_0 : i32, i32
  }
  func.func @transform_3(%arg0: i32) -> (i32, i32, i32) {
    %c0_i32 = arith.constant 0 : i32
    %c0_i32_0 = arith.constant 0 : i32
    %c0_i32_1 = arith.constant 0 : i32
    return %arg0, %c0_i32, %c0_i32_0 : i32, i32, i32
  }
  func.func @transform_4(%arg0: i32) -> (i32, i32) {
    %c0_i32 = arith.constant 0 : i32
    %c0_i32_0 = arith.constant 0 : i32
    %c0_i32_1 = arith.constant 0 : i32
    return %c0_i32, %c0_i32_0 : i32, i32
  }
  func.func @transform_5(%arg0: i32) -> (i32, i32) {
    %c0_i32 = arith.constant 0 : i32
    %c0_i32_0 = arith.constant 0 : i32
    return %arg0, %c0_i32 : i32, i32
  }
}

module attributes {stable_mosaic.version = 14 : i64} {
  func.func @kfn(%arg0: i32, %arg1: memref<512x4096xbf16, #tpu.memory_space<vmem>>, %arg2: memref<4096x128xbf16, #tpu.memory_space<vmem>>, %arg3: memref<512x128xf32, #tpu.memory_space<vmem>>, %arg4: memref<1x1x512xf32, #tpu.memory_space<vmem>>, %arg5: memref<512x128xbf16, #tpu.memory_space<vmem>>) attributes {dimension_semantics = [#tpu.dimension_semantics<arbitrary>], iteration_bounds = array<i64: 8>, scalar_prefetch = 0 : i64, scratch_operands = 0 : i64, tpu.core_type = #tpu.core_type<tc>, window_params = [{transform_indices = @transform_0, window_bounds = array<i64: 512, 4096>}, {pipeline_mode = #tpu.pipeline_mode<synchronous>, transform_indices = @transform_1, window_bounds = array<i64: 4096, 128>}, {transform_indices = @transform_2, window_bounds = array<i64: 512, 128>}, {transform_indices = @transform_3, window_bounds = array<i64: 1, 1, 512>}, {transform_indices = @transform_4, window_bounds = array<i64: 512, 128>}]} {
    %get3A = arith.constant 0 : index
    %get3A_0 = arith.constant 0 : index
    %get3A_1 = arith.constant 0 : index
    %get3A_2 = vector.load %arg4[%get3A, %get3A_0, %get3A_1] : memref<1x1x512xf32, #tpu.memory_space<vmem>>, vector<1x1x512xf32>
    %get3A_3 = vector.shape_cast %get3A_2 : vector<1x1x512xf32> to vector<512xf32>
    %get3A_4 = arith.constant 0 : index
    %get3A_5 = arith.constant 0 : index
    %get3A_6 = vector.load %arg1[%get3A_4, %get3A_5] : memref<512x4096xbf16, #tpu.memory_space<vmem>>, vector<512x4096xbf16>
    %get3A_7 = arith.constant 0 : index
    %get3A_8 = arith.constant 0 : index
    %get3A_9 = vector.load %arg2[%get3A_7, %get3A_8] : memref<4096x128xbf16, #tpu.memory_space<vmem>>, vector<4096x128xbf16>
    %dot_general3A = arith.constant dense<0.000000e+00> : vector<512x128xf32>
    %dot_general3A_10 = tpu.matmul %get3A_6, %get3A_9, %dot_general3A {dimension_numbers = #tpu.dot_dimension_numbers<[1], [0], [0], [1], [0, 0, 1, 1], [], []>, transpose_lhs_hint = false} : vector<512x4096xbf16>, vector<4096x128xbf16>, vector<512x128xf32> -> vector<512x128xf32>
    %broadcast_in_dim3A = vector.shape_cast %get3A_3 : vector<512xf32> to vector<512x1xf32>
    %mul3A = vector.broadcast %broadcast_in_dim3A : vector<512x1xf32> to vector<512x128xf32>
    %mul3A_11 = arith.mulf %dot_general3A_10, %mul3A : vector<512x128xf32>
    %get3A_12 = arith.constant 0 : index
    %get3A_13 = arith.constant 0 : index
    %get3A_14 = vector.load %arg3[%get3A_12, %get3A_13] : memref<512x128xf32, #tpu.memory_space<vmem>>, vector<512x128xf32>
    %mul3A_15 = arith.constant 5.000000e-01 : f32
    %mul3A_16 = vector.broadcast %mul3A_15 : f32 to vector<512x128xf32>
    %mul3A_17 = arith.mulf %mul3A_16, %get3A_14 : vector<512x128xf32>
    %mul3A_18 = arith.constant 5.000000e-01 : f32
    %mul3A_19 = vector.broadcast %mul3A_18 : f32 to vector<512x128xf32>
    %mul3A_20 = arith.mulf %mul3A_19, %mul3A_11 : vector<512x128xf32>
    %add3A = arith.addf %mul3A_17, %mul3A_20 : vector<512x128xf32>
    %convert_element_type3A = arith.truncf %add3A : vector<512x128xf32> to vector<512x128xbf16>
    %swap3A = arith.constant 0 : index
    %swap3A_21 = arith.constant 0 : index
    %swap3A_22 = vector.load %arg5[%swap3A, %swap3A_21] : memref<512x128xbf16, #tpu.memory_space<vmem>>, vector<512x128xbf16>
    tpu.vector_store %arg5[%swap3A, %swap3A_21], %convert_element_type3A {strides = array<i32>} : memref<512x128xbf16, #tpu.memory_space<vmem>>, vector<512x128xbf16>,
    return
  }
  func.func @transform_0(%arg0: i32) -> (i32, i32) {
    %c0_i32 = arith.constant 0 : i32
    %c0_i32_0 = arith.constant 0 : i32
    return %arg0, %c0_i32 : i32, i32
  }
  func.func @transform_1(%arg0: i32) -> (i32, i32) {
    %c0_i32 = arith.constant 0 : i32
    %c0_i32_0 = arith.constant 0 : i32
    %c0_i32_1 = arith.constant 0 : i32
    return %c0_i32, %c0_i32_0 : i32, i32
  }
  func.func @transform_2(%arg0: i32) -> (i32, i32) {
    %c0_i32 = arith.constant 0 : i32
    %c0_i32_0 = arith.constant 0 : i32
    return %arg0, %c0_i32 : i32, i32
  }
  func.func @transform_3(%arg0: i32) -> (i32, i32, i32) {
    %c0_i32 = arith.constant 0 : i32
    %c0_i32_0 = arith.constant 0 : i32
    %c0_i32_1 = arith.constant 0 : i32
    return %arg0, %c0_i32, %c0_i32_0 : i32, i32, i32
  }
  func.func @transform_4(%arg0: i32) -> (i32, i32) {
    %c0_i32 = arith.constant 0 : i32
    %c0_i32_0 = arith.constant 0 : i32
    return %arg0, %c0_i32 : i32, i32
  }
}

module attributes {stable_mosaic.version = 14 : i64} {
  func.func @kfn(%arg0: i32, %arg1: memref<512x128xbf16, #tpu.memory_space<vmem>>, %arg2: memref<4096x128xbf16, #tpu.memory_space<vmem>>, %arg3: memref<512x32x128xf32, #tpu.memory_space<vmem>>) attributes {dimension_semantics = [#tpu.dimension_semantics<arbitrary>], iteration_bounds = array<i64: 8>, scalar_prefetch = 0 : i64, scratch_operands = 0 : i64, tpu.core_type = #tpu.core_type<tc>, window_params = [{transform_indices = @transform_0, window_bounds = array<i64: 512, 128>}, {pipeline_mode = #tpu.pipeline_mode<synchronous>, transform_indices = @transform_1, window_bounds = array<i64: 4096, 128>}, {transform_indices = @transform_2, window_bounds = array<i64: 512, 32, 128>}]} {
    %get3A = arith.constant 0 : index
    %get3A_0 = arith.constant 0 : index
    %get3A_1 = vector.load %arg1[%get3A, %get3A_0] : memref<512x128xbf16, #tpu.memory_space<vmem>>, vector<512x128xbf16>
    %get3A_2 = arith.constant 0 : index
    %get3A_3 = arith.constant 0 : index
    %get3A_4 = vector.load %arg2[%get3A_2, %get3A_3] : memref<4096x128xbf16, #tpu.memory_space<vmem>>, vector<4096x128xbf16>
    %dot_general3A = arith.constant dense<0.000000e+00> : vector<512x4096xf32>
    %dot_general3A_5 = tpu.matmul %get3A_1, %get3A_4, %dot_general3A {dimension_numbers = #tpu.dot_dimension_numbers<[1], [1], [0], [0], [0, 0, 1, 0], [], []>, transpose_lhs_hint = false} : vector<512x128xbf16>, vector<4096x128xbf16>, vector<512x4096xf32> -> vector<512x4096xf32>
    %reshape3A = vector.shape_cast %dot_general3A_5 : vector<512x4096xf32> to vector<512x32x128xf32>
    %swap3A = arith.constant 0 : index
    %swap3A_6 = arith.constant 0 : index
    %swap3A_7 = arith.constant 0 : index
    %swap3A_8 = vector.load %arg3[%swap3A, %swap3A_6, %swap3A_7] : memref<512x32x128xf32, #tpu.memory_space<vmem>>, vector<512x32x128xf32>
    tpu.vector_store %arg3[%swap3A, %swap3A_6, %swap3A_7], %reshape3A {strides = array<i32>} : memref<512x32x128xf32, #tpu.memory_space<vmem>>, vector<512x32x128xf32>,
    return
  }
  func.func @transform_0(%arg0: i32) -> (i32, i32) {
    %c0_i32 = arith.constant 0 : i32
    %c0_i32_0 = arith.constant 0 : i32
    return %arg0, %c0_i32 : i32, i32
  }
  func.func @transform_1(%arg0: i32) -> (i32, i32) {
    %c0_i32 = arith.constant 0 : i32
    %c0_i32_0 = arith.constant 0 : i32
    %c0_i32_1 = arith.constant 0 : i32
    return %c0_i32, %c0_i32_0 : i32, i32
  }
  func.func @transform_2(%arg0: i32) -> (i32, i32, i32) {
    %c0_i32 = arith.constant 0 : i32
    %c0_i32_0 = arith.constant 0 : i32
    %c0_i32_1 = arith.constant 0 : i32
    return %arg0, %c0_i32, %c0_i32_0 : i32, i32, i32
  }
}

</mosaic_0001>

<sc_bundles>
// kernel: kernel.13.cloned.1.call-start
scs
__scs_entry_jumppad:
0x0: {  	(pc) =	sbr.rel $0x88, $3  }
0x1: {  	(tag) =	ssettag $0x0;
	lr =	simm.s32 $0x1  }
0x2: {  	[smem:$0x3F9A] =	sst lr;
	_ =	strace $0xD0000000  }
0x3: {  	_ = 	snop  }
0x4: {  	_ = 	snop  }
0x5: {  	_ = 	snop  }
0x6: {  	_ = 	snop  }
0x7: {  	_ = 	snop  }
__scs_overlays_trampoline_lowered:
0x8: {  	[smem:$0x3FA9] =	sst s0  }
0x9: {  	[smem:$0x3FAA] =	sst s1  }
0xa: {  	[smem:$0x3FAB] =	sst s2  }
0xb: {  	[smem:$0x3FAC] =	sst s3  }
0xc: {  	[smem:$0x3FAD] =	sst s4  }
0xd: {  	[smem:$0x3FAE] =	sst s5  }
0xe: {  	[smem:$0x3FAF] =	sst s6  }
0xf: {  	[smem:$0x3FB0] =	sst s7  }
0x10: {  	[smem:$0x3FB1] =	sst s8  }
0x11: {  	[smem:$0x3FB2] =	sst s9;
	s0 =	simm.s32 @!p0 $0x0  }
0x12: {  	s1 =	sld [smem:$0x3F98];
	s0 =	simm.s32 @p0 $0x1  }
0x13: {  	[smem:$0x3FB3] =	sst s0;
	s0 =	simm.s32 @!p1 $0x0  }
0x14: {  	s2 =	sld [smem:$0x3F97];
	s0 =	simm.s32 @p1 $0x1  }
0x15: {  	[smem:$0x3FB4] =	sst s0;
	s0 =	simm.s32 @!p2 $0x0  }
0x16: {  	s3 =	sld [smem:$0x3FDB];
	s0 =	simm.s32 @p2 $0x1  }
0x17: {  	s4 =	simm.s32 $0x1BF5;
	[smem:$0x3FB6] =	sst s0  }
0x18: {  	s0 =	sld [smem:$0x3F99];
	_ =	swait.ge [sflag:s4], $0x0  }
0x19: {  	s7 =	sld [smem:$0x3F9A]  }
0x1a: {  	s8 =	sadd.s32 $0xFFFFE003, lr  }
0x1b: {  	s9 =	sadd.s32 $0xFFFFFEF7, lr;
	s5 =	simm.s32 $0xFFFFFFFF;
	p2 =	slt.u32 s8, $0xFFFFF086  }
0x1c: {  	p1 =	slt.u32 s9, $0xF7A;
	s5 =	simm.s32 @!p2 $0x0  }
0x1d: {  	s5 =	simm.s32 @p1 $0x1;
	p0 =	seq.s32 s7, s2  }
0x1e: {  	s7 =	smul.u32 @!p0 $0xF7A, s2;
	p2 =	seq.s32 @!p0 s5, $0x0  }
0x1f: {  	s9 =	smul.u32 $0xF7A, s1;
	s8 =	simm.s32 @!p0 $0x1BF5;
	p2 =	por !p2, p0  }
0x20: {  	[sflag:s8] =	ssyncset.s32 @!p0 $0xFFFFF086;
	s6 =	sadd.s32 @!p0 s3, s7;
	s7 =	simm.s32 @!p0 $0x108  }
0x21: {  	s3 =	sadd.s32 s3, s9;
	s6 =	sadd.s32 @!p0 $0x88, s6;
	s7 =	simm.s32 @p2 $0x1082  }
0x22: {  	[simem:s7], [sflag:s8] =	dma.local @!p0 [hbm:s6], $0xF7A  }
0x23: {  	s9 =	sor.u32 $0xD0000000, s2;
	s6 =	simm.s32 $0x108;
	_ =	swait.ge @!p0 [sflag:s8], $0x0  }
0x24: {  	s3 =	sadd.s32 $0x88, s3;
	s6 =	simm.s32 @!p1 $0x1082;
	[sflag:s4] =	ssyncset.s32 $0xFFFFF086  }
0x25: {  	[simem:s6], [sflag:s4] =	dma.local [hbm:s3], $0xF7A  }
0x26: {  	[smem:$0x3F9A] =	sst s1;
	(tag) =	ssettag s2;
	_ =	strace s9  }
0x27: {  	s1 =	sld [smem:$0x3FAA]  }
0x28: {  	s2 =	sld [smem:$0x3FAB]  }
0x29: {  	s4 =	sld [smem:$0x3FAD]  }
0x2a: {  	p0 =	seq.s32 s5, $0x0;
	s5 =	sld [smem:$0x3FAE]  }
0x2b: {  	s6 =	sld [smem:$0x3FAF]  }
0x2c: {  	s7 =	sld [smem:$0x3FB0]  }
0x2d: {  	s3 =	simm.s32 $0x108;
	s8 =	sld [smem:$0x3FB1]  }
0x2e: {  	s3 =	simm.s32 @!p0 $0x1082;
	s9 =	sld [smem:$0x3FB2]  }
0x2f: {  	lr =	sadd.s32 s0, s3;
	s0 =	sld [smem:$0x3FA9]  }
0x30: {  	s3 =	sld [smem:$0x3FAC]  }
0x31: {  	[smem:$0x3FB5] =	sst s10  }
0x32: {  	s10 =	sld [smem:$0x3FB3];
	_ =	sdelay $0x3  }
0x33: {  	p0 =	seq.s32 s10, $0x1;
	s10 =	sld [smem:$0x3FB5];
	_ =	sdelay $0x3  }
0x34: {  	[smem:$0x3FB5] =	sst s10  }
0x35: {  	s10 =	sld [smem:$0x3FB4];
	_ =	sdelay $0x3  }
0x36: {  	p1 =	seq.s32 s10, $0x1;
	s10 =	sld [smem:$0x3FB5];
	_ =	sdelay $0x3  }
0x37: {  	[smem:$0x3FB5] =	sst s10  }
0x38: {  	s10 =	sld [smem:$0x3FB6]  }
0x39: {  	_ = 	snop;
	(pc) =	sbr.ind lr, $3  }
0x3a: {  	_ = 	snop  }
0x3b: {  	_ = 	snop  }
0x3c: {  	p2 =	seq.s32 s10, $0x1;
	s10 =	sld [smem:$0x3FB5]  }
0x3d: {  	_ =	shalt  }
0x3e: {  	_ =	shalt  }
0x3f: {  	_ =	shalt  }
0x40: {  	_ =	shalt  }
0x41: {  	_ =	shalt  }
0x42: {  	_ =	shalt  }
0x43: {  	_ =	shalt  }
0x44: {  	_ =	shalt  }
0x45: {  	_ =	shalt  }
0x46: {  	_ =	shalt  }
0x47: {  	_ =	shalt  }
0x48: {  	_ =	shalt  }
0x49: {  	_ =	shalt  }
0x4a: {  	_ =	shalt  }
0x4b: {  	_ =	shalt  }
0x4c: {  	_ =	shalt  }
0x4d: {  	_ =	shalt  }
0x4e: {  	_ =	shalt  }
0x4f: {  	_ =	shalt  }
0x50: {  	_ =	shalt  }
0x51: {  	_ =	shalt  }
0x52: {  	_ =	shalt  }
0x53: {  	_ =	shalt  }
0x54: {  	_ =	shalt  }
0x55: {  	_ =	shalt  }
0x56: {  	_ =	shalt  }
0x57: {  	_ =	shalt  }
0x58: {  	_ =	shalt  }
0x59: {  	_ =	shalt  }
0x5a: {  	_ =	shalt  }
0x5b: {  	_ =	shalt  }
0x5c: {  	_ =	shalt  }
0x5d: {  	_ =	shalt  }
0x5e: {  	_ =	shalt  }
0x5f: {  	_ =	shalt  }
0x60: {  	_ =	shalt  }
0x61: {  	_ =	shalt  }
0x62: {  	_ =	shalt  }
0x63: {  	_ =	shalt  }
0x64: {  	_ =	shalt  }
0x65: {  	_ =	shalt  }
0x66: {  	_ =	shalt  }
0x67: {  	_ =	shalt  }
0x68: {  	_ =	shalt  }
0x69: {  	_ =	shalt  }
0x6a: {  	_ =	shalt  }
0x6b: {  	_ =	shalt  }
0x6c: {  	_ =	shalt  }
0x6d: {  	_ =	shalt  }
0x6e: {  	_ =	shalt  }
0x6f: {  	_ =	shalt  }
0x70: {  	_ =	shalt  }
0x71: {  	_ =	shalt  }
0x72: {  	_ =	shalt  }
0x73: {  	_ =	shalt  }
0x74: {  	_ =	shalt  }
0x75: {  	_ =	shalt  }
0x76: {  	_ =	shalt  }
0x77: {  	_ =	shalt  }
0x78: {  	_ =	shalt  }
0x79: {  	_ =	shalt  }
0x7a: {  	_ =	shalt  }
0x7b: {  	_ =	shalt  }
0x7c: {  	_ =	shalt  }
0x7d: {  	_ =	shalt  }
0x7e: {  	_ =	shalt  }
0x7f: {  	_ =	shalt  }
0x80: {  	_ =	shalt  }
0x81: {  	_ =	shalt  }
0x82: {  	_ =	shalt  }
0x83: {  	_ =	shalt  }
0x84: {  	_ =	shalt  }
0x85: {  	_ =	shalt  }
0x86: {  	_ =	shalt  }
0x87: {  	_ =	shalt  }
.Lfunc_end0:
.L_simem_size_0:
called_computation_lowered:
.L_overlay_start_0:
0x88: {  	s2 =	sld [smem:$0x3FD9]  }
0x89: {  	s3 =	sld [smem:$0x3FFE];
	_ =	sdelay $0x1  }
0x8a: {  	s1 =	srdreg.scid  }
0x8b: {  	s0 =	sand.u32 $0x1, s1  }
0x8c: {  	s17 =	sshll.u32 s0, $0xA;
	s2 =	sadd.s32 s3, s2  }
0x8d: {  	s2 =	sadd.s32 s2, s17  }
0x8e: {  	[smem:$0x3FC1] =	sst s2  }
0x8f: {  	_ = 	snop  }
0x90: {  	s2 =	sld [smem:$0x3FD0];
	(tm) =	ssettm $0x1  }
0x91: {  	s18 =	sld [smem:$0x3FFB];
	_ =	sdelay $0x3  }
0x92: {  	_ =	strace s18  }
0x93: {  	s3 =	sld [smem:$0x3FFC];
	_ =	sdelay $0x3  }
0x94: {  	_ =	strace s3  }
0x95: {  	s3 =	sld [smem:$0x3FFD];
	_ =	sdelay $0x3  }
0x96: {  	_ =	strace s3  }
0x97: {  	_ =	strace $0x8FFFFFFF  }
0x98: {  	s19 =	sld [smem:$0x3FDB];
	_ =	sdelay $0x1  }
0x99: {  	s4 =	simm.s32 $_scs_section_size  }
0x9a: {  	s5 =	simm.s32 $_size__tile_overlayer_lowered;
	s6 =	simm.s32 $_tile_overlayer_lowered  }
0x9b: {  	s22 =	simm.s32 $0x1BFF;
	s21 =	sshll.u32 s6, $0x1;
	s3 =	sadd.s32 s4, s19  }
0x9c: {  	s7 =	simm.s32 $0x0;
	s20 =	sshll.u32 s5, $0x1;
	s5 =	sadd.s32 s21, s3  }
0x9d: {  	[timem:s7], [sflag:s22] =	dma.local [hbm:s5], s20  }
0x9e: {  	_ =	swait.ge [sflag:s22], s20  }
0x9f: {  	s4 =	ssub.s32 $0x0, s20;
	[sflag:s22] =	ssyncset.done $0x0  }
0xa0: {  	[sflag:s22] =	ssyncadd.s32 s4;
	_ =	sdelay $0x1  }
0xa1: {  	s23 =	simm.s32 $0x1B8B  }
0xa2: {  	_ =	swait.ge [sflag:s23], $0x1  }
0xa3: {  	[sflag:s23] =	ssyncset.done $0x0  }
0xa4: {  	s25 =	simm.s32 $0x1B8E;
	s24 =	sld [smem:$0x3FFE];
	[sflag:s23] =	ssyncadd.s32 $0xFFFFFFFF  }
0xa5: {  	s26 =	simm.s32 $execute0_lowered;
	[smem:$0x3FD2] =	sst s25  }
0xa6: {  	s5 =	sshll.u32 s26, $0x1;
	_ =	strace $0x80000046;
	[dreg:$0x1] =	wrdreg $0xFFFFFFFF  }
0xa7: {  	s28 =	simm.s32 $_size_execute0_lowered;
	s3 =	sadd.s32 s3, s5;
	[dreg:$0x0] =	wrdreg $0x0  }
0xa8: {  	s5 =	sshll.u32 s28, $0x1;
	[dreg:$0x2] =	wrdreg s3  }
0xa9: {  	[dreg:$0x3] =	wrdreg s5  }
0xaa: {  	[dreg:$0x4] =	wrdreg $0xC0  }
0xab: {  	_ =	task [dreg:s7], $0x5FFFF  }
0xac: {  	[dreg:$0x1] =	wrdreg $0xFFFFFFFF  }
0xad: {  	[dreg:$0x0] =	wrdreg $0x60  }
0xae: {  	[dreg:$0x2] =	wrdreg s24  }
0xaf: {  	[dreg:$0x3] =	wrdreg s2  }
0xb0: {  	[dreg:$0x4] =	wrdreg $0x90000  }
0xb1: {  	[dreg:$0x5] =	wrdreg $0x9  }
0xb2: {  	_ =	task.clear_ibuf [dreg:s7], $0x6FFFF;
	_ =	strace $0x90000046  }
0xb3: {  	s29 =	simm.s32 $0x9;
	_ =	strace $0x80000048  }
0xb4: {  	_ =	swait.ge [sflag:s29], $0x1  }
0xb5: {  	[sflag:s29] =	ssyncadd.s32 $0xFFFFFFFF  }
0xb6: {  	_ =	strace $0x90000048  }
0xb7: {  	_ =	sfence  }
0xb8: {  	s30 =	sld [smem:$0x0];
	_ =	sdelay $0x2  }
0xb9: {  	s31 =	sshll.u32 s1, $0xD;
	s1 =	sshrl.u32 s1, $0x2  }
0xba: {  	s3 =	sand.u32 $0x4000, s31;
	s1 =	sadd.s32 s1, s30  }
0xbb: {  	s0 =	sor.u32 s3, s0;
	s1 =	sshll.u32 s1, $0x11  }
0xbc: {  	s0 =	sor.u32 s1, s0  }
0xbd: {  	s0 =	sadd.s32 $0x8F2B, s0  }
0xbe: {  	[sflag:s0] =	ssyncadd.remote.s32 $0x1  }
0xbf: {  	_ =	sfence.sel $0xFFFF  }
0xc0: {  	[dreg:$0x0] =	wrdreg $0xFFFFFFFF;
	(pc) =	sbr.abs _section_cstart, $3  }
0xc1: {  	[dreg:$0x1] =	wrdreg $0xFFFFFFFF  }
0xc2: {  	_ =	task.clear_ibuf [dreg:s7], $0x2FFFF;
	_ =	strace $0x9FFFFFFF  }
0xc3: {  	(tm) =	ssettm $0x7FFFFFFF  }
tec
execute0_lowered:
.L_overlay_start_1:
0x0: {  	(tag) =	ssettag $0x1  }
0x1: {  	s0 =	rddreg [dreg:$0x0]  }
0x2: {  	s1 =	rddreg [dreg:$0x1]  }
0x3: {  	s6 =	rddreg [dreg:$0x2]  }
0x4: {  	s10 =	rddreg [dreg:$0x3];
	s7 =	simm.s32 $0x0;
	s2 =	srdreg.scid  }
0x5: {  	s8 =	stileid.u32;
	s16 =	simm.s32 $0x100;
	s18 =	simm.s32 $0x180  }
0x6: {  	s20 =	simm.s32 $0x200;
	s21 =	simm.s32 $0x280;
	s22 =	simm.s32 $0x300  }
0x7: {  	s23 =	simm.s32 $0x380;
	s24 =	simm.s32 $0x400;
	s25 =	simm.s32 $0x480  }
0x8: {  	s9 =	simm.s32 $0x80;
	[smem:$0x7FF] =	sst s7;
	s3 =	sadd.s32 $0xBC00, s0  }
0x9: {  	s26 =	simm.s32 $0x500;
	_ =	strace $0x80000047;
	[dreg:$0x4] =	wrdreg s3  }
0xa: {  	p0 =	por $0x0, $0x0;
	s28 =	simm.s32 $0xD80;
	[dreg:$0x8] =	wrdreg s16  }
0xb: {  	s29 =	simm.s32 $0xE00;
	s30 =	simm.s32 $0xE80;
	[dreg:$0x9] =	wrdreg s18  }
0xc: {  	s31 =	simm.s32 $0xF00;
	s11 =	simm.s32 $0xF80;
	[dreg:$0xa] =	wrdreg s20  }
0xd: {  	s2 =	sand.u32 $0x1, s2;
	s4 =	sshll.u32 s8, $0xA;
	[dreg:$0xb] =	wrdreg s21  }
0xe: {  	s14 =	sshll.u32 s8, $0xC;
	s15 =	sshll.u32 s8, $0xF;
	[dreg:$0xc] =	wrdreg s22  }
0xf: {  	s19 =	sshll.u32 s8, $0x6;
	s8 =	simm.s32 $0x1000;
	[dreg:$0xd] =	wrdreg s23  }
0x10: {  	s12 =	sshll.u32 s2, $0x9;
	s13 =	ssub.s32 $0x2, s2;
	[dreg:$0xe] =	wrdreg s24  }
0x11: {  	s2 =	sshll.u32 s2, $0x10;
	s1 =	sadd.s32 s1, s14;
	[dreg:$0xf] =	wrdreg s25  }
0x12: {  	s17 =	sadd.s32 s15, s6;
	[dreg:$0x10] =	wrdreg s26;
	s14 =	simm.s32 $0x700  }
0x13: {  	s15 =	simm.s32 $0x780;
	s16 =	simm.s32 $0x800;
	s18 =	simm.s32 $0x900  }
0x14: {  	s20 =	simm.s32 $0xA00;
	s21 =	simm.s32 $0xA80;
	s22 =	simm.s32 $0xB00  }
0x15: {  	s3 =	sadd.s32 s12, s0;
	s0 =	sadd.s32 $0xC400, s0;
	s5 =	sshrl.u32 s13, $0x1  }
0x16: {  	s23 =	simm.s32 $0xB80;
	[dreg:$0x5] =	wrdreg s0;
	s0 =	ssub.s32 s13, s5  }
0x17: {  	s24 =	simm.s32 $0xC00;
	s25 =	simm.s32 $0xC80;
	s0 =	smax.u32 s0, $0x1  }
0x18: {  	s26 =	simm.s32 $0xD00;
	s1 =	sadd.s32 s2, s1;
	p1 =	sne.s32 s0, $0x1  }
.Ltmp0:
0x19: {  	s2 =	sor.u32 $0x1C02, s19;
	s12 =	simm.s32 $0x600;
	(pc) =	sbr.rel @!p1 .LBB2_1-.Ltmp0, $4  }
0x1a: {  	s19 =	simm.s32 $0x980;
	s3 =	sadd.s32 s4, s3;
	[dreg:$0x7] =	wrdreg s1  }
0x1b: {  	s4 =	simm.s32 $0x2;
	s3 =	sadd.s32 $0x3C00, s3;
	s1 =	rddreg [dreg:$0x5]  }
0x1c: {  	s13 =	simm.s32 $0x680;
	s5 =	simm.s32 $0x1;
	[dreg:$0x6] =	wrdreg s3  }
0x1d: {  	s3 =	sshrl.u32 s17, $0x3;
	s17 =	simm.s32 $0x880;
	s0 =	sadd.s32 $0xFFFFFFFF, s0  }
0x1e: {  	[spmem:s3], [sflag:s2] =	dma.local [hbm:s1], $0x1000  }
0x1f: {  	_ =	swait.ge [sflag:s4], $0x1000  }
0x20: {  	[sflag:s4] =	ssyncset.done $0x0  }
0x21: {  	s10 =	rddreg [dreg:$0x6];
	[sflag:s4] =	ssyncadd.s32 $0xFFFFF000  }
0x22: {  	[tilespmem:s7], [sflag:$0x2] =	stream.linear.gather [hbm4b:s10+s7], $0x1000, $0x38;
	[tilespmem:$0x11000] =	vst v63  }
0x23: {  	_ =	swait.ge [sflag:s4], $0x1000  }
0x24: {  	[sflag:s4] =	ssyncset.done $0x0  }
0x25: {  	s10 =	rddreg [dreg:$0x4];
	[sflag:s4] =	ssyncadd.s32 $0xFFFFF000  }
0x26: {  	[tilespmem:s8], [sflag:$0x2] =	stream.linear.gather [hbm4b:s10+s7], $0x4000, $0x38;
	[tilespmem:$0x11000] =	vst v63  }
0x27: {  	_ =	swait.ge [sflag:s4], $0x4000  }
0x28: {  	[sflag:s4] =	ssyncset.done $0x0  }
0x29: {  	[sflag:s4] =	ssyncadd.s32 $0xFFFFC000  }
0x2a: {  	[bflag:$0x0] =	sbarrier.arrive $0xFFFF  }
0x2b: {  	[spmem:s6] =	stream.indirect.scatter.add.f32 [tilespmem:s8], [sflag:$0x1], $0x80, s7, s9, $0xb8;
	[tilespmem:$0x11000] =	vst v63  }
0x2c: {  	_ = 	snop  }
0x2d: {  	[spmem:s6] =	stream.indirect.scatter.add.f32 [tilespmem:s8], [sflag:$0x1], $0x80, s9, s9, $0xb8;
	[tilespmem:$0x11000] =	vst v63  }
0x2e: {  	s1 =	rddreg [dreg:$0x8]  }
0x2f: {  	[spmem:s6] =	stream.indirect.scatter.add.f32 [tilespmem:s8], [sflag:$0x1], $0x80, s1, s9, $0xb8;
	[tilespmem:$0x11000] =	vst v63  }
0x30: {  	s10 =	smov.u32 s0;
	s0 =	rddreg [dreg:$0x9]  }
0x31: {  	[spmem:s6] =	stream.indirect.scatter.add.f32 [tilespmem:s8], [sflag:$0x1], $0x80, s0, s9, $0xb8;
	[tilespmem:$0x11000] =	vst v63  }
0x32: {  	s1 =	rddreg [dreg:$0xa]  }
0x33: {  	[spmem:s6] =	stream.indirect.scatter.add.f32 [tilespmem:s8], [sflag:$0x1], $0x80, s1, s9, $0xb8;
	[tilespmem:$0x11000] =	vst v63  }
0x34: {  	s0 =	rddreg [dreg:$0xb]  }
0x35: {  	[spmem:s6] =	stream.indirect.scatter.add.f32 [tilespmem:s8], [sflag:$0x1], $0x80, s0, s9, $0xb8;
	[tilespmem:$0x11000] =	vst v63  }
0x36: {  	s1 =	rddreg [dreg:$0xc]  }
0x37: {  	[spmem:s6] =	stream.indirect.scatter.add.f32 [tilespmem:s8], [sflag:$0x1], $0x80, s1, s9, $0xb8;
	[tilespmem:$0x11000] =	vst v63  }
0x38: {  	s0 =	rddreg [dreg:$0xd]  }
0x39: {  	[spmem:s6] =	stream.indirect.scatter.add.f32 [tilespmem:s8], [sflag:$0x1], $0x80, s0, s9, $0xb8;
	[tilespmem:$0x11000] =	vst v63  }
0x3a: {  	s1 =	rddreg [dreg:$0xe]  }
0x3b: {  	[spmem:s6] =	stream.indirect.scatter.add.f32 [tilespmem:s8], [sflag:$0x1], $0x80, s1, s9, $0xb8;
	[tilespmem:$0x11000] =	vst v63  }
0x3c: {  	s0 =	rddreg [dreg:$0xf]  }
0x3d: {  	[spmem:s6] =	stream.indirect.scatter.add.f32 [tilespmem:s8], [sflag:$0x1], $0x80, s0, s9, $0xb8;
	[tilespmem:$0x11000] =	vst v63  }
0x3e: {  	s1 =	rddreg [dreg:$0x10]  }
0x3f: {  	[spmem:s6] =	stream.indirect.scatter.add.f32 [tilespmem:s8], [sflag:$0x1], $0x80, s1, s9, $0xb8;
	[tilespmem:$0x11000] =	vst v63  }
0x40: {  	s1 =	simm.s32 $0x580  }
0x41: {  	[spmem:s6] =	stream.indirect.scatter.add.f32 [tilespmem:s8], [sflag:$0x1], $0x80, s1, s9, $0xb8;
	[tilespmem:$0x11000] =	vst v63  }
0x42: {  	_ = 	snop  }
0x43: {  	[spmem:s6] =	stream.indirect.scatter.add.f32 [tilespmem:s8], [sflag:$0x1], $0x80, s12, s9, $0xb8;
	[tilespmem:$0x11000] =	vst v63  }
0x44: {  	_ = 	snop  }
0x45: {  	[spmem:s6] =	stream.indirect.scatter.add.f32 [tilespmem:s8], [sflag:$0x1], $0x80, s13, s9, $0xb8;
	[tilespmem:$0x11000] =	vst v63  }
0x46: {  	_ = 	snop  }
0x47: {  	[spmem:s6] =	stream.indirect.scatter.add.f32 [tilespmem:s8], [sflag:$0x1], $0x80, s14, s9, $0xb8;
	[tilespmem:$0x11000] =	vst v63  }
0x48: {  	_ = 	snop  }
0x49: {  	[spmem:s6] =	stream.indirect.scatter.add.f32 [tilespmem:s8], [sflag:$0x1], $0x80, s15, s9, $0xb8;
	[tilespmem:$0x11000] =	vst v63  }
0x4a: {  	_ = 	snop  }
0x4b: {  	[spmem:s6] =	stream.indirect.scatter.add.f32 [tilespmem:s8], [sflag:$0x1], $0x80, s16, s9, $0xb8;
	[tilespmem:$0x11000] =	vst v63  }
0x4c: {  	_ = 	snop  }
0x4d: {  	[spmem:s6] =	stream.indirect.scatter.add.f32 [tilespmem:s8], [sflag:$0x1], $0x80, s17, s9, $0xb8;
	[tilespmem:$0x11000] =	vst v63  }
0x4e: {  	_ = 	snop  }
0x4f: {  	[spmem:s6] =	stream.indirect.scatter.add.f32 [tilespmem:s8], [sflag:$0x1], $0x80, s18, s9, $0xb8;
	[tilespmem:$0x11000] =	vst v63  }
0x50: {  	_ = 	snop  }
0x51: {  	[spmem:s6] =	stream.indirect.scatter.add.f32 [tilespmem:s8], [sflag:$0x1], $0x80, s19, s9, $0xb8;
	[tilespmem:$0x11000] =	vst v63  }
0x52: {  	_ = 	snop  }
0x53: {  	[spmem:s6] =	stream.indirect.scatter.add.f32 [tilespmem:s8], [sflag:$0x1], $0x80, s20, s9, $0xb8;
	[tilespmem:$0x11000] =	vst v63  }
0x54: {  	_ = 	snop  }
0x55: {  	[spmem:s6] =	stream.indirect.scatter.add.f32 [tilespmem:s8], [sflag:$0x1], $0x80, s21, s9, $0xb8;
	[tilespmem:$0x11000] =	vst v63  }
0x56: {  	_ = 	snop  }
0x57: {  	[spmem:s6] =	stream.indirect.scatter.add.f32 [tilespmem:s8], [sflag:$0x1], $0x80, s22, s9, $0xb8;
	[tilespmem:$0x11000] =	vst v63  }
0x58: {  	_ = 	snop  }
0x59: {  	[spmem:s6] =	stream.indirect.scatter.add.f32 [tilespmem:s8], [sflag:$0x1], $0x80, s23, s9, $0xb8;
	[tilespmem:$0x11000] =	vst v63  }
0x5a: {  	_ = 	snop  }
0x5b: {  	[spmem:s6] =	stream.indirect.scatter.add.f32 [tilespmem:s8], [sflag:$0x1], $0x80, s24, s9, $0xb8;
	[tilespmem:$0x11000] =	vst v63  }
0x5c: {  	_ = 	snop  }
0x5d: {  	[spmem:s6] =	stream.indirect.scatter.add.f32 [tilespmem:s8], [sflag:$0x1], $0x80, s25, s9, $0xb8;
	[tilespmem:$0x11000] =	vst v63  }
0x5e: {  	_ = 	snop  }
0x5f: {  	[spmem:s6] =	stream.indirect.scatter.add.f32 [tilespmem:s8], [sflag:$0x1], $0x80, s26, s9, $0xb8;
	[tilespmem:$0x11000] =	vst v63  }
0x60: {  	_ = 	snop  }
0x61: {  	[spmem:s6] =	stream.indirect.scatter.add.f32 [tilespmem:s8], [sflag:$0x1], $0x80, s28, s9, $0xb8;
	[tilespmem:$0x11000] =	vst v63  }
0x62: {  	_ = 	snop  }
0x63: {  	[spmem:s6] =	stream.indirect.scatter.add.f32 [tilespmem:s8], [sflag:$0x1], $0x80, s29, s9, $0xb8;
	[tilespmem:$0x11000] =	vst v63  }
0x64: {  	_ = 	snop  }
0x65: {  	[spmem:s6] =	stream.indirect.scatter.add.f32 [tilespmem:s8], [sflag:$0x1], $0x80, s30, s9, $0xb8;
	[tilespmem:$0x11000] =	vst v63  }
0x66: {  	_ = 	snop  }
0x67: {  	[spmem:s6] =	stream.indirect.scatter.add.f32 [tilespmem:s8], [sflag:$0x1], $0x80, s31, s9, $0xb8;
	[tilespmem:$0x11000] =	vst v63  }
0x68: {  	_ = 	snop  }
0x69: {  	[spmem:s6] =	stream.indirect.scatter.add.f32 [tilespmem:s8], [sflag:$0x1], $0x80, s11, s9, $0xb8;
	[tilespmem:$0x11000] =	vst v63  }
0x6a: {  	_ =	swait.ge [sflag:s5], $0x4000  }
0x6b: {  	[sflag:s5] =	ssyncset.done $0x0  }
0x6c: {  	[sflag:s5] =	ssyncadd.s32 $0xFFFFC000  }
0x6d: {  	_ =	swait.ge [sflag:s5], $0x4000  }
0x6e: {  	[sflag:s5] =	ssyncset.done $0x0  }
0x6f: {  	[sflag:s5] =	ssyncadd.s32 $0xFFFFC000  }
0x70: {  	_ =	swait.ge [sflag:s5], $0x4000  }
0x71: {  	[sflag:s5] =	ssyncset.done $0x0  }
0x72: {  	[sflag:s5] =	ssyncadd.s32 $0xFFFFC000  }
0x73: {  	_ =	swait.ge [sflag:s5], $0x4000  }
0x74: {  	[sflag:s5] =	ssyncset.done $0x0  }
0x75: {  	[sflag:s5] =	ssyncadd.s32 $0xFFFFC000  }
0x76: {  	_ =	swait.ge [sflag:s5], $0x4000  }
0x77: {  	[sflag:s5] =	ssyncset.done $0x0  }
0x78: {  	[sflag:s5] =	ssyncadd.s32 $0xFFFFC000  }
0x79: {  	_ =	swait.ge [sflag:s5], $0x4000  }
0x7a: {  	[sflag:s5] =	ssyncset.done $0x0  }
0x7b: {  	[sflag:s5] =	ssyncadd.s32 $0xFFFFC000  }
0x7c: {  	_ =	swait.ge [sflag:s5], $0x4000  }
0x7d: {  	[sflag:s5] =	ssyncset.done $0x0  }
0x7e: {  	[sflag:s5] =	ssyncadd.s32 $0xFFFFC000  }
0x7f: {  	_ =	swait.ge [sflag:s5], $0x4000  }
0x80: {  	[sflag:s5] =	ssyncset.done $0x0  }
0x81: {  	[sflag:s5] =	ssyncadd.s32 $0xFFFFC000  }
0x82: {  	_ =	swait.ge [sflag:s5], $0x4000  }
0x83: {  	[sflag:s5] =	ssyncset.done $0x0  }
0x84: {  	[sflag:s5] =	ssyncadd.s32 $0xFFFFC000  }
0x85: {  	_ =	swait.ge [sflag:s5], $0x4000  }
0x86: {  	[sflag:s5] =	ssyncset.done $0x0  }
0x87: {  	[sflag:s5] =	ssyncadd.s32 $0xFFFFC000  }
0x88: {  	_ =	swait.ge [sflag:s5], $0x4000  }
0x89: {  	[sflag:s5] =	ssyncset.done $0x0  }
0x8a: {  	[sflag:s5] =	ssyncadd.s32 $0xFFFFC000  }
0x8b: {  	_ =	swait.ge [sflag:s5], $0x4000  }
0x8c: {  	[sflag:s5] =	ssyncset.done $0x0  }
0x8d: {  	[sflag:s5] =	ssyncadd.s32 $0xFFFFC000  }
0x8e: {  	_ =	swait.ge [sflag:s5], $0x4000  }
0x8f: {  	[sflag:s5] =	ssyncset.done $0x0  }
0x90: {  	[sflag:s5] =	ssyncadd.s32 $0xFFFFC000  }
0x91: {  	_ =	swait.ge [sflag:s5], $0x4000  }
0x92: {  	[sflag:s5] =	ssyncset.done $0x0  }
0x93: {  	[sflag:s5] =	ssyncadd.s32 $0xFFFFC000  }
0x94: {  	_ =	swait.ge [sflag:s5], $0x4000  }
0x95: {  	[sflag:s5] =	ssyncset.done $0x0  }
0x96: {  	[sflag:s5] =	ssyncadd.s32 $0xFFFFC000  }
0x97: {  	_ =	swait.ge [sflag:s5], $0x4000  }
0x98: {  	[sflag:s5] =	ssyncset.done $0x0  }
0x99: {  	[sflag:s5] =	ssyncadd.s32 $0xFFFFC000  }
0x9a: {  	_ =	swait.ge [sflag:s5], $0x4000  }
0x9b: {  	[sflag:s5] =	ssyncset.done $0x0  }
0x9c: {  	[sflag:s5] =	ssyncadd.s32 $0xFFFFC000  }
0x9d: {  	_ =	swait.ge [sflag:s5], $0x4000  }
0x9e: {  	[sflag:s5] =	ssyncset.done $0x0  }
0x9f: {  	[sflag:s5] =	ssyncadd.s32 $0xFFFFC000  }
0xa0: {  	_ =	swait.ge [sflag:s5], $0x4000  }
0xa1: {  	[sflag:s5] =	ssyncset.done $0x0  }
0xa2: {  	[sflag:s5] =	ssyncadd.s32 $0xFFFFC000  }
0xa3: {  	_ =	swait.ge [sflag:s5], $0x4000  }
0xa4: {  	[sflag:s5] =	ssyncset.done $0x0  }
0xa5: {  	[sflag:s5] =	ssyncadd.s32 $0xFFFFC000  }
0xa6: {  	_ =	swait.ge [sflag:s5], $0x4000  }
0xa7: {  	[sflag:s5] =	ssyncset.done $0x0  }
0xa8: {  	[sflag:s5] =	ssyncadd.s32 $0xFFFFC000  }
0xa9: {  	_ =	swait.ge [sflag:s5], $0x4000  }
0xaa: {  	[sflag:s5] =	ssyncset.done $0x0  }
0xab: {  	[sflag:s5] =	ssyncadd.s32 $0xFFFFC000  }
0xac: {  	_ =	swait.ge [sflag:s5], $0x4000  }
0xad: {  	[sflag:s5] =	ssyncset.done $0x0  }
0xae: {  	[sflag:s5] =	ssyncadd.s32 $0xFFFFC000  }
0xaf: {  	_ =	swait.ge [sflag:s5], $0x4000  }
0xb0: {  	[sflag:s5] =	ssyncset.done $0x0  }
0xb1: {  	[sflag:s5] =	ssyncadd.s32 $0xFFFFC000  }
0xb2: {  	_ =	swait.ge [sflag:s5], $0x4000  }
0xb3: {  	[sflag:s5] =	ssyncset.done $0x0  }
0xb4: {  	[sflag:s5] =	ssyncadd.s32 $0xFFFFC000  }
0xb5: {  	_ =	swait.ge [sflag:s5], $0x4000  }
0xb6: {  	[sflag:s5] =	ssyncset.done $0x0  }
0xb7: {  	[sflag:s5] =	ssyncadd.s32 $0xFFFFC000  }
0xb8: {  	_ =	swait.ge [sflag:s5], $0x4000  }
0xb9: {  	[sflag:s5] =	ssyncset.done $0x0  }
0xba: {  	[sflag:s5] =	ssyncadd.s32 $0xFFFFC000  }
0xbb: {  	_ =	swait.ge [sflag:s5], $0x4000  }
0xbc: {  	[sflag:s5] =	ssyncset.done $0x0  }
0xbd: {  	[sflag:s5] =	ssyncadd.s32 $0xFFFFC000  }
0xbe: {  	_ =	swait.ge [sflag:s5], $0x4000  }
0xbf: {  	[sflag:s5] =	ssyncset.done $0x0  }
0xc0: {  	[sflag:s5] =	ssyncadd.s32 $0xFFFFC000  }
0xc1: {  	_ =	swait.ge [sflag:s5], $0x4000  }
0xc2: {  	[sflag:s5] =	ssyncset.done $0x0  }
0xc3: {  	[sflag:s5] =	ssyncadd.s32 $0xFFFFC000  }
0xc4: {  	_ =	swait.ge [sflag:s5], $0x4000  }
0xc5: {  	[sflag:s5] =	ssyncset.done $0x0  }
0xc6: {  	[sflag:s5] =	ssyncadd.s32 $0xFFFFC000  }
0xc7: {  	_ =	swait.ge [sflag:s5], $0x4000  }
0xc8: {  	[sflag:s5] =	ssyncset.done $0x0  }
0xc9: {  	p1 =	sne.s32 s10, $0x1;
	[sflag:s5] =	ssyncadd.s32 $0xFFFFC000  }
.Ltmp1:
0xca: {  	[bflag:$0x0] =	sbarrier.arrive $0xFFFF;
	(pc) =	sbr.rel @!p1 .LBB2_3-.Ltmp1, $4  }
0xcb: {  	s1 =	rddreg [dreg:$0x7]  }
0xcc: {  	[hbm:s1], [sflag:s2] =	dma.local [spmem:s3], $0x1000  }
0xcd: {  	p0 =	por $0x1, $0x1;
	_ =	swait.ge [sflag:s4], $0x1000  }
0xce: {  	s0 =	sadd.s32 $0xFFFFFFFF, s10;
	s1 =	rddreg [dreg:$0x5];
	[sflag:s4] =	ssyncset.done $0x0  }
.LBB2_4:
0xcf: {  	[sflag:s4] =	ssyncadd.s32 $0xFFFFF000  }
0xd0: {  	[spmem:s3], [sflag:s2] =	dma.local [hbm:s1], $0x1000  }
0xd1: {  	_ =	swait.ge [sflag:s4], $0x1000  }
0xd2: {  	[sflag:s4] =	ssyncset.done $0x0  }
0xd3: {  	s10 =	rddreg [dreg:$0x6];
	[sflag:s4] =	ssyncadd.s32 $0xFFFFF000  }
0xd4: {  	[tilespmem:s7], [sflag:$0x2] =	stream.linear.gather [hbm4b:s10+s7], $0x1000, $0x38;
	[tilespmem:$0x11000] =	vst v63  }
0xd5: {  	_ =	swait.ge [sflag:s4], $0x1000  }
0xd6: {  	[sflag:s4] =	ssyncset.done $0x0  }
0xd7: {  	s10 =	rddreg [dreg:$0x4];
	[sflag:s4] =	ssyncadd.s32 $0xFFFFF000  }
0xd8: {  	[tilespmem:s8], [sflag:$0x2] =	stream.linear.gather [hbm4b:s10+s7], $0x4000, $0x38;
	[tilespmem:$0x11000] =	vst v63  }
0xd9: {  	_ =	swait.ge [sflag:s4], $0x4000  }
0xda: {  	[sflag:s4] =	ssyncset.done $0x0  }
0xdb: {  	[sflag:s4] =	ssyncadd.s32 $0xFFFFC000  }
0xdc: {  	[bflag:$0x0] =	sbarrier.arrive $0xFFFF  }
0xdd: {  	[spmem:s6] =	stream.indirect.scatter.add.f32 [tilespmem:s8], [sflag:$0x1], $0x80, s7, s9, $0xb8;
	[tilespmem:$0x11000] =	vst v63  }
0xde: {  	_ = 	snop  }
0xdf: {  	[spmem:s6] =	stream.indirect.scatter.add.f32 [tilespmem:s8], [sflag:$0x1], $0x80, s9, s9, $0xb8;
	[tilespmem:$0x11000] =	vst v63  }
0xe0: {  	s1 =	rddreg [dreg:$0x8]  }
0xe1: {  	[spmem:s6] =	stream.indirect.scatter.add.f32 [tilespmem:s8], [sflag:$0x1], $0x80, s1, s9, $0xb8;
	[tilespmem:$0x11000] =	vst v63  }
0xe2: {  	s10 =	rddreg [dreg:$0x9]  }
0xe3: {  	[spmem:s6] =	stream.indirect.scatter.add.f32 [tilespmem:s8], [sflag:$0x1], $0x80, s10, s9, $0xb8;
	[tilespmem:$0x11000] =	vst v63  }
0xe4: {  	s1 =	rddreg [dreg:$0xa]  }
0xe5: {  	[spmem:s6] =	stream.indirect.scatter.add.f32 [tilespmem:s8], [sflag:$0x1], $0x80, s1, s9, $0xb8;
	[tilespmem:$0x11000] =	vst v63  }
0xe6: {  	s10 =	rddreg [dreg:$0xb]  }
0xe7: {  	[spmem:s6] =	stream.indirect.scatter.add.f32 [tilespmem:s8], [sflag:$0x1], $0x80, s10, s9, $0xb8;
	[tilespmem:$0x11000] =	vst v63  }
0xe8: {  	s1 =	rddreg [dreg:$0xc]  }
0xe9: {  	[spmem:s6] =	stream.indirect.scatter.add.f32 [tilespmem:s8], [sflag:$0x1], $0x80, s1, s9, $0xb8;
	[tilespmem:$0x11000] =	vst v63  }
0xea: {  	s10 =	rddreg [dreg:$0xd]  }
0xeb: {  	[spmem:s6] =	stream.indirect.scatter.add.f32 [tilespmem:s8], [sflag:$0x1], $0x80, s10, s9, $0xb8;
	[tilespmem:$0x11000] =	vst v63  }
0xec: {  	s1 =	rddreg [dreg:$0xe]  }
0xed: {  	[spmem:s6] =	stream.indirect.scatter.add.f32 [tilespmem:s8], [sflag:$0x1], $0x80, s1, s9, $0xb8;
	[tilespmem:$0x11000] =	vst v63  }
0xee: {  	s10 =	rddreg [dreg:$0xf]  }
0xef: {  	[spmem:s6] =	stream.indirect.scatter.add.f32 [tilespmem:s8], [sflag:$0x1], $0x80, s10, s9, $0xb8;
	[tilespmem:$0x11000] =	vst v63  }
0xf0: {  	s1 =	rddreg [dreg:$0x10]  }
0xf1: {  	[spmem:s6] =	stream.indirect.scatter.add.f32 [tilespmem:s8], [sflag:$0x1], $0x80, s1, s9, $0xb8;
	[tilespmem:$0x11000] =	vst v63  }
0xf2: {  	s10 =	simm.s32 $0x580  }
0xf3: {  	[spmem:s6] =	stream.indirect.scatter.add.f32 [tilespmem:s8], [sflag:$0x1], $0x80, s10, s9, $0xb8;
	[tilespmem:$0x11000] =	vst v63  }
0xf4: {  	_ = 	snop  }
0xf5: {  	[spmem:s6] =	stream.indirect.scatter.add.f32 [tilespmem:s8], [sflag:$0x1], $0x80, s12, s9, $0xb8;
	[tilespmem:$0x11000] =	vst v63  }
0xf6: {  	_ = 	snop  }
0xf7: {  	[spmem:s6] =	stream.indirect.scatter.add.f32 [tilespmem:s8], [sflag:$0x1], $0x80, s13, s9, $0xb8;
	[tilespmem:$0x11000] =	vst v63  }
0xf8: {  	_ = 	snop  }
0xf9: {  	[spmem:s6] =	stream.indirect.scatter.add.f32 [tilespmem:s8], [sflag:$0x1], $0x80, s14, s9, $0xb8;
	[tilespmem:$0x11000] =	vst v63  }
0xfa: {  	_ = 	snop  }
0xfb: {  	[spmem:s6] =	stream.indirect.scatter.add.f32 [tilespmem:s8], [sflag:$0x1], $0x80, s15, s9, $0xb8;
	[tilespmem:$0x11000] =	vst v63  }
0xfc: {  	_ = 	snop  }
0xfd: {  	[spmem:s6] =	stream.indirect.scatter.add.f32 [tilespmem:s8], [sflag:$0x1], $0x80, s16, s9, $0xb8;
	[tilespmem:$0x11000] =	vst v63  }
0xfe: {  	_ = 	snop  }
0xff: {  	[spmem:s6] =	stream.indirect.scatter.add.f32 [tilespmem:s8], [sflag:$0x1], $0x80, s17, s9, $0xb8;
	[tilespmem:$0x11000] =	vst v63  }
0x100: {  	_ = 	snop  }
0x101: {  	[spmem:s6] =	stream.indirect.scatter.add.f32 [tilespmem:s8], [sflag:$0x1], $0x80, s18, s9, $0xb8;
	[tilespmem:$0x11000] =	vst v63  }
0x102: {  	_ = 	snop  }
0x103: {  	[spmem:s6] =	stream.indirect.scatter.add.f32 [tilespmem:s8], [sflag:$0x1], $0x80, s19, s9, $0xb8;
	[tilespmem:$0x11000] =	vst v63  }
0x104: {  	_ = 	snop  }
0x105: {  	[spmem:s6] =	stream.indirect.scatter.add.f32 [tilespmem:s8], [sflag:$0x1], $0x80, s20, s9, $0xb8;
	[tilespmem:$0x11000] =	vst v63  }
0x106: {  	_ = 	snop  }
0x107: {  	[spmem:s6] =	stream.indirect.scatter.add.f32 [tilespmem:s8], [sflag:$0x1], $0x80, s21, s9, $0xb8;
	[tilespmem:$0x11000] =	vst v63  }
0x108: {  	_ = 	snop  }
0x109: {  	[spmem:s6] =	stream.indirect.scatter.add.f32 [tilespmem:s8], [sflag:$0x1], $0x80, s22, s9, $0xb8;
	[tilespmem:$0x11000] =	vst v63  }
0x10a: {  	_ = 	snop  }
0x10b: {  	[spmem:s6] =	stream.indirect.scatter.add.f32 [tilespmem:s8], [sflag:$0x1], $0x80, s23, s9, $0xb8;
	[tilespmem:$0x11000] =	vst v63  }
0x10c: {  	_ = 	snop  }
0x10d: {  	[spmem:s6] =	stream.indirect.scatter.add.f32 [tilespmem:s8], [sflag:$0x1], $0x80, s24, s9, $0xb8;
	[tilespmem:$0x11000] =	vst v63  }
0x10e: {  	_ = 	snop  }
0x10f: {  	[spmem:s6] =	stream.indirect.scatter.add.f32 [tilespmem:s8], [sflag:$0x1], $0x80, s25, s9, $0xb8;
	[tilespmem:$0x11000] =	vst v63  }
0x110: {  	_ = 	snop  }
0x111: {  	[spmem:s6] =	stream.indirect.scatter.add.f32 [tilespmem:s8], [sflag:$0x1], $0x80, s26, s9, $0xb8;
	[tilespmem:$0x11000] =	vst v63  }
0x112: {  	_ = 	snop  }
0x113: {  	[spmem:s6] =	stream.indirect.scatter.add.f32 [tilespmem:s8], [sflag:$0x1], $0x80, s28, s9, $0xb8;
	[tilespmem:$0x11000] =	vst v63  }
0x114: {  	_ = 	snop  }
0x115: {  	[spmem:s6] =	stream.indirect.scatter.add.f32 [tilespmem:s8], [sflag:$0x1], $0x80, s29, s9, $0xb8;
	[tilespmem:$0x11000] =	vst v63  }
0x116: {  	_ = 	snop  }
0x117: {  	[spmem:s6] =	stream.indirect.scatter.add.f32 [tilespmem:s8], [sflag:$0x1], $0x80, s30, s9, $0xb8;
	[tilespmem:$0x11000] =	vst v63  }
0x118: {  	_ = 	snop  }
0x119: {  	[spmem:s6] =	stream.indirect.scatter.add.f32 [tilespmem:s8], [sflag:$0x1], $0x80, s31, s9, $0xb8;
	[tilespmem:$0x11000] =	vst v63  }
0x11a: {  	_ = 	snop  }
0x11b: {  	[spmem:s6] =	stream.indirect.scatter.add.f32 [tilespmem:s8], [sflag:$0x1], $0x80, s11, s9, $0xb8;
	[tilespmem:$0x11000] =	vst v63  }
0x11c: {  	_ =	swait.ge [sflag:s5], $0x4000  }
0x11d: {  	[sflag:s5] =	ssyncset.done $0x0  }
0x11e: {  	[sflag:s5] =	ssyncadd.s32 $0xFFFFC000  }
0x11f: {  	_ =	swait.ge [sflag:s5], $0x4000  }
0x120: {  	[sflag:s5] =	ssyncset.done $0x0  }
0x121: {  	[sflag:s5] =	ssyncadd.s32 $0xFFFFC000  }
0x122: {  	_ =	swait.ge [sflag:s5], $0x4000  }
0x123: {  	[sflag:s5] =	ssyncset.done $0x0  }
0x124: {  	[sflag:s5] =	ssyncadd.s32 $0xFFFFC000  }
0x125: {  	_ =	swait.ge [sflag:s5], $0x4000  }
0x126: {  	[sflag:s5] =	ssyncset.done $0x0  }
0x127: {  	[sflag:s5] =	ssyncadd.s32 $0xFFFFC000  }
0x128: {  	_ =	swait.ge [sflag:s5], $0x4000  }
0x129: {  	[sflag:s5] =	ssyncset.done $0x0  }
0x12a: {  	[sflag:s5] =	ssyncadd.s32 $0xFFFFC000  }
0x12b: {  	_ =	swait.ge [sflag:s5], $0x4000  }
0x12c: {  	[sflag:s5] =	ssyncset.done $0x0  }
0x12d: {  	[sflag:s5] =	ssyncadd.s32 $0xFFFFC000  }
0x12e: {  	_ =	swait.ge [sflag:s5], $0x4000  }
0x12f: {  	[sflag:s5] =	ssyncset.done $0x0  }
0x130: {  	[sflag:s5] =	ssyncadd.s32 $0xFFFFC000  }
0x131: {  	_ =	swait.ge [sflag:s5], $0x4000  }
0x132: {  	[sflag:s5] =	ssyncset.done $0x0  }
0x133: {  	[sflag:s5] =	ssyncadd.s32 $0xFFFFC000  }
0x134: {  	_ =	swait.ge [sflag:s5], $0x4000  }
0x135: {  	[sflag:s5] =	ssyncset.done $0x0  }
0x136: {  	[sflag:s5] =	ssyncadd.s32 $0xFFFFC000  }
0x137: {  	_ =	swait.ge [sflag:s5], $0x4000  }
0x138: {  	[sflag:s5] =	ssyncset.done $0x0  }
0x139: {  	[sflag:s5] =	ssyncadd.s32 $0xFFFFC000  }
0x13a: {  	_ =	swait.ge [sflag:s5], $0x4000  }
0x13b: {  	[sflag:s5] =	ssyncset.done $0x0  }
0x13c: {  	[sflag:s5] =	ssyncadd.s32 $0xFFFFC000  }
0x13d: {  	_ =	swait.ge [sflag:s5], $0x4000  }
0x13e: {  	[sflag:s5] =	ssyncset.done $0x0  }
0x13f: {  	[sflag:s5] =	ssyncadd.s32 $0xFFFFC000  }
0x140: {  	_ =	swait.ge [sflag:s5], $0x4000  }
0x141: {  	[sflag:s5] =	ssyncset.done $0x0  }
0x142: {  	[sflag:s5] =	ssyncadd.s32 $0xFFFFC000  }
0x143: {  	_ =	swait.ge [sflag:s5], $0x4000  }
0x144: {  	[sflag:s5] =	ssyncset.done $0x0  }
0x145: {  	[sflag:s5] =	ssyncadd.s32 $0xFFFFC000  }
0x146: {  	_ =	swait.ge [sflag:s5], $0x4000  }
0x147: {  	[sflag:s5] =	ssyncset.done $0x0  }
0x148: {  	[sflag:s5] =	ssyncadd.s32 $0xFFFFC000  }
0x149: {  	_ =	swait.ge [sflag:s5], $0x4000  }
0x14a: {  	[sflag:s5] =	ssyncset.done $0x0  }
0x14b: {  	[sflag:s5] =	ssyncadd.s32 $0xFFFFC000  }
0x14c: {  	_ =	swait.ge [sflag:s5], $0x4000  }
0x14d: {  	[sflag:s5] =	ssyncset.done $0x0  }
0x14e: {  	[sflag:s5] =	ssyncadd.s32 $0xFFFFC000  }
0x14f: {  	_ =	swait.ge [sflag:s5], $0x4000  }
0x150: {  	[sflag:s5] =	ssyncset.done $0x0  }
0x151: {  	[sflag:s5] =	ssyncadd.s32 $0xFFFFC000  }
0x152: {  	_ =	swait.ge [sflag:s5], $0x4000  }
0x153: {  	[sflag:s5] =	ssyncset.done $0x0  }
0x154: {  	[sflag:s5] =	ssyncadd.s32 $0xFFFFC000  }
0x155: {  	_ =	swait.ge [sflag:s5], $0x4000  }
0x156: {  	[sflag:s5] =	ssyncset.done $0x0  }
0x157: {  	[sflag:s5] =	ssyncadd.s32 $0xFFFFC000  }
0x158: {  	_ =	swait.ge [sflag:s5], $0x4000  }
0x159: {  	[sflag:s5] =	ssyncset.done $0x0  }
0x15a: {  	[sflag:s5] =	ssyncadd.s32 $0xFFFFC000  }
0x15b: {  	_ =	swait.ge [sflag:s5], $0x4000  }
0x15c: {  	[sflag:s5] =	ssyncset.done $0x0  }
0x15d: {  	[sflag:s5] =	ssyncadd.s32 $0xFFFFC000  }
0x15e: {  	_ =	swait.ge [sflag:s5], $0x4000  }
0x15f: {  	[sflag:s5] =	ssyncset.done $0x0  }
0x160: {  	[sflag:s5] =	ssyncadd.s32 $0xFFFFC000  }
0x161: {  	_ =	swait.ge [sflag:s5], $0x4000  }
0x162: {  	[sflag:s5] =	ssyncset.done $0x0  }
0x163: {  	[sflag:s5] =	ssyncadd.s32 $0xFFFFC000  }
0x164: {  	_ =	swait.ge [sflag:s5], $0x4000  }
0x165: {  	[sflag:s5] =	ssyncset.done $0x0  }
0x166: {  	[sflag:s5] =	ssyncadd.s32 $0xFFFFC000  }
0x167: {  	_ =	swait.ge [sflag:s5], $0x4000  }
0x168: {  	[sflag:s5] =	ssyncset.done $0x0  }
0x169: {  	[sflag:s5] =	ssyncadd.s32 $0xFFFFC000  }
0x16a: {  	_ =	swait.ge [sflag:s5], $0x4000  }
0x16b: {  	[sflag:s5] =	ssyncset.done $0x0  }
0x16c: {  	[sflag:s5] =	ssyncadd.s32 $0xFFFFC000  }
0x16d: {  	_ =	swait.ge [sflag:s5], $0x4000  }
0x16e: {  	[sflag:s5] =	ssyncset.done $0x0  }
0x16f: {  	[sflag:s5] =	ssyncadd.s32 $0xFFFFC000  }
0x170: {  	_ =	swait.ge [sflag:s5], $0x4000  }
0x171: {  	[sflag:s5] =	ssyncset.done $0x0  }
0x172: {  	[sflag:s5] =	ssyncadd.s32 $0xFFFFC000  }
0x173: {  	_ =	swait.ge [sflag:s5], $0x4000  }
0x174: {  	[sflag:s5] =	ssyncset.done $0x0  }
0x175: {  	[sflag:s5] =	ssyncadd.s32 $0xFFFFC000  }
0x176: {  	_ =	swait.ge [sflag:s5], $0x4000  }
0x177: {  	[sflag:s5] =	ssyncset.done $0x0  }
0x178: {  	[sflag:s5] =	ssyncadd.s32 $0xFFFFC000  }
0x179: {  	_ =	swait.ge [sflag:s5], $0x4000  }
0x17a: {  	[sflag:s5] =	ssyncset.done $0x0  }
0x17b: {  	p1 =	sne.s32 s0, $0x1;
	[sflag:s5] =	ssyncadd.s32 $0xFFFFC000  }
.Ltmp2:
0x17c: {  	[bflag:$0x0] =	sbarrier.arrive $0xFFFF;
	(pc) =	sbr.rel @p1 .LBB2_4-.Ltmp2, $4  }
0x17d: {  	s10 =	rddreg [dreg:$0x7]  }
0x17e: {  	[hbm:s10], [sflag:s2] =	dma.local [spmem:s3], $0x1000  }
0x17f: {  	_ =	swait.ge [sflag:s4], $0x1000  }
0x180: {  	s0 =	sadd.s32 $0xFFFFFFFF, s0;
	s1 =	rddreg [dreg:$0x5];
	[sflag:s4] =	ssyncset.done $0x0  }
0x181: {  	s31 =	simm.s32 $0xF00;
	s30 =	simm.s32 $0xE80;
	s29 =	simm.s32 $0xE00  }
0x182: {  	s28 =	simm.s32 $0xD80;
	s26 =	simm.s32 $0xD00;
	s25 =	simm.s32 $0xC80  }
0x183: {  	s24 =	simm.s32 $0xC00;
	s23 =	simm.s32 $0xB80;
	s22 =	simm.s32 $0xB00  }
0x184: {  	s21 =	simm.s32 $0xA80;
	s20 =	simm.s32 $0xA00;
	s19 =	simm.s32 $0x980  }
0x185: {  	s18 =	simm.s32 $0x900;
	s17 =	simm.s32 $0x880;
	s16 =	simm.s32 $0x800  }
0x186: {  	s15 =	simm.s32 $0x780;
	s14 =	simm.s32 $0x700;
	s13 =	simm.s32 $0x680  }
0x187: {  	s12 =	simm.s32 $0x600;
	s11 =	simm.s32 $0x580;
	s10 =	rddreg [dreg:$0x3]  }
.LBB2_6:
0x188: {  	[sflag:s4] =	ssyncadd.s32 @p0 $0xFFFFF000  }
0x189: {  	[spmem:s3], [sflag:s2] =	dma.local [hbm:s1], $0x1000  }
0x18a: {  	_ =	swait.ge [sflag:s4], $0x1000  }
0x18b: {  	[sflag:s4] =	ssyncset.done $0x0  }
0x18c: {  	s0 =	rddreg [dreg:$0x6];
	[sflag:s4] =	ssyncadd.s32 $0xFFFFF000  }
0x18d: {  	[tilespmem:s7], [sflag:$0x2] =	stream.linear.gather [hbm4b:s0+s7], $0x1000, $0x38;
	[tilespmem:$0x11000] =	vst v63  }
0x18e: {  	_ =	swait.ge [sflag:s4], $0x1000  }
0x18f: {  	[sflag:s4] =	ssyncset.done $0x0  }
0x190: {  	s1 =	rddreg [dreg:$0x4];
	[sflag:s4] =	ssyncadd.s32 $0xFFFFF000  }
0x191: {  	[tilespmem:s8], [sflag:$0x2] =	stream.linear.gather [hbm4b:s1+s7], $0x4000, $0x38;
	[tilespmem:$0x11000] =	vst v63  }
0x192: {  	_ =	swait.ge [sflag:s4], $0x4000  }
0x193: {  	[sflag:s4] =	ssyncset.done $0x0  }
0x194: {  	[sflag:s4] =	ssyncadd.s32 $0xFFFFC000  }
0x195: {  	[bflag:$0x0] =	sbarrier.arrive $0xFFFF  }
0x196: {  	[spmem:s6] =	stream.indirect.scatter.add.f32 [tilespmem:s8], [sflag:$0x1], $0x80, s7, s9, $0xb8;
	[tilespmem:$0x11000] =	vst v63  }
0x197: {  	_ = 	snop  }
0x198: {  	[spmem:s6] =	stream.indirect.scatter.add.f32 [tilespmem:s8], [sflag:$0x1], $0x80, s9, s9, $0xb8;
	[tilespmem:$0x11000] =	vst v63  }
0x199: {  	s7 =	rddreg [dreg:$0x8]  }
0x19a: {  	[spmem:s6] =	stream.indirect.scatter.add.f32 [tilespmem:s8], [sflag:$0x1], $0x80, s7, s9, $0xb8;
	[tilespmem:$0x11000] =	vst v63  }
0x19b: {  	s1 =	rddreg [dreg:$0x9]  }
0x19c: {  	[spmem:s6] =	stream.indirect.scatter.add.f32 [tilespmem:s8], [sflag:$0x1], $0x80, s1, s9, $0xb8;
	[tilespmem:$0x11000] =	vst v63  }
0x19d: {  	s7 =	rddreg [dreg:$0xa]  }
0x19e: {  	[spmem:s6] =	stream.indirect.scatter.add.f32 [tilespmem:s8], [sflag:$0x1], $0x80, s7, s9, $0xb8;
	[tilespmem:$0x11000] =	vst v63  }
0x19f: {  	s1 =	rddreg [dreg:$0xb]  }
0x1a0: {  	[spmem:s6] =	stream.indirect.scatter.add.f32 [tilespmem:s8], [sflag:$0x1], $0x80, s1, s9, $0xb8;
	[tilespmem:$0x11000] =	vst v63  }
0x1a1: {  	s7 =	rddreg [dreg:$0xc]  }
0x1a2: {  	[spmem:s6] =	stream.indirect.scatter.add.f32 [tilespmem:s8], [sflag:$0x1], $0x80, s7, s9, $0xb8;
	[tilespmem:$0x11000] =	vst v63  }
0x1a3: {  	s1 =	rddreg [dreg:$0xd]  }
0x1a4: {  	[spmem:s6] =	stream.indirect.scatter.add.f32 [tilespmem:s8], [sflag:$0x1], $0x80, s1, s9, $0xb8;
	[tilespmem:$0x11000] =	vst v63  }
0x1a5: {  	s7 =	rddreg [dreg:$0xe]  }
0x1a6: {  	[spmem:s6] =	stream.indirect.scatter.add.f32 [tilespmem:s8], [sflag:$0x1], $0x80, s7, s9, $0xb8;
	[tilespmem:$0x11000] =	vst v63  }
0x1a7: {  	s1 =	rddreg [dreg:$0xf]  }
0x1a8: {  	[spmem:s6] =	stream.indirect.scatter.add.f32 [tilespmem:s8], [sflag:$0x1], $0x80, s1, s9, $0xb8;
	[tilespmem:$0x11000] =	vst v63  }
0x1a9: {  	s7 =	rddreg [dreg:$0x10]  }
0x1aa: {  	[spmem:s6] =	stream.indirect.scatter.add.f32 [tilespmem:s8], [sflag:$0x1], $0x80, s7, s9, $0xb8;
	[tilespmem:$0x11000] =	vst v63  }
0x1ab: {  	_ = 	snop  }
0x1ac: {  	[spmem:s6] =	stream.indirect.scatter.add.f32 [tilespmem:s8], [sflag:$0x1], $0x80, s11, s9, $0xb8;
	[tilespmem:$0x11000] =	vst v63  }
0x1ad: {  	_ = 	snop  }
0x1ae: {  	[spmem:s6] =	stream.indirect.scatter.add.f32 [tilespmem:s8], [sflag:$0x1], $0x80, s12, s9, $0xb8;
	[tilespmem:$0x11000] =	vst v63  }
0x1af: {  	_ = 	snop  }
0x1b0: {  	[spmem:s6] =	stream.indirect.scatter.add.f32 [tilespmem:s8], [sflag:$0x1], $0x80, s13, s9, $0xb8;
	[tilespmem:$0x11000] =	vst v63  }
0x1b1: {  	_ = 	snop  }
0x1b2: {  	[spmem:s6] =	stream.indirect.scatter.add.f32 [tilespmem:s8], [sflag:$0x1], $0x80, s14, s9, $0xb8;
	[tilespmem:$0x11000] =	vst v63  }
0x1b3: {  	_ = 	snop  }
0x1b4: {  	[spmem:s6] =	stream.indirect.scatter.add.f32 [tilespmem:s8], [sflag:$0x1], $0x80, s15, s9, $0xb8;
	[tilespmem:$0x11000] =	vst v63  }
0x1b5: {  	_ = 	snop  }
0x1b6: {  	[spmem:s6] =	stream.indirect.scatter.add.f32 [tilespmem:s8], [sflag:$0x1], $0x80, s16, s9, $0xb8;
	[tilespmem:$0x11000] =	vst v63  }
0x1b7: {  	_ = 	snop  }
0x1b8: {  	[spmem:s6] =	stream.indirect.scatter.add.f32 [tilespmem:s8], [sflag:$0x1], $0x80, s17, s9, $0xb8;
	[tilespmem:$0x11000] =	vst v63  }
0x1b9: {  	_ = 	snop  }
0x1ba: {  	[spmem:s6] =	stream.indirect.scatter.add.f32 [tilespmem:s8], [sflag:$0x1], $0x80, s18, s9, $0xb8;
	[tilespmem:$0x11000] =	vst v63  }
0x1bb: {  	_ = 	snop  }
0x1bc: {  	[spmem:s6] =	stream.indirect.scatter.add.f32 [tilespmem:s8], [sflag:$0x1], $0x80, s19, s9, $0xb8;
	[tilespmem:$0x11000] =	vst v63  }
0x1bd: {  	_ = 	snop  }
0x1be: {  	[spmem:s6] =	stream.indirect.scatter.add.f32 [tilespmem:s8], [sflag:$0x1], $0x80, s20, s9, $0xb8;
	[tilespmem:$0x11000] =	vst v63  }
0x1bf: {  	_ = 	snop  }
0x1c0: {  	[spmem:s6] =	stream.indirect.scatter.add.f32 [tilespmem:s8], [sflag:$0x1], $0x80, s21, s9, $0xb8;
	[tilespmem:$0x11000] =	vst v63  }
0x1c1: {  	_ = 	snop  }
0x1c2: {  	[spmem:s6] =	stream.indirect.scatter.add.f32 [tilespmem:s8], [sflag:$0x1], $0x80, s22, s9, $0xb8;
	[tilespmem:$0x11000] =	vst v63  }
0x1c3: {  	_ = 	snop  }
0x1c4: {  	[spmem:s6] =	stream.indirect.scatter.add.f32 [tilespmem:s8], [sflag:$0x1], $0x80, s23, s9, $0xb8;
	[tilespmem:$0x11000] =	vst v63  }
0x1c5: {  	_ = 	snop  }
0x1c6: {  	[spmem:s6] =	stream.indirect.scatter.add.f32 [tilespmem:s8], [sflag:$0x1], $0x80, s24, s9, $0xb8;
	[tilespmem:$0x11000] =	vst v63  }
0x1c7: {  	_ = 	snop  }
0x1c8: {  	[spmem:s6] =	stream.indirect.scatter.add.f32 [tilespmem:s8], [sflag:$0x1], $0x80, s25, s9, $0xb8;
	[tilespmem:$0x11000] =	vst v63  }
0x1c9: {  	_ = 	snop  }
0x1ca: {  	[spmem:s6] =	stream.indirect.scatter.add.f32 [tilespmem:s8], [sflag:$0x1], $0x80, s26, s9, $0xb8;
	[tilespmem:$0x11000] =	vst v63  }
0x1cb: {  	_ = 	snop  }
0x1cc: {  	[spmem:s6] =	stream.indirect.scatter.add.f32 [tilespmem:s8], [sflag:$0x1], $0x80, s28, s9, $0xb8;
	[tilespmem:$0x11000] =	vst v63  }
0x1cd: {  	_ = 	snop  }
0x1ce: {  	[spmem:s6] =	stream.indirect.scatter.add.f32 [tilespmem:s8], [sflag:$0x1], $0x80, s29, s9, $0xb8;
	[tilespmem:$0x11000] =	vst v63  }
0x1cf: {  	_ = 	snop  }
0x1d0: {  	[spmem:s6] =	stream.indirect.scatter.add.f32 [tilespmem:s8], [sflag:$0x1], $0x80, s30, s9, $0xb8;
	[tilespmem:$0x11000] =	vst v63  }
0x1d1: {  	_ = 	snop  }
0x1d2: {  	[spmem:s6] =	stream.indirect.scatter.add.f32 [tilespmem:s8], [sflag:$0x1], $0x80, s31, s9, $0xb8;
	[tilespmem:$0x11000] =	vst v63  }
0x1d3: {  	s29 =	simm.s32 $0xF80  }
0x1d4: {  	[spmem:s6] =	stream.indirect.scatter.add.f32 [tilespmem:s8], [sflag:$0x1], $0x80, s29, s9, $0xb8;
	[tilespmem:$0x11000] =	vst v63  }
0x1d5: {  	_ =	swait.ge [sflag:s5], $0x4000  }
0x1d6: {  	[sflag:s5] =	ssyncset.done $0x0  }
0x1d7: {  	[sflag:s5] =	ssyncadd.s32 $0xFFFFC000  }
0x1d8: {  	_ =	swait.ge [sflag:s5], $0x4000  }
0x1d9: {  	[sflag:s5] =	ssyncset.done $0x0  }
0x1da: {  	[sflag:s5] =	ssyncadd.s32 $0xFFFFC000  }
0x1db: {  	_ =	swait.ge [sflag:s5], $0x4000  }
0x1dc: {  	[sflag:s5] =	ssyncset.done $0x0  }
0x1dd: {  	[sflag:s5] =	ssyncadd.s32 $0xFFFFC000  }
0x1de: {  	_ =	swait.ge [sflag:s5], $0x4000  }
0x1df: {  	[sflag:s5] =	ssyncset.done $0x0  }
0x1e0: {  	[sflag:s5] =	ssyncadd.s32 $0xFFFFC000  }
0x1e1: {  	_ =	swait.ge [sflag:s5], $0x4000  }
0x1e2: {  	[sflag:s5] =	ssyncset.done $0x0  }
0x1e3: {  	[sflag:s5] =	ssyncadd.s32 $0xFFFFC000  }
0x1e4: {  	_ =	swait.ge [sflag:s5], $0x4000  }
0x1e5: {  	[sflag:s5] =	ssyncset.done $0x0  }
0x1e6: {  	[sflag:s5] =	ssyncadd.s32 $0xFFFFC000  }
0x1e7: {  	_ =	swait.ge [sflag:s5], $0x4000  }
0x1e8: {  	[sflag:s5] =	ssyncset.done $0x0  }
0x1e9: {  	[sflag:s5] =	ssyncadd.s32 $0xFFFFC000  }
0x1ea: {  	_ =	swait.ge [sflag:s5], $0x4000  }
0x1eb: {  	[sflag:s5] =	ssyncset.done $0x0  }
0x1ec: {  	[sflag:s5] =	ssyncadd.s32 $0xFFFFC000  }
0x1ed: {  	_ =	swait.ge [sflag:s5], $0x4000  }
0x1ee: {  	[sflag:s5] =	ssyncset.done $0x0  }
0x1ef: {  	[sflag:s5] =	ssyncadd.s32 $0xFFFFC000  }
0x1f0: {  	_ =	swait.ge [sflag:s5], $0x4000  }
0x1f1: {  	[sflag:s5] =	ssyncset.done $0x0  }
0x1f2: {  	[sflag:s5] =	ssyncadd.s32 $0xFFFFC000  }
0x1f3: {  	_ =	swait.ge [sflag:s5], $0x4000  }
0x1f4: {  	[sflag:s5] =	ssyncset.done $0x0  }
0x1f5: {  	[sflag:s5] =	ssyncadd.s32 $0xFFFFC000  }
0x1f6: {  	_ =	swait.ge [sflag:s5], $0x4000  }
0x1f7: {  	[sflag:s5] =	ssyncset.done $0x0  }
0x1f8: {  	[sflag:s5] =	ssyncadd.s32 $0xFFFFC000  }
0x1f9: {  	_ =	swait.ge [sflag:s5], $0x4000  }
0x1fa: {  	[sflag:s5] =	ssyncset.done $0x0  }
0x1fb: {  	[sflag:s5] =	ssyncadd.s32 $0xFFFFC000  }
0x1fc: {  	_ =	swait.ge [sflag:s5], $0x4000  }
0x1fd: {  	[sflag:s5] =	ssyncset.done $0x0  }
0x1fe: {  	[sflag:s5] =	ssyncadd.s32 $0xFFFFC000  }
0x1ff: {  	_ =	swait.ge [sflag:s5], $0x4000  }
0x200: {  	[sflag:s5] =	ssyncset.done $0x0  }
0x201: {  	[sflag:s5] =	ssyncadd.s32 $0xFFFFC000  }
0x202: {  	_ =	swait.ge [sflag:s5], $0x4000  }
0x203: {  	[sflag:s5] =	ssyncset.done $0x0  }
0x204: {  	[sflag:s5] =	ssyncadd.s32 $0xFFFFC000  }
0x205: {  	_ =	swait.ge [sflag:s5], $0x4000  }
0x206: {  	[sflag:s5] =	ssyncset.done $0x0  }
0x207: {  	[sflag:s5] =	ssyncadd.s32 $0xFFFFC000  }
0x208: {  	_ =	swait.ge [sflag:s5], $0x4000  }
0x209: {  	[sflag:s5] =	ssyncset.done $0x0  }
0x20a: {  	[sflag:s5] =	ssyncadd.s32 $0xFFFFC000  }
0x20b: {  	_ =	swait.ge [sflag:s5], $0x4000  }
0x20c: {  	[sflag:s5] =	ssyncset.done $0x0  }
0x20d: {  	[sflag:s5] =	ssyncadd.s32 $0xFFFFC000  }
0x20e: {  	_ =	swait.ge [sflag:s5], $0x4000  }
0x20f: {  	[sflag:s5] =	ssyncset.done $0x0  }
0x210: {  	[sflag:s5] =	ssyncadd.s32 $0xFFFFC000  }
0x211: {  	_ =	swait.ge [sflag:s5], $0x4000  }
0x212: {  	[sflag:s5] =	ssyncset.done $0x0  }
0x213: {  	[sflag:s5] =	ssyncadd.s32 $0xFFFFC000  }
0x214: {  	_ =	swait.ge [sflag:s5], $0x4000  }
0x215: {  	[sflag:s5] =	ssyncset.done $0x0  }
0x216: {  	[sflag:s5] =	ssyncadd.s32 $0xFFFFC000  }
0x217: {  	_ =	swait.ge [sflag:s5], $0x4000  }
0x218: {  	[sflag:s5] =	ssyncset.done $0x0  }
0x219: {  	[sflag:s5] =	ssyncadd.s32 $0xFFFFC000  }
0x21a: {  	_ =	swait.ge [sflag:s5], $0x4000  }
0x21b: {  	[sflag:s5] =	ssyncset.done $0x0  }
0x21c: {  	[sflag:s5] =	ssyncadd.s32 $0xFFFFC000  }
0x21d: {  	_ =	swait.ge [sflag:s5], $0x4000  }
0x21e: {  	[sflag:s5] =	ssyncset.done $0x0  }
0x21f: {  	[sflag:s5] =	ssyncadd.s32 $0xFFFFC000  }
0x220: {  	_ =	swait.ge [sflag:s5], $0x4000  }
0x221: {  	[sflag:s5] =	ssyncset.done $0x0  }
0x222: {  	[sflag:s5] =	ssyncadd.s32 $0xFFFFC000  }
0x223: {  	_ =	swait.ge [sflag:s5], $0x4000  }
0x224: {  	[sflag:s5] =	ssyncset.done $0x0  }
0x225: {  	[sflag:s5] =	ssyncadd.s32 $0xFFFFC000  }
0x226: {  	_ =	swait.ge [sflag:s5], $0x4000  }
0x227: {  	[sflag:s5] =	ssyncset.done $0x0  }
0x228: {  	[sflag:s5] =	ssyncadd.s32 $0xFFFFC000  }
0x229: {  	_ =	swait.ge [sflag:s5], $0x4000  }
0x22a: {  	[sflag:s5] =	ssyncset.done $0x0  }
0x22b: {  	[sflag:s5] =	ssyncadd.s32 $0xFFFFC000  }
0x22c: {  	_ =	swait.ge [sflag:s5], $0x4000  }
0x22d: {  	[sflag:s5] =	ssyncset.done $0x0  }
0x22e: {  	[sflag:s5] =	ssyncadd.s32 $0xFFFFC000  }
0x22f: {  	_ =	swait.ge [sflag:s5], $0x4000  }
0x230: {  	[sflag:s5] =	ssyncset.done $0x0  }
0x231: {  	[sflag:s5] =	ssyncadd.s32 $0xFFFFC000  }
0x232: {  	_ =	swait.ge [sflag:s5], $0x4000  }
0x233: {  	[sflag:s5] =	ssyncset.done $0x0  }
0x234: {  	[sflag:s5] =	ssyncadd.s32 $0xFFFFC000  }
0x235: {  	[bflag:$0x0] =	sbarrier.arrive $0xFFFF  }
0x236: {  	s30 =	rddreg [dreg:$0x7]  }
0x237: {  	[hbm:s30], [sflag:s2] =	dma.local [spmem:s3], $0x1000  }
0x238: {  	_ =	swait.ge [sflag:s4], $0x1000  }
0x239: {  	[sflag:s4] =	ssyncset.done $0x0  }
0x23a: {  	[sflag:s4] =	ssyncadd.s32 $0xFFFFF000  }
0x23b: {  	_ =	sfence.sel $0x180000  }
0x23c: {  	s31 =	stileid.u32;
	[bflag:$0x0] =	sbarrier.arrive $0xFFFF  }
0x23d: {  	p0 =	sne.s32 s31, $0x0;
	_ =	strace $0x90000047  }
0x23e: {  	s0 =	sadd.s32 @!p0 $0x100000, s10;
	[bflag:$0x2] =	sbarrier.arrive $0xFFFF  }
0x23f: {  	[sflag:s0] =	ssyncadd.tile.s32 @!p0 $0x1;
	_ =	shalt  }
.LBB2_1:
0x240: {  	s31 =	simm.s32 $0xF00;
	s30 =	simm.s32 $0xE80;
	s29 =	simm.s32 $0xE00  }
0x241: {  	s28 =	simm.s32 $0xD80;
	s26 =	simm.s32 $0xD00;
	s25 =	simm.s32 $0xC80  }
.Ltmp3:
0x242: {  	s24 =	simm.s32 $0xC00;
	s23 =	simm.s32 $0xB80;
	(pc) =	sbr.rel .LBB2_6-.Ltmp3, $4  }
0x243: {  	s22 =	simm.s32 $0xB00;
	s21 =	simm.s32 $0xA80;
	s20 =	simm.s32 $0xA00  }
0x244: {  	s19 =	simm.s32 $0x980;
	s18 =	simm.s32 $0x900;
	s17 =	simm.s32 $0x880  }
0x245: {  	s16 =	simm.s32 $0x800;
	s15 =	simm.s32 $0x780;
	s14 =	simm.s32 $0x700  }
0x246: {  	s13 =	simm.s32 $0x680;
	s12 =	simm.s32 $0x600;
	s11 =	simm.s32 $0x580  }
.LBB2_3:
0x247: {  	s31 =	simm.s32 $0xF00  }
0x248: {  	s30 =	simm.s32 $0xE80;
	s29 =	simm.s32 $0xE00;
	s28 =	simm.s32 $0xD80  }
0x249: {  	s26 =	simm.s32 $0xD00;
	s25 =	simm.s32 $0xC80;
	s24 =	simm.s32 $0xC00  }
.Ltmp4:
0x24a: {  	s23 =	simm.s32 $0xB80;
	s22 =	simm.s32 $0xB00;
	(pc) =	sbr.rel .LBB2_6-.Ltmp4, $4  }
0x24b: {  	s21 =	simm.s32 $0xA80;
	s20 =	simm.s32 $0xA00;
	s19 =	simm.s32 $0x980  }
0x24c: {  	s18 =	simm.s32 $0x900;
	s17 =	simm.s32 $0x880;
	s16 =	simm.s32 $0x800  }
0x24d: {  	s15 =	simm.s32 $0x780;
	s14 =	simm.s32 $0x700;
	s13 =	simm.s32 $0x680  }
0x24e: {  	s12 =	simm.s32 $0x600;
	s11 =	simm.s32 $0x580;
	s10 =	rddreg [dreg:$0x3]  }
.Lfunc_end2:
_tile_overlayer_lowered:
.L_overlay_start_2:
0x24f: {  	(tag) =	ssettag $0x2  }
0x250: {  	s0 =	rddreg [dreg:$0x0];
	s2 =	stileid.u32  }
0x251: {  	s1 =	rddreg [dreg:$0x1];
	p0 =	sne.s32 s2, $0x0  }
0x252: {  	s3 =	rddreg [dreg:$0x2];
	[bflag:$0x3] =	sbarrier.arrive $0xFFFF;
	s2 =	simm.s32 @!p0 $0x1C02  }
0x253: {  	[timem:s3], [sflag:s2] =	dma.local @!p0 [hbm:s0], s1  }
0x254: {  	s0 =	simm.s32 @!p0 $0x2  }
0x255: {  	_ =	swait.ge @!p0 [sflag:s0], s1  }
0x256: {  	s1 =	ssub.s32 @!p0 $0x0, s1;
	[sflag:s0] =	ssyncset.done @!p0 $0x0  }
0x257: {  	[sflag:s0] =	ssyncadd.s32 @!p0 s1  }
0x258: {  	[bflag:$0x3] =	sbarrier.arrive $0xFFFF  }
0x259: {  	_ =	shalt  }

// kernel: kernel.16.cloned.1.call-start
scs
__scs_entry_jumppad:
0x0: {  	(pc) =	sbr.rel $0x88, $3  }
0x1: {  	(tag) =	ssettag $0x0;
	lr =	simm.s32 $0x1  }
0x2: {  	[smem:$0x3F9A] =	sst lr;
	_ =	strace $0xD0000000  }
0x3: {  	_ = 	snop  }
0x4: {  	_ = 	snop  }
0x5: {  	_ = 	snop  }
0x6: {  	_ = 	snop  }
0x7: {  	_ = 	snop  }
__scs_overlays_trampoline_lowered:
0x8: {  	[smem:$0x3FA9] =	sst s0  }
0x9: {  	[smem:$0x3FAA] =	sst s1  }
0xa: {  	[smem:$0x3FAB] =	sst s2  }
0xb: {  	[smem:$0x3FAC] =	sst s3  }
0xc: {  	[smem:$0x3FAD] =	sst s4  }
0xd: {  	[smem:$0x3FAE] =	sst s5  }
0xe: {  	[smem:$0x3FAF] =	sst s6  }
0xf: {  	[smem:$0x3FB0] =	sst s7  }
0x10: {  	[smem:$0x3FB1] =	sst s8  }
0x11: {  	[smem:$0x3FB2] =	sst s9;
	s0 =	simm.s32 @!p0 $0x0  }
0x12: {  	s1 =	sld [smem:$0x3F98];
	s0 =	simm.s32 @p0 $0x1  }
0x13: {  	[smem:$0x3FB3] =	sst s0;
	s0 =	simm.s32 @!p1 $0x0  }
0x14: {  	s2 =	sld [smem:$0x3F97];
	s0 =	simm.s32 @p1 $0x1  }
0x15: {  	[smem:$0x3FB4] =	sst s0;
	s0 =	simm.s32 @!p2 $0x0  }
0x16: {  	s3 =	sld [smem:$0x3FDB];
	s0 =	simm.s32 @p2 $0x1  }
0x17: {  	s4 =	simm.s32 $0x1BF5;
	[smem:$0x3FB6] =	sst s0  }
0x18: {  	s0 =	sld [smem:$0x3F99];
	_ =	swait.ge [sflag:s4], $0x0  }
0x19: {  	s7 =	sld [smem:$0x3F9A]  }
0x1a: {  	s8 =	sadd.s32 $0xFFFFE003, lr  }
0x1b: {  	s9 =	sadd.s32 $0xFFFFFEF7, lr;
	s5 =	simm.s32 $0xFFFFFFFF;
	p2 =	slt.u32 s8, $0xFFFFF086  }
0x1c: {  	p1 =	slt.u32 s9, $0xF7A;
	s5 =	simm.s32 @!p2 $0x0  }
0x1d: {  	s5 =	simm.s32 @p1 $0x1;
	p0 =	seq.s32 s7, s2  }
0x1e: {  	s7 =	smul.u32 @!p0 $0xF7A, s2;
	p2 =	seq.s32 @!p0 s5, $0x0  }
0x1f: {  	s9 =	smul.u32 $0xF7A, s1;
	s8 =	simm.s32 @!p0 $0x1BF5;
	p2 =	por !p2, p0  }
0x20: {  	[sflag:s8] =	ssyncset.s32 @!p0 $0xFFFFF086;
	s6 =	sadd.s32 @!p0 s3, s7;
	s7 =	simm.s32 @!p0 $0x108  }
0x21: {  	s3 =	sadd.s32 s3, s9;
	s6 =	sadd.s32 @!p0 $0x88, s6;
	s7 =	simm.s32 @p2 $0x1082  }
0x22: {  	[simem:s7], [sflag:s8] =	dma.local @!p0 [hbm:s6], $0xF7A  }
0x23: {  	s9 =	sor.u32 $0xD0000000, s2;
	s6 =	simm.s32 $0x108;
	_ =	swait.ge @!p0 [sflag:s8], $0x0  }
0x24: {  	s3 =	sadd.s32 $0x88, s3;
	s6 =	simm.s32 @!p1 $0x1082;
	[sflag:s4] =	ssyncset.s32 $0xFFFFF086  }
0x25: {  	[simem:s6], [sflag:s4] =	dma.local [hbm:s3], $0xF7A  }
0x26: {  	[smem:$0x3F9A] =	sst s1;
	(tag) =	ssettag s2;
	_ =	strace s9  }
0x27: {  	s1 =	sld [smem:$0x3FAA]  }
0x28: {  	s2 =	sld [smem:$0x3FAB]  }
0x29: {  	s4 =	sld [smem:$0x3FAD]  }
0x2a: {  	p0 =	seq.s32 s5, $0x0;
	s5 =	sld [smem:$0x3FAE]  }
0x2b: {  	s6 =	sld [smem:$0x3FAF]  }
0x2c: {  	s7 =	sld [smem:$0x3FB0]  }
0x2d: {  	s3 =	simm.s32 $0x108;
	s8 =	sld [smem:$0x3FB1]  }
0x2e: {  	s3 =	simm.s32 @!p0 $0x1082;
	s9 =	sld [smem:$0x3FB2]  }
0x2f: {  	lr =	sadd.s32 s0, s3;
	s0 =	sld [smem:$0x3FA9]  }
0x30: {  	s3 =	sld [smem:$0x3FAC]  }
0x31: {  	[smem:$0x3FB5] =	sst s10  }
0x32: {  	s10 =	sld [smem:$0x3FB3];
	_ =	sdelay $0x3  }
0x33: {  	p0 =	seq.s32 s10, $0x1;
	s10 =	sld [smem:$0x3FB5];
	_ =	sdelay $0x3  }
0x34: {  	[smem:$0x3FB5] =	sst s10  }
0x35: {  	s10 =	sld [smem:$0x3FB4];
	_ =	sdelay $0x3  }
0x36: {  	p1 =	seq.s32 s10, $0x1;
	s10 =	sld [smem:$0x3FB5];
	_ =	sdelay $0x3  }
0x37: {  	[smem:$0x3FB5] =	sst s10  }
0x38: {  	s10 =	sld [smem:$0x3FB6]  }
0x39: {  	_ = 	snop;
	(pc) =	sbr.ind lr, $3  }
0x3a: {  	_ = 	snop  }
0x3b: {  	_ = 	snop  }
0x3c: {  	p2 =	seq.s32 s10, $0x1;
	s10 =	sld [smem:$0x3FB5]  }
0x3d: {  	_ =	shalt  }
0x3e: {  	_ =	shalt  }
0x3f: {  	_ =	shalt  }
0x40: {  	_ =	shalt  }
0x41: {  	_ =	shalt  }
0x42: {  	_ =	shalt  }
0x43: {  	_ =	shalt  }
0x44: {  	_ =	shalt  }
0x45: {  	_ =	shalt  }
0x46: {  	_ =	shalt  }
0x47: {  	_ =	shalt  }
0x48: {  	_ =	shalt  }
0x49: {  	_ =	shalt  }
0x4a: {  	_ =	shalt  }
0x4b: {  	_ =	shalt  }
0x4c: {  	_ =	shalt  }
0x4d: {  	_ =	shalt  }
0x4e: {  	_ =	shalt  }
0x4f: {  	_ =	shalt  }
0x50: {  	_ =	shalt  }
0x51: {  	_ =	shalt  }
0x52: {  	_ =	shalt  }
0x53: {  	_ =	shalt  }
0x54: {  	_ =	shalt  }
0x55: {  	_ =	shalt  }
0x56: {  	_ =	shalt  }
0x57: {  	_ =	shalt  }
0x58: {  	_ =	shalt  }
0x59: {  	_ =	shalt  }
0x5a: {  	_ =	shalt  }
0x5b: {  	_ =	shalt  }
0x5c: {  	_ =	shalt  }
0x5d: {  	_ =	shalt  }
0x5e: {  	_ =	shalt  }
0x5f: {  	_ =	shalt  }
0x60: {  	_ =	shalt  }
0x61: {  	_ =	shalt  }
0x62: {  	_ =	shalt  }
0x63: {  	_ =	shalt  }
0x64: {  	_ =	shalt  }
0x65: {  	_ =	shalt  }
0x66: {  	_ =	shalt  }
0x67: {  	_ =	shalt  }
0x68: {  	_ =	shalt  }
0x69: {  	_ =	shalt  }
0x6a: {  	_ =	shalt  }
0x6b: {  	_ =	shalt  }
0x6c: {  	_ =	shalt  }
0x6d: {  	_ =	shalt  }
0x6e: {  	_ =	shalt  }
0x6f: {  	_ =	shalt  }
0x70: {  	_ =	shalt  }
0x71: {  	_ =	shalt  }
0x72: {  	_ =	shalt  }
0x73: {  	_ =	shalt  }
0x74: {  	_ =	shalt  }
0x75: {  	_ =	shalt  }
0x76: {  	_ =	shalt  }
0x77: {  	_ =	shalt  }
0x78: {  	_ =	shalt  }
0x79: {  	_ =	shalt  }
0x7a: {  	_ =	shalt  }
0x7b: {  	_ =	shalt  }
0x7c: {  	_ =	shalt  }
0x7d: {  	_ =	shalt  }
0x7e: {  	_ =	shalt  }
0x7f: {  	_ =	shalt  }
0x80: {  	_ =	shalt  }
0x81: {  	_ =	shalt  }
0x82: {  	_ =	shalt  }
0x83: {  	_ =	shalt  }
0x84: {  	_ =	shalt  }
0x85: {  	_ =	shalt  }
0x86: {  	_ =	shalt  }
0x87: {  	_ =	shalt  }
.Lfunc_end0:
.L_simem_size_0:
called_computation.1_lowered:
.L_overlay_start_0:
0x88: {  	s2 =	sld [smem:$0x3FD9]  }
0x89: {  	s3 =	sld [smem:$0x3FFE];
	_ =	sdelay $0x1  }
0x8a: {  	s1 =	srdreg.scid  }
0x8b: {  	s0 =	sand.u32 $0x1, s1  }
0x8c: {  	s17 =	sshll.u32 s0, $0xA;
	s2 =	sadd.s32 s3, s2  }
0x8d: {  	s2 =	sadd.s32 s2, s17  }
0x8e: {  	[smem:$0x3FC1] =	sst s2  }
0x8f: {  	_ = 	snop  }
0x90: {  	s2 =	sld [smem:$0x3FD0];
	(tm) =	ssettm $0x1  }
0x91: {  	s18 =	sld [smem:$0x3FFB];
	_ =	sdelay $0x3  }
0x92: {  	_ =	strace s18  }
0x93: {  	s3 =	sld [smem:$0x3FFC];
	_ =	sdelay $0x3  }
0x94: {  	_ =	strace s3  }
0x95: {  	s3 =	sld [smem:$0x3FFD];
	_ =	sdelay $0x3  }
0x96: {  	_ =	strace s3  }
0x97: {  	_ =	strace $0x8FFFFFFF  }
0x98: {  	s19 =	sld [smem:$0x3FDB];
	_ =	sdelay $0x1  }
0x99: {  	s4 =	simm.s32 $_scs_section_size  }
0x9a: {  	s5 =	simm.s32 $_size__tile_overlayer_lowered;
	s6 =	simm.s32 $_tile_overlayer_lowered  }
0x9b: {  	s22 =	simm.s32 $0x1BFF;
	s21 =	sshll.u32 s6, $0x1;
	s3 =	sadd.s32 s4, s19  }
0x9c: {  	s7 =	simm.s32 $0x0;
	s20 =	sshll.u32 s5, $0x1;
	s5 =	sadd.s32 s21, s3  }
0x9d: {  	[timem:s7], [sflag:s22] =	dma.local [hbm:s5], s20  }
0x9e: {  	_ =	swait.ge [sflag:s22], s20  }
0x9f: {  	s4 =	ssub.s32 $0x0, s20;
	[sflag:s22] =	ssyncset.done $0x0  }
0xa0: {  	[sflag:s22] =	ssyncadd.s32 s4;
	_ =	sdelay $0x1  }
0xa1: {  	s23 =	simm.s32 $0x1B8B  }
0xa2: {  	_ =	swait.ge [sflag:s23], $0x1  }
0xa3: {  	[sflag:s23] =	ssyncset.done $0x0  }
0xa4: {  	s25 =	simm.s32 $0x1B8E;
	s24 =	sld [smem:$0x3FFE];
	[sflag:s23] =	ssyncadd.s32 $0xFFFFFFFF  }
0xa5: {  	s26 =	simm.s32 $execute0_lowered;
	[smem:$0x3FD2] =	sst s25  }
0xa6: {  	s5 =	sshll.u32 s26, $0x1;
	_ =	strace $0x80000049;
	[dreg:$0x1] =	wrdreg $0xFFFFFFFF  }
0xa7: {  	s28 =	simm.s32 $_size_execute0_lowered;
	s3 =	sadd.s32 s3, s5;
	[dreg:$0x0] =	wrdreg $0x0  }
0xa8: {  	s5 =	sshll.u32 s28, $0x1;
	[dreg:$0x2] =	wrdreg s3  }
0xa9: {  	[dreg:$0x3] =	wrdreg s5  }
0xaa: {  	[dreg:$0x4] =	wrdreg $0xC0  }
0xab: {  	_ =	task [dreg:s7], $0x5FFFF  }
0xac: {  	[dreg:$0x1] =	wrdreg $0xFFFFFFFF  }
0xad: {  	[dreg:$0x0] =	wrdreg $0x60  }
0xae: {  	[dreg:$0x2] =	wrdreg s24  }
0xaf: {  	[dreg:$0x3] =	wrdreg s2  }
0xb0: {  	[dreg:$0x4] =	wrdreg $0xC0000  }
0xb1: {  	[dreg:$0x5] =	wrdreg $0x9  }
0xb2: {  	_ =	task.clear_ibuf [dreg:s7], $0x6FFFF;
	_ =	strace $0x90000049  }
0xb3: {  	s29 =	simm.s32 $0x9;
	_ =	strace $0x8000004B  }
0xb4: {  	_ =	swait.ge [sflag:s29], $0x1  }
0xb5: {  	[sflag:s29] =	ssyncadd.s32 $0xFFFFFFFF  }
0xb6: {  	_ =	strace $0x9000004B  }
0xb7: {  	_ =	sfence  }
0xb8: {  	s30 =	sld [smem:$0x0];
	_ =	sdelay $0x2  }
0xb9: {  	s31 =	sshll.u32 s1, $0xD;
	s1 =	sshrl.u32 s1, $0x2  }
0xba: {  	s3 =	sand.u32 $0x4000, s31;
	s1 =	sadd.s32 s1, s30  }
0xbb: {  	s0 =	sor.u32 s3, s0;
	s1 =	sshll.u32 s1, $0x11  }
0xbc: {  	s0 =	sor.u32 s1, s0  }
0xbd: {  	s0 =	sadd.s32 $0x8F2B, s0  }
0xbe: {  	[sflag:s0] =	ssyncadd.remote.s32 $0x1  }
0xbf: {  	_ =	sfence.sel $0xFFFF  }
0xc0: {  	[dreg:$0x0] =	wrdreg $0xFFFFFFFF;
	(pc) =	sbr.abs _section_cstart, $3  }
0xc1: {  	[dreg:$0x1] =	wrdreg $0xFFFFFFFF  }
0xc2: {  	_ =	task.clear_ibuf [dreg:s7], $0x2FFFF;
	_ =	strace $0x9FFFFFFF  }
0xc3: {  	(tm) =	ssettm $0x7FFFFFFF  }
tec
execute0_lowered:
.L_overlay_start_1:
0x0: {  	(tag) =	ssettag $0x1  }
0x1: {  	s5 =	rddreg [dreg:$0x0]  }
0x2: {  	s7 =	rddreg [dreg:$0x1]  }
0x3: {  	s2 =	rddreg [dreg:$0x2]  }
0x4: {  	s0 =	rddreg [dreg:$0x3];
	s4 =	srdreg.scid  }
0x5: {  	s3 =	simm.s32 $0x0;
	s1 =	stileid.u32;
	s14 =	simm.s32 $0x80  }
0x6: {  	s15 =	simm.s32 $0x4000;
	s16 =	simm.s32 $0x8000;
	s17 =	simm.s32 $0x1  }
0x7: {  	s18 =	simm.s32 $0x2;
	s19 =	simm.s32 $0x3F00;
	s20 =	simm.s32 $0x3F80  }
0x8: {  	s21 =	simm.s32 $0x0;
	s8 =	sand.u32 $0x1, s4;
	[smem:$0x7FF] =	sst s3  }
0x9: {  	s26 =	sshll.u32 s1, $0xB;
	s4 =	sadd.s32 $0x1D400, s5;
	s29 =	sshll.u32 s1, $0x10  }
0xa: {  	s30 =	sshll.u32 s1, $0x6;
	s31 =	sshll.u32 s1, $0xD;
	s6 =	sshll.u32 s8, $0xA  }
0xb: {  	_ =	strace $0x8000004A;
	s9 =	ssub.s32 $0x2, s8;
	s12 =	sadd.s32 s29, s2  }
0xc: {  	s13 =	sshll.u32 s8, $0x11;
	s6 =	sor.u32 s6, s26;
	s28 =	sshrl.u32 s9, $0x1  }
0xd: {  	s10 =	sadd.s32 s6, s5;
	s5 =	sadd.s32 $0x3D400, s5;
	s11 =	ssub.s32 s9, s28  }
0xe: {  	s6 =	sor.u32 $0x1C03, s30;
	s9 =	sadd.s32 s7, s31;
	s7 =	sadd.s32 $0x15400, s10  }
0xf: {  	s8 =	sadd.s32 $0xD400, s10;
	s9 =	sadd.s32 s13, s9;
	s10 =	smax.u32 s11, $0x1  }
0x10: {  	s11 =	sshrl.u32 s12, $0x3;
	s12 =	simm.s32 $0x3;
	s13 =	simm.s32 $0x2000  }
.LBB2_1:
0x11: {  	[spmem:s11], [sflag:s6] =	dma.local [hbm:s5], $0x2000  }
0x12: {  	_ =	swait.ge [sflag:s12], $0x2000  }
0x13: {  	[sflag:s12] =	ssyncset.done $0x0  }
0x14: {  	[sflag:s12] =	ssyncadd.s32 $0xFFFFE000  }
0x15: {  	[tilespmem:s13], [sflag:$0x3] =	stream.linear.gather [hbm4b:s7+s3], $0x2000, $0x38;
	[tilespmem:$0x1C000] =	vst v63  }
0x16: {  	_ =	swait.ge [sflag:s12], $0x2000  }
0x17: {  	[sflag:s12] =	ssyncset.done $0x0  }
0x18: {  	[sflag:s12] =	ssyncadd.s32 $0xFFFFE000  }
0x19: {  	[tilespmem:s3], [sflag:$0x3] =	stream.linear.gather [hbm4b:s8+s3], $0x2000, $0x38;
	[tilespmem:$0x1C000] =	vst v63  }
0x1a: {  	_ =	swait.ge [sflag:s12], $0x2000  }
0x1b: {  	[sflag:s12] =	ssyncset.done $0x0  }
0x1c: {  	[sflag:s12] =	ssyncadd.s32 $0xFFFFE000  }
0x1d: {  	[bflag:$0x0] =	sbarrier.arrive $0xFFFF  }
0x1e: {  	[tilespmem:s15], [sflag:$0x1] =	stream.indirect.gather [hbm4b:s4+s14], $0x80, s3, s14, $0xb8;
	[tilespmem:$0x1C000] =	vst v63  }
0x1f: {  	_ = 	snop  }
0x20: {  	[tilespmem:s16], [sflag:$0x2] =	stream.indirect.gather [hbm4b:s4+s14], $0x80, s14, s14, $0xb8;
	[tilespmem:$0x1C000] =	vst v63  }
0x21: {  	_ =	swait.ge [sflag:s17], $0x4000  }
0x22: {  	[sflag:s17] =	ssyncset.done $0x0  }
0x23: {  	s22 =	simm.s32 $0x2000;
	[sflag:s17] =	ssyncadd.s32 $0xFFFFC000  }
0x24: {  	[spmem:s2] =	stream.indirect.scatter.add.f32 [tilespmem:s15], [sflag:$0x3], $0x80, s22, s14, $0xb8;
	[tilespmem:$0x1C000] =	vst v63  }
0x25: {  	_ =	swait.ge [sflag:s12], $0x4000  }
0x26: {  	[sflag:s12] =	ssyncset.done $0x0  }
0x27: {  	s30 =	simm.s32 $0x100;
	[sflag:s12] =	ssyncadd.s32 $0xFFFFC000  }
0x28: {  	[tilespmem:s15], [sflag:$0x1] =	stream.indirect.gather [hbm4b:s4+s14], $0x80, s30, s14, $0xb8;
	[tilespmem:$0x1C000] =	vst v63  }
0x29: {  	_ =	swait.ge [sflag:s18], $0x4000  }
0x2a: {  	[sflag:s18] =	ssyncset.done $0x0  }
0x2b: {  	s31 =	simm.s32 $0x2080;
	[sflag:s18] =	ssyncadd.s32 $0xFFFFC000  }
0x2c: {  	[spmem:s2] =	stream.indirect.scatter.add.f32 [tilespmem:s16], [sflag:$0x3], $0x80, s31, s14, $0xb8;
	[tilespmem:$0x1C000] =	vst v63  }
0x2d: {  	_ =	swait.ge [sflag:s12], $0x4000  }
0x2e: {  	[sflag:s12] =	ssyncset.done $0x0  }
0x2f: {  	s23 =	simm.s32 $0x180;
	s22 =	simm.s32 $0x400;
	[sflag:s12] =	ssyncadd.s32 $0xFFFFC000  }
.LBB2_2:
0x30: {  	[tilespmem:s16], [sflag:$0x2] =	stream.indirect.gather [hbm4b:s4+s14], $0x80, s23, s14, $0xb8;
	[tilespmem:$0x1C000] =	vst v63  }
0x31: {  	s23 =	smov.u32 s22  }
0x32: {  	p0 =	sne.s32 s22, $0x7800;
	s22 =	sadd.s32 $0x400, s22;
	_ =	swait.ge [sflag:s17], $0x4000  }
0x33: {  	s23 =	sshra.s32 s23, $0x2;
	[sflag:s17] =	ssyncset.done $0x0  }
0x34: {  	s24 =	sadd.s32 $0x2000, s23;
	[sflag:s17] =	ssyncadd.s32 $0xFFFFC000  }
0x35: {  	[spmem:s2] =	stream.indirect.scatter.add.f32 [tilespmem:s15], [sflag:$0x3], $0x80, s24, s14, $0xb8;
	[tilespmem:$0x1C000] =	vst v63  }
0x36: {  	_ =	swait.ge [sflag:s12], $0x4000  }
0x37: {  	[sflag:s12] =	ssyncset.done $0x0  }
0x38: {  	s24 =	sadd.s32 $0x100, s23;
	[sflag:s12] =	ssyncadd.s32 $0xFFFFC000  }
0x39: {  	[tilespmem:s15], [sflag:$0x1] =	stream.indirect.gather [hbm4b:s4+s14], $0x80, s24, s14, $0xb8;
	[tilespmem:$0x1C000] =	vst v63  }
0x3a: {  	_ =	swait.ge [sflag:s18], $0x4000  }
0x3b: {  	[sflag:s18] =	ssyncset.done $0x0  }
.Ltmp0:
0x3c: {  	s24 =	sadd.s32 $0x2080, s23;
	[sflag:s18] =	ssyncadd.s32 $0xFFFFC000;
	(pc) =	sbr.rel @p0 .LBB2_2-.Ltmp0, $4  }
0x3d: {  	[spmem:s2] =	stream.indirect.scatter.add.f32 [tilespmem:s16], [sflag:$0x3], $0x80, s24, s14, $0xb8;
	[tilespmem:$0x1C000] =	vst v63  }
0x3e: {  	_ =	swait.ge [sflag:s12], $0x4000  }
0x3f: {  	[sflag:s12] =	ssyncset.done $0x0  }
0x40: {  	s23 =	sadd.s32 $0x180, s23;
	[sflag:s12] =	ssyncadd.s32 $0xFFFFC000  }
0x41: {  	[tilespmem:s16], [sflag:$0x2] =	stream.indirect.gather [hbm4b:s4+s14], $0x80, s23, s14, $0xb8;
	[tilespmem:$0x1C000] =	vst v63  }
0x42: {  	_ =	swait.ge [sflag:s17], $0x4000  }
0x43: {  	[sflag:s17] =	ssyncset.done $0x0  }
0x44: {  	[sflag:s17] =	ssyncadd.s32 $0xFFFFC000  }
0x45: {  	[spmem:s2] =	stream.indirect.scatter.add.f32 [tilespmem:s15], [sflag:$0x3], $0x80, s19, s14, $0xb8;
	[tilespmem:$0x1C000] =	vst v63  }
0x46: {  	_ =	swait.ge [sflag:s12], $0x4000  }
0x47: {  	[sflag:s12] =	ssyncset.done $0x0  }
0x48: {  	[sflag:s12] =	ssyncadd.s32 $0xFFFFC000  }
0x49: {  	_ =	swait.ge [sflag:s18], $0x4000  }
0x4a: {  	[sflag:s18] =	ssyncset.done $0x0  }
0x4b: {  	[sflag:s18] =	ssyncadd.s32 $0xFFFFC000  }
0x4c: {  	[spmem:s2] =	stream.indirect.scatter.add.f32 [tilespmem:s16], [sflag:$0x3], $0x80, s20, s14, $0xb8;
	[tilespmem:$0x1C000] =	vst v63  }
0x4d: {  	_ =	swait.ge [sflag:s12], $0x4000  }
0x4e: {  	s21 =	sadd.s32 $0x1, s21;
	[sflag:s12] =	ssyncset.done $0x0  }
0x4f: {  	p0 =	sne.s32 s21, s10;
	[sflag:s12] =	ssyncadd.s32 $0xFFFFC000  }
.Ltmp1:
0x50: {  	[bflag:$0x0] =	sbarrier.arrive $0xFFFF;
	(pc) =	sbr.rel @p0 .LBB2_1-.Ltmp1, $4  }
0x51: {  	[hbm:s9], [sflag:s6] =	dma.local [spmem:s11], $0x2000  }
0x52: {  	_ =	swait.ge [sflag:s12], $0x2000  }
0x53: {  	[sflag:s12] =	ssyncset.done $0x0  }
0x54: {  	[sflag:s12] =	ssyncadd.s32 $0xFFFFE000  }
0x55: {  	_ =	sfence.sel $0x180000  }
0x56: {  	[bflag:$0x0] =	sbarrier.arrive $0xFFFF  }
0x57: {  	p0 =	sne.s32 s1, $0x0;
	_ =	strace $0x9000004A  }
0x58: {  	s0 =	sadd.s32 @!p0 $0x100000, s0;
	[bflag:$0x2] =	sbarrier.arrive $0xFFFF  }
0x59: {  	[sflag:s0] =	ssyncadd.tile.s32 @!p0 $0x1;
	_ =	shalt  }
.Lfunc_end2:
_tile_overlayer_lowered:
.L_overlay_start_2:
0x5a: {  	(tag) =	ssettag $0x2  }
0x5b: {  	s0 =	rddreg [dreg:$0x0];
	s2 =	stileid.u32  }
0x5c: {  	s1 =	rddreg [dreg:$0x1];
	p0 =	sne.s32 s2, $0x0  }
0x5d: {  	s3 =	rddreg [dreg:$0x2];
	[bflag:$0x3] =	sbarrier.arrive $0xFFFF;
	s2 =	simm.s32 @!p0 $0x1C03  }
0x5e: {  	[timem:s3], [sflag:s2] =	dma.local @!p0 [hbm:s0], s1  }
0x5f: {  	s0 =	simm.s32 @!p0 $0x3  }
0x60: {  	_ =	swait.ge @!p0 [sflag:s0], s1  }
0x61: {  	s1 =	ssub.s32 @!p0 $0x0, s1;
	[sflag:s0] =	ssyncset.done @!p0 $0x0  }
0x62: {  	[sflag:s0] =	ssyncadd.s32 @!p0 s1  }
0x63: {  	[bflag:$0x3] =	sbarrier.arrive $0xFFFF  }
0x64: {  	_ =	shalt  }

// kernel: kernel.19.cloned.1.call-start
scs
__scs_entry_jumppad:
0x0: {  	(pc) =	sbr.rel $0x88, $3  }
0x1: {  	(tag) =	ssettag $0x0;
	lr =	simm.s32 $0x1  }
0x2: {  	[smem:$0x3F9A] =	sst lr;
	_ =	strace $0xD0000000  }
0x3: {  	_ = 	snop  }
0x4: {  	_ = 	snop  }
0x5: {  	_ = 	snop  }
0x6: {  	_ = 	snop  }
0x7: {  	_ = 	snop  }
__scs_overlays_trampoline_lowered:
0x8: {  	[smem:$0x3FA9] =	sst s0  }
0x9: {  	[smem:$0x3FAA] =	sst s1  }
0xa: {  	[smem:$0x3FAB] =	sst s2  }
0xb: {  	[smem:$0x3FAC] =	sst s3  }
0xc: {  	[smem:$0x3FAD] =	sst s4  }
0xd: {  	[smem:$0x3FAE] =	sst s5  }
0xe: {  	[smem:$0x3FAF] =	sst s6  }
0xf: {  	[smem:$0x3FB0] =	sst s7  }
0x10: {  	[smem:$0x3FB1] =	sst s8  }
0x11: {  	[smem:$0x3FB2] =	sst s9;
	s0 =	simm.s32 @!p0 $0x0  }
0x12: {  	s1 =	sld [smem:$0x3F98];
	s0 =	simm.s32 @p0 $0x1  }
0x13: {  	[smem:$0x3FB3] =	sst s0;
	s0 =	simm.s32 @!p1 $0x0  }
0x14: {  	s2 =	sld [smem:$0x3F97];
	s0 =	simm.s32 @p1 $0x1  }
0x15: {  	[smem:$0x3FB4] =	sst s0;
	s0 =	simm.s32 @!p2 $0x0  }
0x16: {  	s3 =	sld [smem:$0x3FDB];
	s0 =	simm.s32 @p2 $0x1  }
0x17: {  	s4 =	simm.s32 $0x1BF5;
	[smem:$0x3FB6] =	sst s0  }
0x18: {  	s0 =	sld [smem:$0x3F99];
	_ =	swait.ge [sflag:s4], $0x0  }
0x19: {  	s7 =	sld [smem:$0x3F9A]  }
0x1a: {  	s8 =	sadd.s32 $0xFFFFE003, lr  }
0x1b: {  	s9 =	sadd.s32 $0xFFFFFEF7, lr;
	s5 =	simm.s32 $0xFFFFFFFF;
	p2 =	slt.u32 s8, $0xFFFFF086  }
0x1c: {  	p1 =	slt.u32 s9, $0xF7A;
	s5 =	simm.s32 @!p2 $0x0  }
0x1d: {  	s5 =	simm.s32 @p1 $0x1;
	p0 =	seq.s32 s7, s2  }
0x1e: {  	s7 =	smul.u32 @!p0 $0xF7A, s2;
	p2 =	seq.s32 @!p0 s5, $0x0  }
0x1f: {  	s9 =	smul.u32 $0xF7A, s1;
	s8 =	simm.s32 @!p0 $0x1BF5;
	p2 =	por !p2, p0  }
0x20: {  	[sflag:s8] =	ssyncset.s32 @!p0 $0xFFFFF086;
	s6 =	sadd.s32 @!p0 s3, s7;
	s7 =	simm.s32 @!p0 $0x108  }
0x21: {  	s3 =	sadd.s32 s3, s9;
	s6 =	sadd.s32 @!p0 $0x88, s6;
	s7 =	simm.s32 @p2 $0x1082  }
0x22: {  	[simem:s7], [sflag:s8] =	dma.local @!p0 [hbm:s6], $0xF7A  }
0x23: {  	s9 =	sor.u32 $0xD0000000, s2;
	s6 =	simm.s32 $0x108;
	_ =	swait.ge @!p0 [sflag:s8], $0x0  }
0x24: {  	s3 =	sadd.s32 $0x88, s3;
	s6 =	simm.s32 @!p1 $0x1082;
	[sflag:s4] =	ssyncset.s32 $0xFFFFF086  }
0x25: {  	[simem:s6], [sflag:s4] =	dma.local [hbm:s3], $0xF7A  }
0x26: {  	[smem:$0x3F9A] =	sst s1;
	(tag) =	ssettag s2;
	_ =	strace s9  }
0x27: {  	s1 =	sld [smem:$0x3FAA]  }
0x28: {  	s2 =	sld [smem:$0x3FAB]  }
0x29: {  	s4 =	sld [smem:$0x3FAD]  }
0x2a: {  	p0 =	seq.s32 s5, $0x0;
	s5 =	sld [smem:$0x3FAE]  }
0x2b: {  	s6 =	sld [smem:$0x3FAF]  }
0x2c: {  	s7 =	sld [smem:$0x3FB0]  }
0x2d: {  	s3 =	simm.s32 $0x108;
	s8 =	sld [smem:$0x3FB1]  }
0x2e: {  	s3 =	simm.s32 @!p0 $0x1082;
	s9 =	sld [smem:$0x3FB2]  }
0x2f: {  	lr =	sadd.s32 s0, s3;
	s0 =	sld [smem:$0x3FA9]  }
0x30: {  	s3 =	sld [smem:$0x3FAC]  }
0x31: {  	[smem:$0x3FB5] =	sst s10  }
0x32: {  	s10 =	sld [smem:$0x3FB3];
	_ =	sdelay $0x3  }
0x33: {  	p0 =	seq.s32 s10, $0x1;
	s10 =	sld [smem:$0x3FB5];
	_ =	sdelay $0x3  }
0x34: {  	[smem:$0x3FB5] =	sst s10  }
0x35: {  	s10 =	sld [smem:$0x3FB4];
	_ =	sdelay $0x3  }
0x36: {  	p1 =	seq.s32 s10, $0x1;
	s10 =	sld [smem:$0x3FB5];
	_ =	sdelay $0x3  }
0x37: {  	[smem:$0x3FB5] =	sst s10  }
0x38: {  	s10 =	sld [smem:$0x3FB6]  }
0x39: {  	_ = 	snop;
	(pc) =	sbr.ind lr, $3  }
0x3a: {  	_ = 	snop  }
0x3b: {  	_ = 	snop  }
0x3c: {  	p2 =	seq.s32 s10, $0x1;
	s10 =	sld [smem:$0x3FB5]  }
0x3d: {  	_ =	shalt  }
0x3e: {  	_ =	shalt  }
0x3f: {  	_ =	shalt  }
0x40: {  	_ =	shalt  }
0x41: {  	_ =	shalt  }
0x42: {  	_ =	shalt  }
0x43: {  	_ =	shalt  }
0x44: {  	_ =	shalt  }
0x45: {  	_ =	shalt  }
0x46: {  	_ =	shalt  }
0x47: {  	_ =	shalt  }
0x48: {  	_ =	shalt  }
0x49: {  	_ =	shalt  }
0x4a: {  	_ =	shalt  }
0x4b: {  	_ =	shalt  }
0x4c: {  	_ =	shalt  }
0x4d: {  	_ =	shalt  }
0x4e: {  	_ =	shalt  }
0x4f: {  	_ =	shalt  }
0x50: {  	_ =	shalt  }
0x51: {  	_ =	shalt  }
0x52: {  	_ =	shalt  }
0x53: {  	_ =	shalt  }
0x54: {  	_ =	shalt  }
0x55: {  	_ =	shalt  }
0x56: {  	_ =	shalt  }
0x57: {  	_ =	shalt  }
0x58: {  	_ =	shalt  }
0x59: {  	_ =	shalt  }
0x5a: {  	_ =	shalt  }
0x5b: {  	_ =	shalt  }
0x5c: {  	_ =	shalt  }
0x5d: {  	_ =	shalt  }
0x5e: {  	_ =	shalt  }
0x5f: {  	_ =	shalt  }
0x60: {  	_ =	shalt  }
0x61: {  	_ =	shalt  }
0x62: {  	_ =	shalt  }
0x63: {  	_ =	shalt  }
0x64: {  	_ =	shalt  }
0x65: {  	_ =	shalt  }
0x66: {  	_ =	shalt  }
0x67: {  	_ =	shalt  }
0x68: {  	_ =	shalt  }
0x69: {  	_ =	shalt  }
0x6a: {  	_ =	shalt  }
0x6b: {  	_ =	shalt  }
0x6c: {  	_ =	shalt  }
0x6d: {  	_ =	shalt  }
0x6e: {  	_ =	shalt  }
0x6f: {  	_ =	shalt  }
0x70: {  	_ =	shalt  }
0x71: {  	_ =	shalt  }
0x72: {  	_ =	shalt  }
0x73: {  	_ =	shalt  }
0x74: {  	_ =	shalt  }
0x75: {  	_ =	shalt  }
0x76: {  	_ =	shalt  }
0x77: {  	_ =	shalt  }
0x78: {  	_ =	shalt  }
0x79: {  	_ =	shalt  }
0x7a: {  	_ =	shalt  }
0x7b: {  	_ =	shalt  }
0x7c: {  	_ =	shalt  }
0x7d: {  	_ =	shalt  }
0x7e: {  	_ =	shalt  }
0x7f: {  	_ =	shalt  }
0x80: {  	_ =	shalt  }
0x81: {  	_ =	shalt  }
0x82: {  	_ =	shalt  }
0x83: {  	_ =	shalt  }
0x84: {  	_ =	shalt  }
0x85: {  	_ =	shalt  }
0x86: {  	_ =	shalt  }
0x87: {  	_ =	shalt  }
.Lfunc_end0:
.L_simem_size_0:
called_computation.2_lowered:
.L_overlay_start_0:
0x88: {  	s2 =	sld [smem:$0x3FD9]  }
0x89: {  	s3 =	sld [smem:$0x3FFE];
	_ =	sdelay $0x1  }
0x8a: {  	s1 =	srdreg.scid  }
0x8b: {  	s0 =	sand.u32 $0x1, s1  }
0x8c: {  	s17 =	sshll.u32 s0, $0xA;
	s2 =	sadd.s32 s3, s2  }
0x8d: {  	s2 =	sadd.s32 s2, s17  }
0x8e: {  	[smem:$0x3FC1] =	sst s2  }
0x8f: {  	_ = 	snop  }
0x90: {  	s2 =	sld [smem:$0x3FD0];
	(tm) =	ssettm $0x1  }
0x91: {  	s18 =	sld [smem:$0x3FFB];
	_ =	sdelay $0x3  }
0x92: {  	_ =	strace s18  }
0x93: {  	s3 =	sld [smem:$0x3FFC];
	_ =	sdelay $0x3  }
0x94: {  	_ =	strace s3  }
0x95: {  	s3 =	sld [smem:$0x3FFD];
	_ =	sdelay $0x3  }
0x96: {  	_ =	strace s3  }
0x97: {  	_ =	strace $0x8FFFFFFF  }
0x98: {  	s19 =	sld [smem:$0x3FDB];
	_ =	sdelay $0x1  }
0x99: {  	s4 =	simm.s32 $_scs_section_size  }
0x9a: {  	s5 =	simm.s32 $_size__tile_overlayer_lowered;
	s6 =	simm.s32 $_tile_overlayer_lowered  }
0x9b: {  	s22 =	simm.s32 $0x1BFF;
	s21 =	sshll.u32 s6, $0x1;
	s3 =	sadd.s32 s4, s19  }
0x9c: {  	s7 =	simm.s32 $0x0;
	s20 =	sshll.u32 s5, $0x1;
	s5 =	sadd.s32 s21, s3  }
0x9d: {  	[timem:s7], [sflag:s22] =	dma.local [hbm:s5], s20  }
0x9e: {  	_ =	swait.ge [sflag:s22], s20  }
0x9f: {  	s4 =	ssub.s32 $0x0, s20;
	[sflag:s22] =	ssyncset.done $0x0  }
0xa0: {  	[sflag:s22] =	ssyncadd.s32 s4;
	_ =	sdelay $0x1  }
0xa1: {  	s23 =	simm.s32 $0x1B8B  }
0xa2: {  	_ =	swait.ge [sflag:s23], $0x1  }
0xa3: {  	[sflag:s23] =	ssyncset.done $0x0  }
0xa4: {  	s25 =	simm.s32 $0x1B8E;
	s24 =	sld [smem:$0x3FFE];
	[sflag:s23] =	ssyncadd.s32 $0xFFFFFFFF  }
0xa5: {  	s26 =	simm.s32 $execute0_lowered;
	[smem:$0x3FD2] =	sst s25  }
0xa6: {  	s5 =	sshll.u32 s26, $0x1;
	_ =	strace $0x8000004C;
	[dreg:$0x1] =	wrdreg $0xFFFFFFFF  }
0xa7: {  	s28 =	simm.s32 $_size_execute0_lowered;
	s3 =	sadd.s32 s3, s5;
	[dreg:$0x0] =	wrdreg $0x0  }
0xa8: {  	s5 =	sshll.u32 s28, $0x1;
	[dreg:$0x2] =	wrdreg s3  }
0xa9: {  	[dreg:$0x3] =	wrdreg s5  }
0xaa: {  	[dreg:$0x4] =	wrdreg $0xC0  }
0xab: {  	_ =	task [dreg:s7], $0x5FFFF  }
0xac: {  	[dreg:$0x1] =	wrdreg $0xFFFFFFFF  }
0xad: {  	[dreg:$0x0] =	wrdreg $0x60  }
0xae: {  	[dreg:$0x2] =	wrdreg s24  }
0xaf: {  	[dreg:$0x3] =	wrdreg s2  }
0xb0: {  	[dreg:$0x4] =	wrdreg $0xA0000  }
0xb1: {  	[dreg:$0x5] =	wrdreg $0x9  }
0xb2: {  	_ =	task.clear_ibuf [dreg:s7], $0x6FFFF;
	_ =	strace $0x9000004C  }
0xb3: {  	s29 =	simm.s32 $0x9;
	_ =	strace $0x8000004E  }
0xb4: {  	_ =	swait.ge [sflag:s29], $0x1  }
0xb5: {  	[sflag:s29] =	ssyncadd.s32 $0xFFFFFFFF  }
0xb6: {  	_ =	strace $0x9000004E  }
0xb7: {  	_ =	sfence  }
0xb8: {  	s30 =	sld [smem:$0x0];
	_ =	sdelay $0x2  }
0xb9: {  	s31 =	sshll.u32 s1, $0xD;
	s1 =	sshrl.u32 s1, $0x2  }
0xba: {  	s3 =	sand.u32 $0x4000, s31;
	s1 =	sadd.s32 s1, s30  }
0xbb: {  	s0 =	sor.u32 s3, s0;
	s1 =	sshll.u32 s1, $0x11  }
0xbc: {  	s0 =	sor.u32 s1, s0  }
0xbd: {  	s0 =	sadd.s32 $0x8F2B, s0  }
0xbe: {  	[sflag:s0] =	ssyncadd.remote.s32 $0x1  }
0xbf: {  	_ =	sfence.sel $0xFFFF  }
0xc0: {  	[dreg:$0x0] =	wrdreg $0xFFFFFFFF;
	(pc) =	sbr.abs _section_cstart, $3  }
0xc1: {  	[dreg:$0x1] =	wrdreg $0xFFFFFFFF  }
0xc2: {  	_ =	task.clear_ibuf [dreg:s7], $0x2FFFF;
	_ =	strace $0x9FFFFFFF  }
0xc3: {  	(tm) =	ssettm $0x7FFFFFFF  }
tec
execute0_lowered:
.L_overlay_start_1:
0x0: {  	(tag) =	ssettag $0x1  }
0x1: {  	s5 =	rddreg [dreg:$0x0]  }
0x2: {  	s7 =	rddreg [dreg:$0x1]  }
0x3: {  	s2 =	rddreg [dreg:$0x2]  }
0x4: {  	s0 =	rddreg [dreg:$0x3];
	s4 =	srdreg.scid  }
0x5: {  	s3 =	simm.s32 $0x0;
	s1 =	stileid.u32;
	s14 =	simm.s32 $0x80  }
0x6: {  	s15 =	simm.s32 $0x2000;
	s16 =	simm.s32 $0x6000;
	s17 =	simm.s32 $0x1  }
0x7: {  	s18 =	simm.s32 $0x2;
	s19 =	simm.s32 $0x1F00;
	s20 =	simm.s32 $0x1F80  }
0x8: {  	s21 =	simm.s32 $0x0;
	s8 =	sand.u32 $0x1, s4;
	[smem:$0x7FF] =	sst s3  }
0x9: {  	s26 =	sshll.u32 s1, $0xA;
	s4 =	sadd.s32 $0xD400, s5;
	s29 =	sshll.u32 s1, $0xF  }
0xa: {  	s30 =	sshll.u32 s1, $0x6;
	s31 =	sshll.u32 s1, $0xC;
	s6 =	sshll.u32 s8, $0x9  }
0xb: {  	_ =	strace $0x8000004D;
	s9 =	ssub.s32 $0x2, s8;
	s12 =	sadd.s32 s29, s2  }
0xc: {  	s13 =	sshll.u32 s8, $0x10;
	s6 =	sor.u32 s6, s26;
	s28 =	sshrl.u32 s9, $0x1  }
0xd: {  	s10 =	sadd.s32 s6, s5;
	s5 =	sadd.s32 $0xC400, s5;
	s11 =	ssub.s32 s9, s28  }
0xe: {  	s6 =	sor.u32 $0x1C03, s30;
	s9 =	sadd.s32 s7, s31;
	s7 =	sadd.s32 $0x3C00, s10  }
0xf: {  	s8 =	sadd.s32 $0x7C00, s10;
	s9 =	sadd.s32 s13, s9;
	s10 =	smax.u32 s11, $0x1  }
0x10: {  	s11 =	sshrl.u32 s12, $0x3;
	s12 =	simm.s32 $0x3;
	s13 =	simm.s32 $0x1000  }
.LBB2_1:
0x11: {  	[spmem:s11], [sflag:s6] =	dma.local [hbm:s5], $0x1000  }
0x12: {  	_ =	swait.ge [sflag:s12], $0x1000  }
0x13: {  	[sflag:s12] =	ssyncset.done $0x0  }
0x14: {  	[sflag:s12] =	ssyncadd.s32 $0xFFFFF000  }
0x15: {  	[tilespmem:s13], [sflag:$0x3] =	stream.linear.gather [hbm4b:s7+s3], $0x1000, $0x38;
	[tilespmem:$0x12000] =	vst v63  }
0x16: {  	_ =	swait.ge [sflag:s12], $0x1000  }
0x17: {  	[sflag:s12] =	ssyncset.done $0x0  }
0x18: {  	[sflag:s12] =	ssyncadd.s32 $0xFFFFF000  }
0x19: {  	[tilespmem:s3], [sflag:$0x3] =	stream.linear.gather [hbm4b:s8+s3], $0x1000, $0x38;
	[tilespmem:$0x12000] =	vst v63  }
0x1a: {  	_ =	swait.ge [sflag:s12], $0x1000  }
0x1b: {  	[sflag:s12] =	ssyncset.done $0x0  }
0x1c: {  	[sflag:s12] =	ssyncadd.s32 $0xFFFFF000  }
0x1d: {  	[bflag:$0x0] =	sbarrier.arrive $0xFFFF  }
0x1e: {  	[tilespmem:s15], [sflag:$0x1] =	stream.indirect.gather [hbm4b:s4+s14], $0x80, s3, s14, $0xb8;
	[tilespmem:$0x12000] =	vst v63  }
0x1f: {  	_ = 	snop  }
0x20: {  	[tilespmem:s16], [sflag:$0x2] =	stream.indirect.gather [hbm4b:s4+s14], $0x80, s14, s14, $0xb8;
	[tilespmem:$0x12000] =	vst v63  }
0x21: {  	_ =	swait.ge [sflag:s17], $0x4000  }
0x22: {  	[sflag:s17] =	ssyncset.done $0x0  }
0x23: {  	s22 =	simm.s32 $0x1000;
	[sflag:s17] =	ssyncadd.s32 $0xFFFFC000  }
0x24: {  	[spmem:s2] =	stream.indirect.scatter.add.f32 [tilespmem:s15], [sflag:$0x3], $0x80, s22, s14, $0xb8;
	[tilespmem:$0x12000] =	vst v63  }
0x25: {  	_ =	swait.ge [sflag:s12], $0x4000  }
0x26: {  	[sflag:s12] =	ssyncset.done $0x0  }
0x27: {  	s30 =	simm.s32 $0x100;
	[sflag:s12] =	ssyncadd.s32 $0xFFFFC000  }
0x28: {  	[tilespmem:s15], [sflag:$0x1] =	stream.indirect.gather [hbm4b:s4+s14], $0x80, s30, s14, $0xb8;
	[tilespmem:$0x12000] =	vst v63  }
0x29: {  	_ =	swait.ge [sflag:s18], $0x4000  }
0x2a: {  	[sflag:s18] =	ssyncset.done $0x0  }
0x2b: {  	s31 =	simm.s32 $0x1080;
	[sflag:s18] =	ssyncadd.s32 $0xFFFFC000  }
0x2c: {  	[spmem:s2] =	stream.indirect.scatter.add.f32 [tilespmem:s16], [sflag:$0x3], $0x80, s31, s14, $0xb8;
	[tilespmem:$0x12000] =	vst v63  }
0x2d: {  	_ =	swait.ge [sflag:s12], $0x4000  }
0x2e: {  	[sflag:s12] =	ssyncset.done $0x0  }
0x2f: {  	s23 =	simm.s32 $0x180;
	s22 =	simm.s32 $0x400;
	[sflag:s12] =	ssyncadd.s32 $0xFFFFC000  }
.LBB2_2:
0x30: {  	[tilespmem:s16], [sflag:$0x2] =	stream.indirect.gather [hbm4b:s4+s14], $0x80, s23, s14, $0xb8;
	[tilespmem:$0x12000] =	vst v63  }
0x31: {  	s23 =	smov.u32 s22  }
0x32: {  	p0 =	sne.s32 s22, $0x3800;
	s22 =	sadd.s32 $0x400, s22;
	_ =	swait.ge [sflag:s17], $0x4000  }
0x33: {  	s23 =	sshra.s32 s23, $0x2;
	[sflag:s17] =	ssyncset.done $0x0  }
0x34: {  	s24 =	sadd.s32 $0x1000, s23;
	[sflag:s17] =	ssyncadd.s32 $0xFFFFC000  }
0x35: {  	[spmem:s2] =	stream.indirect.scatter.add.f32 [tilespmem:s15], [sflag:$0x3], $0x80, s24, s14, $0xb8;
	[tilespmem:$0x12000] =	vst v63  }
0x36: {  	_ =	swait.ge [sflag:s12], $0x4000  }
0x37: {  	[sflag:s12] =	ssyncset.done $0x0  }
0x38: {  	s24 =	sadd.s32 $0x100, s23;
	[sflag:s12] =	ssyncadd.s32 $0xFFFFC000  }
0x39: {  	[tilespmem:s15], [sflag:$0x1] =	stream.indirect.gather [hbm4b:s4+s14], $0x80, s24, s14, $0xb8;
	[tilespmem:$0x12000] =	vst v63  }
0x3a: {  	_ =	swait.ge [sflag:s18], $0x4000  }
0x3b: {  	[sflag:s18] =	ssyncset.done $0x0  }
.Ltmp0:
0x3c: {  	s24 =	sadd.s32 $0x1080, s23;
	[sflag:s18] =	ssyncadd.s32 $0xFFFFC000;
	(pc) =	sbr.rel @p0 .LBB2_2-.Ltmp0, $4  }
0x3d: {  	[spmem:s2] =	stream.indirect.scatter.add.f32 [tilespmem:s16], [sflag:$0x3], $0x80, s24, s14, $0xb8;
	[tilespmem:$0x12000] =	vst v63  }
0x3e: {  	_ =	swait.ge [sflag:s12], $0x4000  }
0x3f: {  	[sflag:s12] =	ssyncset.done $0x0  }
0x40: {  	s23 =	sadd.s32 $0x180, s23;
	[sflag:s12] =	ssyncadd.s32 $0xFFFFC000  }
0x41: {  	[tilespmem:s16], [sflag:$0x2] =	stream.indirect.gather [hbm4b:s4+s14], $0x80, s23, s14, $0xb8;
	[tilespmem:$0x12000] =	vst v63  }
0x42: {  	_ =	swait.ge [sflag:s17], $0x4000  }
0x43: {  	[sflag:s17] =	ssyncset.done $0x0  }
0x44: {  	[sflag:s17] =	ssyncadd.s32 $0xFFFFC000  }
0x45: {  	[spmem:s2] =	stream.indirect.scatter.add.f32 [tilespmem:s15], [sflag:$0x3], $0x80, s19, s14, $0xb8;
	[tilespmem:$0x12000] =	vst v63  }
0x46: {  	_ =	swait.ge [sflag:s12], $0x4000  }
0x47: {  	[sflag:s12] =	ssyncset.done $0x0  }
0x48: {  	[sflag:s12] =	ssyncadd.s32 $0xFFFFC000  }
0x49: {  	_ =	swait.ge [sflag:s18], $0x4000  }
0x4a: {  	[sflag:s18] =	ssyncset.done $0x0  }
0x4b: {  	[sflag:s18] =	ssyncadd.s32 $0xFFFFC000  }
0x4c: {  	[spmem:s2] =	stream.indirect.scatter.add.f32 [tilespmem:s16], [sflag:$0x3], $0x80, s20, s14, $0xb8;
	[tilespmem:$0x12000] =	vst v63  }
0x4d: {  	_ =	swait.ge [sflag:s12], $0x4000  }
0x4e: {  	s21 =	sadd.s32 $0x1, s21;
	[sflag:s12] =	ssyncset.done $0x0  }
0x4f: {  	p0 =	sne.s32 s21, s10;
	[sflag:s12] =	ssyncadd.s32 $0xFFFFC000  }
.Ltmp1:
0x50: {  	[bflag:$0x0] =	sbarrier.arrive $0xFFFF;
	(pc) =	sbr.rel @p0 .LBB2_1-.Ltmp1, $4  }
0x51: {  	[hbm:s9], [sflag:s6] =	dma.local [spmem:s11], $0x1000  }
0x52: {  	_ =	swait.ge [sflag:s12], $0x1000  }
0x53: {  	[sflag:s12] =	ssyncset.done $0x0  }
0x54: {  	[sflag:s12] =	ssyncadd.s32 $0xFFFFF000  }
0x55: {  	_ =	sfence.sel $0x180000  }
0x56: {  	[bflag:$0x0] =	sbarrier.arrive $0xFFFF  }
0x57: {  	p0 =	sne.s32 s1, $0x0;
	_ =	strace $0x9000004D  }
0x58: {  	s0 =	sadd.s32 @!p0 $0x100000, s0;
	[bflag:$0x2] =	sbarrier.arrive $0xFFFF  }
0x59: {  	[sflag:s0] =	ssyncadd.tile.s32 @!p0 $0x1;
	_ =	shalt  }
.Lfunc_end2:
_tile_overlayer_lowered:
.L_overlay_start_2:
0x5a: {  	(tag) =	ssettag $0x2  }
0x5b: {  	s0 =	rddreg [dreg:$0x0];
	s2 =	stileid.u32  }
0x5c: {  	s1 =	rddreg [dreg:$0x1];
	p0 =	sne.s32 s2, $0x0  }
0x5d: {  	s3 =	rddreg [dreg:$0x2];
	[bflag:$0x3] =	sbarrier.arrive $0xFFFF;
	s2 =	simm.s32 @!p0 $0x1C03  }
0x5e: {  	[timem:s3], [sflag:s2] =	dma.local @!p0 [hbm:s0], s1  }
0x5f: {  	s0 =	simm.s32 @!p0 $0x3  }
0x60: {  	_ =	swait.ge @!p0 [sflag:s0], s1  }
0x61: {  	s1 =	ssub.s32 @!p0 $0x0, s1;
	[sflag:s0] =	ssyncset.done @!p0 $0x0  }
0x62: {  	[sflag:s0] =	ssyncadd.s32 @!p0 s1  }
0x63: {  	[bflag:$0x3] =	sbarrier.arrive $0xFFFF  }
0x64: {  	_ =	shalt  }

</sc_bundles>
